<compile_context>
chip_gen: v7x
topology: tpu7x:2x2x1
jax: 0.10.2.dev20260603
libtpu: 0.0.44.dev20260713+nightly
codegen_flags: <defaults>
</compile_context>

<pallas_src>
import jax
import jax.numpy as jnp
from jax import lax
from jax.experimental import pallas as pl
from jax.experimental.pallas import tpu as pltpu
from jax.experimental.pallas import tpu_sc as plsc

_N = 10000
_E = 320000
_DIN = 128
_DH = 128
_DOUT = 64
_EPS = 1e-5

_NC = 2
_NS = 16
_NW = _NC * _NS
_EW = _E // _NW
_K = 80
_NCH = _EW // _K
_NP = 10240
_RS = _NP // _NS

_mesh = plsc.VectorSubcoreMesh(core_axis_name="c", subcore_axis_name="s")


def _sc_deg(dst, zD, onesD):
    D = _DH

    def body(dst_hbm, zD_hbm, ones_hbm, deg_out, dega, dst_v, ones_v):
        c = lax.axis_index("c")
        s = lax.axis_index("s")
        wid = s * _NC + c
        pltpu.sync_copy(zD_hbm, dega.at[pl.ds(s * _RS, _RS)])
        pltpu.sync_copy(ones_hbm, ones_v)
        plsc.subcore_barrier()
        base0 = wid * _EW

        @pl.loop(0, _NCH)
        def _step(i):
            base = base0 + i * _K
            pltpu.sync_copy(dst_hbm.at[pl.ds(base, _K)], dst_v)
            pltpu.sync_copy(ones_v, dega.at[dst_v], add=True)

        plsc.subcore_barrier()
        pltpu.sync_copy(dega.at[pl.ds(s * _RS, _RS)],
                        deg_out.at[pl.ds(c * _NP + s * _RS, _RS)])

    fn = pl.kernel(
        body,
        out_type=jax.ShapeDtypeStruct((_NC * _NP, D), jnp.float32),
        mesh=_mesh,
        scratch_types=(
            pltpu.VMEM_SHARED((_NP, D), jnp.float32),
            pltpu.VMEM((_K,), jnp.int32),
            pltpu.VMEM((_K, D), jnp.float32),
        ),
    )
    return fn(dst, zD, onesD).reshape(_NC, _NP, D)


def _sc_agg(y, src, dst, zD, D):

    def body(y_hbm, src_hbm, dst_hbm, zD_hbm, part_out,
             acc, src_v, dst_v, rows_v, gsem0, gsem1):
        c = lax.axis_index("c")
        s = lax.axis_index("s")
        wid = s * _NC + c
        pltpu.sync_copy(zD_hbm, acc.at[pl.ds(s * _RS, _RS)])
        plsc.subcore_barrier()
        base0 = wid * _EW
        gsem = (gsem0, gsem1)

        def load_and_gather(cc, b):
            base = base0 + cc * _K
            pltpu.sync_copy(src_hbm.at[pl.ds(base, _K)], src_v.at[b])
            pltpu.sync_copy(dst_hbm.at[pl.ds(base, _K)], dst_v.at[b])
            pltpu.async_copy(y_hbm.at[src_v.at[b]], rows_v.at[b], gsem[b])

        def drain(b):
            pltpu.make_async_copy(y_hbm.at[src_v.at[b]], rows_v.at[b],
                                  gsem[b]).wait()
            pltpu.sync_copy(rows_v.at[b], acc.at[dst_v.at[b]], add=True)

        load_and_gather(0, 0)

        @pl.loop(0, (_NCH - 1) // 2)
        def _pair(g):
            c1 = 1 + 2 * g
            load_and_gather(c1, 1)
            drain(0)
            load_and_gather(c1 + 1, 0)
            drain(1)

        drain(0)
        plsc.subcore_barrier()
        pltpu.sync_copy(acc.at[pl.ds(s * _RS, _RS)],
                        part_out.at[pl.ds(c * _NP + s * _RS, _RS)])

    fn = pl.kernel(
        body,
        out_type=jax.ShapeDtypeStruct((_NC * _NP, D), jnp.float32),
        mesh=_mesh,
        scratch_types=(
            pltpu.VMEM_SHARED((_NP, D), jnp.float32),
            pltpu.VMEM((2, _K), jnp.int32),
            pltpu.VMEM((2, _K), jnp.int32),
            pltpu.VMEM((2, _K, D), jnp.float32),
            pltpu.SemaphoreType.DMA,
            pltpu.SemaphoreType.DMA,
        ),
    )
    return fn(y, src, dst, zD).reshape(_NC, _NP, D)


_B = 1000


def _tc_first(x, wlT, wrT, bl2):

    def body(x_ref, wl_ref, wr_ref, bl_ref, y_ref, r_ref):
        xb = x_ref[...]
        y_ref[...] = jnp.dot(xb, wl_ref[...], preferred_element_type=jnp.float32)
        r_ref[...] = (jnp.dot(xb, wr_ref[...], preferred_element_type=jnp.float32)
                      + bl_ref[...])

    return pl.pallas_call(
        body,
        grid=(_N // _B,),
        in_specs=[
            pl.BlockSpec((_B, _DIN), lambda i: (i, 0)),
            pl.BlockSpec((_DIN, _DH), lambda i: (0, 0)),
            pl.BlockSpec((_DIN, _DH), lambda i: (0, 0)),
            pl.BlockSpec((1, _DH), lambda i: (0, 0)),
        ],
        out_specs=[
            pl.BlockSpec((_B, _DH), lambda i: (i, 0)),
            pl.BlockSpec((_B, _DH), lambda i: (i, 0)),
        ],
        out_shape=[
            jax.ShapeDtypeStruct((_N, _DH), jnp.float32),
            jax.ShapeDtypeStruct((_N, _DH), jnp.float32),
        ],
    )(x, wlT, wrT, bl2)


def _tc_combine(p, dp, r, wlT, wrT, bl2, g2, b2, Dn):
    D = _DH

    def body(p_ref, dp_ref, r_ref, wl_ref, wr_ref, bl_ref, g_ref, b_ref,
             y_ref, r2_ref):
        ssum = p_ref[0] + p_ref[1]
        deg = dp_ref[0, :, 0:1] + dp_ref[1, :, 0:1]
        inv = 1.0 / jnp.maximum(deg, 1.0)
        h = ssum * inv + r_ref[...]
        h = h * g_ref[...] + b_ref[...]
        h = jnp.maximum(h, 0.0)
        y_ref[...] = jnp.dot(h, wl_ref[...], preferred_element_type=jnp.float32)
        r2_ref[...] = (jnp.dot(h, wr_ref[...], preferred_element_type=jnp.float32)
                       + bl_ref[...])

    return pl.pallas_call(
        body,
        grid=(_N // _B,),
        in_specs=[
            pl.BlockSpec((_NC, _B, D), lambda i: (0, i, 0)),
            pl.BlockSpec((_NC, _B, _DH), lambda i: (0, i, 0)),
            pl.BlockSpec((_B, D), lambda i: (i, 0)),
            pl.BlockSpec((D, Dn), lambda i: (0, 0)),
            pl.BlockSpec((D, Dn), lambda i: (0, 0)),
            pl.BlockSpec((1, Dn), lambda i: (0, 0)),
            pl.BlockSpec((1, D), lambda i: (0, 0)),
            pl.BlockSpec((1, D), lambda i: (0, 0)),
        ],
        out_specs=[
            pl.BlockSpec((_B, Dn), lambda i: (i, 0)),
            pl.BlockSpec((_B, Dn), lambda i: (i, 0)),
        ],
        out_shape=[
            jax.ShapeDtypeStruct((_N, Dn), jnp.float32),
            jax.ShapeDtypeStruct((_N, Dn), jnp.float32),
        ],
    )(p, dp, r, wlT, wrT, bl2, g2, b2)


def _tc_combine_h(p, dp, r, wrT, bl2, g2, b2):
    D = _DH

    def body(p_ref, dp_ref, r_ref, wr_ref, bl_ref, g_ref, b_ref,
             h_ref, r2_ref):
        ssum = p_ref[0] + p_ref[1]
        deg = dp_ref[0, :, 0:1] + dp_ref[1, :, 0:1]
        inv = 1.0 / jnp.maximum(deg, 1.0)
        h = ssum * inv + r_ref[...]
        h = h * g_ref[...] + b_ref[...]
        h = jnp.maximum(h, 0.0)
        h_ref[...] = h
        r2_ref[...] = (jnp.dot(h, wr_ref[...], preferred_element_type=jnp.float32)
                       + bl_ref[...])

    return pl.pallas_call(
        body,
        grid=(_N // _B,),
        in_specs=[
            pl.BlockSpec((_NC, _B, D), lambda i: (0, i, 0)),
            pl.BlockSpec((_NC, _B, _DH), lambda i: (0, i, 0)),
            pl.BlockSpec((_B, D), lambda i: (i, 0)),
            pl.BlockSpec((D, _DOUT), lambda i: (0, 0)),
            pl.BlockSpec((1, _DOUT), lambda i: (0, 0)),
            pl.BlockSpec((1, D), lambda i: (0, 0)),
            pl.BlockSpec((1, D), lambda i: (0, 0)),
        ],
        out_specs=[
            pl.BlockSpec((_B, D), lambda i: (i, 0)),
            pl.BlockSpec((_B, _DOUT), lambda i: (i, 0)),
        ],
        out_shape=[
            jax.ShapeDtypeStruct((_N, D), jnp.float32),
            jax.ShapeDtypeStruct((_N, _DOUT), jnp.float32),
        ],
    )(p, dp, r, wrT, bl2, g2, b2)


def _tc_final(p, dp, r, wlT, g2, b2):
    D = _DOUT

    def body(p_ref, dp_ref, r_ref, wl_ref, g_ref, b_ref, o_ref):
        ssum = p_ref[0] + p_ref[1]
        deg = dp_ref[0, :, 0:1] + dp_ref[1, :, 0:1]
        inv = 1.0 / jnp.maximum(deg, 1.0)
        agg = ssum * inv
        h = (jnp.dot(agg, wl_ref[...], preferred_element_type=jnp.float32)
             + r_ref[...])
        h = h * g_ref[...] + b_ref[...]
        nrm = jnp.sqrt(jnp.sum(h * h, axis=1, keepdims=True))
        o_ref[...] = h / jnp.maximum(nrm, 1e-12)

    return pl.pallas_call(
        body,
        grid=(_N // _B,),
        in_specs=[
            pl.BlockSpec((_NC, _B, _DH), lambda i: (0, i, 0)),
            pl.BlockSpec((_NC, _B, _DH), lambda i: (0, i, 0)),
            pl.BlockSpec((_B, D), lambda i: (i, 0)),
            pl.BlockSpec((_DH, D), lambda i: (0, 0)),
            pl.BlockSpec((1, D), lambda i: (0, 0)),
            pl.BlockSpec((1, D), lambda i: (0, 0)),
        ],
        out_specs=pl.BlockSpec((_B, D), lambda i: (i, 0)),
        out_shape=jax.ShapeDtypeStruct((_N, D), jnp.float32),
    )(p, dp, r, wlT, g2, b2)


def kernel(x, edge_index, Wl1, bl1, Wr1, g1, b1, Wl2, bl2, Wr2, g2, b2,
           Wl3, bl3, Wr3, g3, b3):
    src3 = edge_index[0]
    dst3 = edge_index[1]
    zD = jnp.zeros((_RS, _DH), jnp.float32)
    onesD = jnp.ones((_K, _DH), jnp.float32)
    bnscale = 1.0 / jnp.sqrt(jnp.float32(1.0 + _EPS))

    y1, r1 = _tc_first(x, Wl1.T, Wr1.T, bl1[None, :])
    p1 = _sc_agg(y1, src3, dst3, zD, _DH)
    dp = _sc_deg(dst3, zD, onesD)
    y2, r2 = _tc_combine(p1, dp, r1, Wl2.T, Wr2.T, bl2[None, :],
                         (g1 * bnscale)[None, :], b1[None, :], _DH)
    p2 = _sc_agg(y2, src3, dst3, zD, _DH)
    h2, r3 = _tc_combine_h(p2, dp, r2, Wr3.T, bl3[None, :],
                           (g2 * bnscale)[None, :], b2[None, :])
    p3 = _sc_agg(h2, src3, dst3, zD, _DH)
    return _tc_final(p3, dp, r3, Wl3.T, (g3 * bnscale)[None, :], b3[None, :])

# --- scband reference (transcript-rebuilt; emitter-appended) ---
"""Pipeline reference for scband-graph-sageencoder-34600256537001 (READ-ONLY COPY).

The authoritative reference and input builder live on the scoring server;
editing this copy changes nothing except your own understanding.
"""

import jax, jax.numpy as jnp
import numpy as np

N = 10000
E = 320000
DIN = 128
DH = 128
DOUT = 64
EPS = 1e-5


def setup_inputs(seed: int = 0) -> dict:
    key = jax.random.key(seed)
    ks = jax.random.split(key, 16)
    x = jax.random.normal(ks[0], (N, DIN), dtype=jnp.float32)
    edge_index = jax.random.randint(ks[1], (2, E), 0, N, dtype=jnp.int32)

    def lin(k, out_d, in_d):
        return jax.random.normal(k, (out_d, in_d), dtype=jnp.float32) * (1.0 / np.sqrt(in_d))

    inp = {
        'x': x,
        'edge_index': edge_index,
        'Wl1': lin(ks[2], DH, DIN), 'bl1': jnp.zeros((DH,), jnp.float32), 'Wr1': lin(ks[3], DH, DIN),
        'g1': jnp.ones((DH,), jnp.float32), 'b1': jnp.zeros((DH,), jnp.float32),
        'Wl2': lin(ks[4], DH, DH), 'bl2': jnp.zeros((DH,), jnp.float32), 'Wr2': lin(ks[5], DH, DH),
        'g2': jnp.ones((DH,), jnp.float32), 'b2': jnp.zeros((DH,), jnp.float32),
        'Wl3': lin(ks[6], DOUT, DH), 'bl3': jnp.zeros((DOUT,), jnp.float32), 'Wr3': lin(ks[7], DOUT, DH),
        'g3': jnp.ones((DOUT,), jnp.float32), 'b3': jnp.zeros((DOUT,), jnp.float32),
    }
    return inp


def _sage_conv(x, edge_index, Wl, bl, Wr):
    # PyG SAGEConv (mean aggr): out = lin_l(mean_{j in N(i)} x_j) + lin_r(x_i)
    src = edge_index[0]
    dst = edge_index[1]
    msg = jnp.take(x, src, axis=0)
    agg_sum = jax.ops.segment_sum(msg, dst, num_segments=N)
    deg = jax.ops.segment_sum(jnp.ones((edge_index.shape[1],), dtype=x.dtype), dst, num_segments=N)
    agg = agg_sum / jnp.clip(deg, 1.0)[:, None]
    return agg @ Wl.T + bl + x @ Wr.T


def _bn_eval(x, g, b):
    # BatchNorm1d in eval mode with running_mean=0, running_var=1
    return x / jnp.sqrt(1.0 + EPS) * g + b


def reference(x, edge_index, Wl1, bl1, Wr1, g1, b1, Wl2, bl2, Wr2, g2, b2, Wl3, bl3, Wr3, g3, b3):
    h = _sage_conv(x, edge_index, Wl1, bl1, Wr1)
    h = _bn_eval(h, g1, b1)
    h = jax.nn.relu(h)  # dropout is identity in eval mode
    h = _sage_conv(h, edge_index, Wl2, bl2, Wr2)
    h = _bn_eval(h, g2, b2)
    h = jax.nn.relu(h)
    h = _sage_conv(h, edge_index, Wl3, bl3, Wr3)
    h = _bn_eval(h, g3, b3)
    nrm = jnp.linalg.norm(h, axis=1, keepdims=True)
    return h / jnp.clip(nrm, 1e-12)

if __name__ == "__main__":
    import jax
    _d = setup_inputs()
    print(jax.jit(kernel)(*tuple(_d.values())))

</pallas_src>

<mosaic_0001>
#map = affine_map<(d0, d1) -> (0)>
#map1 = affine_map<(d0, d1) -> (0, 0)>
module attributes {stable_mosaic.version = 14 : i64} {
  func.func @body(%arg0: i32, %arg1: i32, %arg2: memref<320000xi32, #tpu.memory_space<hbm>>, %arg3: memref<640x128xf32, #tpu.memory_space<hbm>>, %arg4: memref<80x128xf32, #tpu.memory_space<hbm>>, %arg5: memref<20480x128xf32, #tpu.memory_space<hbm>>, %arg6: memref<10240x128xf32, #tpu.memory_space<vmem_shared>>, %arg7: memref<80xi32, #tpu.memory_space<vmem>>, %arg8: memref<80x128xf32, #tpu.memory_space<vmem>>) attributes {dimension_semantics = [#tpu.dimension_semantics<core_parallel>, #tpu.dimension_semantics<subcore_parallel>], iteration_bounds = array<i64: 2, 16>, scalar_prefetch = 0 : i64, scratch_operands = 3 : i64, tpu.core_type = #tpu.core_type<sc_vector_subcore>, window_params = [{transform_indices = #map}, {transform_indices = #map1}, {transform_indices = #map1}, {transform_indices = #map1}]} {
    %mul3A = arith.constant 2 : i32
    %mul3A_0 = arith.muli %arg1, %mul3A : i32
    %add3A = arith.addi %mul3A_0, %arg0 : i32
    %mul3A_1 = arith.constant 640 : i32
    %mul3A_2 = arith.muli %arg1, %mul3A_1 : i32
    "tpu.region"() ({
      %run_scoped3A = tpu.sem_alloc : memref<!tpu.dma_semaphore, #tpu.memory_space<semaphore_mem>>
      %dma_start3A = arith.constant 0 : i32
      %dma_start3A_17 = tpu.memref_slice %arg6[%mul3A_2, %dma_start3A] : memref<10240x128xf32, #tpu.memory_space<vmem_shared>> -> memref<640x128xf32, #tpu.memory_space<vmem_shared>>
      tpu.enqueue_dma source(%arg3 : memref<640x128xf32, #tpu.memory_space<hbm>>) target(%dma_start3A_17 : memref<640x128xf32, #tpu.memory_space<vmem_shared>>) target_semaphore(%run_scoped3A : memref<!tpu.dma_semaphore, #tpu.memory_space<semaphore_mem>>)
      %dma_wait3A = arith.constant 0 : i32
      %dma_wait3A_18 = tpu.memref_slice %arg6[%mul3A_2, %dma_wait3A] : memref<10240x128xf32, #tpu.memory_space<vmem_shared>> -> memref<640x128xf32, #tpu.memory_space<vmem_shared>>
      tpu.wait_dma2 semaphore(%run_scoped3A : memref<!tpu.dma_semaphore, #tpu.memory_space<semaphore_mem>>) src(%arg3 : memref<640x128xf32, #tpu.memory_space<hbm>>) dst(%dma_wait3A_18 : memref<640x128xf32, #tpu.memory_space<vmem_shared>>)
      tpu.yield
    }) : () -> ()
    "tpu.region"() ({
      %run_scoped3A = tpu.sem_alloc : memref<!tpu.dma_semaphore, #tpu.memory_space<semaphore_mem>>
      tpu.enqueue_dma source(%arg4 : memref<80x128xf32, #tpu.memory_space<hbm>>) target(%arg8 : memref<80x128xf32, #tpu.memory_space<vmem>>) target_semaphore(%run_scoped3A : memref<!tpu.dma_semaphore, #tpu.memory_space<semaphore_mem>>)
      tpu.wait_dma2 semaphore(%run_scoped3A : memref<!tpu.dma_semaphore, #tpu.memory_space<semaphore_mem>>) src(%arg4 : memref<80x128xf32, #tpu.memory_space<hbm>>) dst(%arg8 : memref<80x128xf32, #tpu.memory_space<vmem>>)
      tpu.yield
    }) : () -> ()
    %barrier3A = arith.constant 0 : index
    tpu.barrier barrier_id(%barrier3A)
    %mul3A_3 = arith.constant 10000 : i32
    %mul3A_4 = arith.muli %add3A, %mul3A_3 : i32
    %scan3A = arith.constant 0 : i32
    %scan3A_5 = arith.constant 125 : i32
    %scan3A_6 = arith.addi %scan3A, %scan3A_5 : i32
    %scan3A_7 = arith.constant 1 : i32
    scf.for %scan3A_17 = %scan3A to %scan3A_6 step %scan3A_7  : i32 {
      %mul3A_18 = arith.constant 1 : i32
      %mul3A_19 = arith.muli %scan3A_17, %mul3A_18 : i32
      %add3A_20 = arith.constant 0 : i32
      %add3A_21 = arith.addi %add3A_20, %mul3A_19 : i32
      %mul3A_22 = arith.constant 80 : i32
      %mul3A_23 = arith.muli %add3A_21, %mul3A_22 : i32
      %add3A_24 = arith.addi %mul3A_4, %mul3A_23 : i32
      "tpu.region"() ({
        %run_scoped3A = tpu.sem_alloc : memref<!tpu.dma_semaphore, #tpu.memory_space<semaphore_mem>>
        %dma_start3A = tpu.memref_slice %arg2[%add3A_24] : memref<320000xi32, #tpu.memory_space<hbm>> -> memref<80xi32, #tpu.memory_space<hbm>>
        %dma_start3A_25 = tpu.memref_slice %arg2[%add3A_24] : memref<320000xi32, #tpu.memory_space<hbm>> -> memref<80xi32, #tpu.memory_space<hbm>>
        tpu.enqueue_dma source(%dma_start3A_25 : memref<80xi32, #tpu.memory_space<hbm>>) target(%arg7 : memref<80xi32, #tpu.memory_space<vmem>>) target_semaphore(%run_scoped3A : memref<!tpu.dma_semaphore, #tpu.memory_space<semaphore_mem>>)
        %dma_wait3A = tpu.memref_slice %arg2[%add3A_24] : memref<320000xi32, #tpu.memory_space<hbm>> -> memref<80xi32, #tpu.memory_space<hbm>>
        %dma_wait3A_26 = tpu.memref_slice %arg2[%add3A_24] : memref<320000xi32, #tpu.memory_space<hbm>> -> memref<80xi32, #tpu.memory_space<hbm>>
        tpu.wait_dma2 semaphore(%run_scoped3A : memref<!tpu.dma_semaphore, #tpu.memory_space<semaphore_mem>>) src(%dma_wait3A_26 : memref<80xi32, #tpu.memory_space<hbm>>) dst(%arg7 : memref<80xi32, #tpu.memory_space<vmem>>)
        tpu.yield
      }) : () -> ()
      "tpu.region"() ({
        %run_scoped3A = tpu.sem_alloc : memref<!tpu.dma_semaphore, #tpu.memory_space<semaphore_mem>>
        %dma_start3A = arith.constant 0 : i32
        %dma_start3A_25 = arith.constant 0 : i32
        %dma_start3A_26 = tpu.memref_slice %arg6[%dma_start3A, %dma_start3A_25] : memref<10240x128xf32, #tpu.memory_space<vmem_shared>> -> memref<10240x128xf32, #tpu.memory_space<vmem_shared>>
        tpu.enqueue_indirect_dma source(%arg8 : memref<80x128xf32, #tpu.memory_space<vmem>>) target(%dma_start3A_26 : memref<10240x128xf32, #tpu.memory_space<vmem_shared>>) offsets(%arg7 : memref<80xi32, #tpu.memory_space<vmem>>) semaphore(%run_scoped3A : memref<!tpu.dma_semaphore, #tpu.memory_space<semaphore_mem>>) {add = true}
        %dma_wait3A = arith.constant 0 : i32
        %dma_wait3A_27 = arith.constant 0 : i32
        %dma_wait3A_28 = tpu.memref_slice %arg6[%dma_wait3A, %dma_wait3A_27] : memref<10240x128xf32, #tpu.memory_space<vmem_shared>> -> memref<10240x128xf32, #tpu.memory_space<vmem_shared>>
        tpu.wait_indirect_dma semaphore(%run_scoped3A : memref<!tpu.dma_semaphore, #tpu.memory_space<semaphore_mem>>) src(%arg8 : memref<80x128xf32, #tpu.memory_space<vmem>>) dst(%dma_wait3A_28 : memref<10240x128xf32, #tpu.memory_space<vmem_shared>>)
        tpu.yield
      }) : () -> ()
    }
    %scan3A_8 = arith.constant 125 : i32
    %barrier3A_9 = arith.constant 0 : index
    tpu.barrier barrier_id(%barrier3A_9)
    %mul3A_10 = arith.constant 640 : i32
    %mul3A_11 = arith.muli %arg1, %mul3A_10 : i32
    %mul3A_12 = arith.constant 10240 : i32
    %mul3A_13 = arith.muli %arg0, %mul3A_12 : i32
    %mul3A_14 = arith.constant 640 : i32
    %mul3A_15 = arith.muli %arg1, %mul3A_14 : i32
    %add3A_16 = arith.addi %mul3A_13, %mul3A_15 : i32
    "tpu.region"() ({
      %run_scoped3A = tpu.sem_alloc : memref<!tpu.dma_semaphore, #tpu.memory_space<semaphore_mem>>
      %dma_start3A = arith.constant 0 : i32
      %dma_start3A_17 = tpu.memref_slice %arg5[%add3A_16, %dma_start3A] : memref<20480x128xf32, #tpu.memory_space<hbm>> -> memref<640x128xf32, #tpu.memory_space<hbm>>
      %dma_start3A_18 = arith.constant 0 : i32
      %dma_start3A_19 = tpu.memref_slice %arg6[%mul3A_11, %dma_start3A_18] : memref<10240x128xf32, #tpu.memory_space<vmem_shared>> -> memref<640x128xf32, #tpu.memory_space<vmem_shared>>
      tpu.enqueue_dma source(%dma_start3A_19 : memref<640x128xf32, #tpu.memory_space<vmem_shared>>) target(%dma_start3A_17 : memref<640x128xf32, #tpu.memory_space<hbm>>) target_semaphore(%run_scoped3A : memref<!tpu.dma_semaphore, #tpu.memory_space<semaphore_mem>>)
      %dma_wait3A = arith.constant 0 : i32
      %dma_wait3A_20 = tpu.memref_slice %arg5[%add3A_16, %dma_wait3A] : memref<20480x128xf32, #tpu.memory_space<hbm>> -> memref<640x128xf32, #tpu.memory_space<hbm>>
      %dma_wait3A_21 = arith.constant 0 : i32
      %dma_wait3A_22 = tpu.memref_slice %arg6[%mul3A_11, %dma_wait3A_21] : memref<10240x128xf32, #tpu.memory_space<vmem_shared>> -> memref<640x128xf32, #tpu.memory_space<vmem_shared>>
      tpu.wait_dma2 semaphore(%run_scoped3A : memref<!tpu.dma_semaphore, #tpu.memory_space<semaphore_mem>>) src(%dma_wait3A_22 : memref<640x128xf32, #tpu.memory_space<vmem_shared>>) dst(%dma_wait3A_20 : memref<640x128xf32, #tpu.memory_space<hbm>>)
      tpu.yield
    }) : () -> ()
    return
  }
}

#map = affine_map<(d0, d1) -> (0, 0)>
#map1 = affine_map<(d0, d1) -> (0)>
module attributes {stable_mosaic.version = 14 : i64} {
  func.func @body(%arg0: i32, %arg1: i32, %arg2: memref<10000x128xf32, #tpu.memory_space<hbm>>, %arg3: memref<320000xi32, #tpu.memory_space<hbm>>, %arg4: memref<320000xi32, #tpu.memory_space<hbm>>, %arg5: memref<640x128xf32, #tpu.memory_space<hbm>>, %arg6: memref<20480x128xf32, #tpu.memory_space<hbm>>, %arg7: memref<10240x128xf32, #tpu.memory_space<vmem_shared>>, %arg8: memref<2x80xi32, #tpu.memory_space<vmem>>, %arg9: memref<2x80xi32, #tpu.memory_space<vmem>>, %arg10: memref<2x80x128xf32, #tpu.memory_space<vmem>>, %arg11: memref<!tpu.dma_semaphore, #tpu.memory_space<semaphore_mem>>, %arg12: memref<!tpu.dma_semaphore, #tpu.memory_space<semaphore_mem>>) attributes {dimension_semantics = [#tpu.dimension_semantics<core_parallel>, #tpu.dimension_semantics<subcore_parallel>], iteration_bounds = array<i64: 2, 16>, scalar_prefetch = 0 : i64, scratch_operands = 6 : i64, tpu.core_type = #tpu.core_type<sc_vector_subcore>, window_params = [{transform_indices = #map}, {transform_indices = #map1}, {transform_indices = #map1}, {transform_indices = #map}, {transform_indices = #map}]} {
    %mul3A = arith.constant 2 : i32
    %mul3A_0 = arith.muli %arg1, %mul3A : i32
    %add3A = arith.addi %mul3A_0, %arg0 : i32
    %mul3A_1 = arith.constant 640 : i32
    %mul3A_2 = arith.muli %arg1, %mul3A_1 : i32
    "tpu.region"() ({
      %run_scoped3A_44 = tpu.sem_alloc : memref<!tpu.dma_semaphore, #tpu.memory_space<semaphore_mem>>
      %dma_start3A_45 = arith.constant 0 : i32
      %dma_start3A_46 = tpu.memref_slice %arg7[%mul3A_2, %dma_start3A_45] : memref<10240x128xf32, #tpu.memory_space<vmem_shared>> -> memref<640x128xf32, #tpu.memory_space<vmem_shared>>
      tpu.enqueue_dma source(%arg5 : memref<640x128xf32, #tpu.memory_space<hbm>>) target(%dma_start3A_46 : memref<640x128xf32, #tpu.memory_space<vmem_shared>>) target_semaphore(%run_scoped3A_44 : memref<!tpu.dma_semaphore, #tpu.memory_space<semaphore_mem>>)
      %dma_wait3A_47 = arith.constant 0 : i32
      %dma_wait3A_48 = tpu.memref_slice %arg7[%mul3A_2, %dma_wait3A_47] : memref<10240x128xf32, #tpu.memory_space<vmem_shared>> -> memref<640x128xf32, #tpu.memory_space<vmem_shared>>
      tpu.wait_dma2 semaphore(%run_scoped3A_44 : memref<!tpu.dma_semaphore, #tpu.memory_space<semaphore_mem>>) src(%arg5 : memref<640x128xf32, #tpu.memory_space<hbm>>) dst(%dma_wait3A_48 : memref<640x128xf32, #tpu.memory_space<vmem_shared>>)
      tpu.yield
    }) : () -> ()
    %barrier3A = arith.constant 0 : index
    tpu.barrier barrier_id(%barrier3A)
    %mul3A_3 = arith.constant 10000 : i32
    %mul3A_4 = arith.muli %add3A, %mul3A_3 : i32
    %add3A_5 = arith.constant 0 : i32
    %add3A_6 = arith.addi %mul3A_4, %add3A_5 : i32
    %run_scoped3A = arith.constant 0 : i32
    "tpu.region"() ({
      %run_scoped3A_44 = tpu.sem_alloc : memref<!tpu.dma_semaphore, #tpu.memory_space<semaphore_mem>>
      %dma_start3A_45 = arith.constant 0 : i32
      %dma_start3A_46 = tpu.memref_slice %arg8[%run_scoped3A, %dma_start3A_45] : memref<2x80xi32, #tpu.memory_space<vmem>> -> memref<1x80xi32, #tpu.memory_space<vmem>>
      %dma_start3A_47 = tpu.memref_squeeze %dma_start3A_46 : memref<1x80xi32, #tpu.memory_space<vmem>> -> memref<80xi32, #tpu.memory_space<vmem>>
      %dma_start3A_48 = tpu.memref_slice %arg3[%add3A_6] : memref<320000xi32, #tpu.memory_space<hbm>> -> memref<80xi32, #tpu.memory_space<hbm>>
      %dma_start3A_49 = arith.constant 0 : i32
      %dma_start3A_50 = tpu.memref_slice %arg8[%run_scoped3A, %dma_start3A_49] : memref<2x80xi32, #tpu.memory_space<vmem>> -> memref<1x80xi32, #tpu.memory_space<vmem>>
      %dma_start3A_51 = tpu.memref_squeeze %dma_start3A_50 : memref<1x80xi32, #tpu.memory_space<vmem>> -> memref<80xi32, #tpu.memory_space<vmem>>
      %dma_start3A_52 = tpu.memref_slice %arg3[%add3A_6] : memref<320000xi32, #tpu.memory_space<hbm>> -> memref<80xi32, #tpu.memory_space<hbm>>
      tpu.enqueue_dma source(%dma_start3A_52 : memref<80xi32, #tpu.memory_space<hbm>>) target(%dma_start3A_51 : memref<80xi32, #tpu.memory_space<vmem>>) target_semaphore(%run_scoped3A_44 : memref<!tpu.dma_semaphore, #tpu.memory_space<semaphore_mem>>)
      %dma_wait3A_53 = arith.constant 0 : i32
      %dma_wait3A_54 = tpu.memref_slice %arg8[%run_scoped3A, %dma_wait3A_53] : memref<2x80xi32, #tpu.memory_space<vmem>> -> memref<1x80xi32, #tpu.memory_space<vmem>>
      %dma_wait3A_55 = tpu.memref_squeeze %dma_wait3A_54 : memref<1x80xi32, #tpu.memory_space<vmem>> -> memref<80xi32, #tpu.memory_space<vmem>>
      %dma_wait3A_56 = tpu.memref_slice %arg3[%add3A_6] : memref<320000xi32, #tpu.memory_space<hbm>> -> memref<80xi32, #tpu.memory_space<hbm>>
      %dma_wait3A_57 = arith.constant 0 : i32
      %dma_wait3A_58 = tpu.memref_slice %arg8[%run_scoped3A, %dma_wait3A_57] : memref<2x80xi32, #tpu.memory_space<vmem>> -> memref<1x80xi32, #tpu.memory_space<vmem>>
      %dma_wait3A_59 = tpu.memref_squeeze %dma_wait3A_58 : memref<1x80xi32, #tpu.memory_space<vmem>> -> memref<80xi32, #tpu.memory_space<vmem>>
      %dma_wait3A_60 = tpu.memref_slice %arg3[%add3A_6] : memref<320000xi32, #tpu.memory_space<hbm>> -> memref<80xi32, #tpu.memory_space<hbm>>
      tpu.wait_dma2 semaphore(%run_scoped3A_44 : memref<!tpu.dma_semaphore, #tpu.memory_space<semaphore_mem>>) src(%dma_wait3A_60 : memref<80xi32, #tpu.memory_space<hbm>>) dst(%dma_wait3A_59 : memref<80xi32, #tpu.memory_space<vmem>>)
      tpu.yield
    }) : () -> ()
    %run_scoped3A_7 = arith.constant 0 : i32
    "tpu.region"() ({
      %run_scoped3A_44 = tpu.sem_alloc : memref<!tpu.dma_semaphore, #tpu.memory_space<semaphore_mem>>
      %dma_start3A_45 = arith.constant 0 : i32
      %dma_start3A_46 = tpu.memref_slice %arg9[%run_scoped3A_7, %dma_start3A_45] : memref<2x80xi32, #tpu.memory_space<vmem>> -> memref<1x80xi32, #tpu.memory_space<vmem>>
      %dma_start3A_47 = tpu.memref_squeeze %dma_start3A_46 : memref<1x80xi32, #tpu.memory_space<vmem>> -> memref<80xi32, #tpu.memory_space<vmem>>
      %dma_start3A_48 = tpu.memref_slice %arg4[%add3A_6] : memref<320000xi32, #tpu.memory_space<hbm>> -> memref<80xi32, #tpu.memory_space<hbm>>
      %dma_start3A_49 = arith.constant 0 : i32
      %dma_start3A_50 = tpu.memref_slice %arg9[%run_scoped3A_7, %dma_start3A_49] : memref<2x80xi32, #tpu.memory_space<vmem>> -> memref<1x80xi32, #tpu.memory_space<vmem>>
      %dma_start3A_51 = tpu.memref_squeeze %dma_start3A_50 : memref<1x80xi32, #tpu.memory_space<vmem>> -> memref<80xi32, #tpu.memory_space<vmem>>
      %dma_start3A_52 = tpu.memref_slice %arg4[%add3A_6] : memref<320000xi32, #tpu.memory_space<hbm>> -> memref<80xi32, #tpu.memory_space<hbm>>
      tpu.enqueue_dma source(%dma_start3A_52 : memref<80xi32, #tpu.memory_space<hbm>>) target(%dma_start3A_51 : memref<80xi32, #tpu.memory_space<vmem>>) target_semaphore(%run_scoped3A_44 : memref<!tpu.dma_semaphore, #tpu.memory_space<semaphore_mem>>)
      %dma_wait3A_53 = arith.constant 0 : i32
      %dma_wait3A_54 = tpu.memref_slice %arg9[%run_scoped3A_7, %dma_wait3A_53] : memref<2x80xi32, #tpu.memory_space<vmem>> -> memref<1x80xi32, #tpu.memory_space<vmem>>
      %dma_wait3A_55 = tpu.memref_squeeze %dma_wait3A_54 : memref<1x80xi32, #tpu.memory_space<vmem>> -> memref<80xi32, #tpu.memory_space<vmem>>
      %dma_wait3A_56 = tpu.memref_slice %arg4[%add3A_6] : memref<320000xi32, #tpu.memory_space<hbm>> -> memref<80xi32, #tpu.memory_space<hbm>>
      %dma_wait3A_57 = arith.constant 0 : i32
      %dma_wait3A_58 = tpu.memref_slice %arg9[%run_scoped3A_7, %dma_wait3A_57] : memref<2x80xi32, #tpu.memory_space<vmem>> -> memref<1x80xi32, #tpu.memory_space<vmem>>
      %dma_wait3A_59 = tpu.memref_squeeze %dma_wait3A_58 : memref<1x80xi32, #tpu.memory_space<vmem>> -> memref<80xi32, #tpu.memory_space<vmem>>
      %dma_wait3A_60 = tpu.memref_slice %arg4[%add3A_6] : memref<320000xi32, #tpu.memory_space<hbm>> -> memref<80xi32, #tpu.memory_space<hbm>>
      tpu.wait_dma2 semaphore(%run_scoped3A_44 : memref<!tpu.dma_semaphore, #tpu.memory_space<semaphore_mem>>) src(%dma_wait3A_60 : memref<80xi32, #tpu.memory_space<hbm>>) dst(%dma_wait3A_59 : memref<80xi32, #tpu.memory_space<vmem>>)
      tpu.yield
    }) : () -> ()
    %dma_start3A = arith.constant 0 : i32
    %dma_start3A_8 = arith.constant 0 : i32
    %dma_start3A_9 = arith.constant 0 : i32
    %dma_start3A_10 = arith.constant 0 : i32
    %dma_start3A_11 = tpu.memref_slice %arg10[%dma_start3A_8, %dma_start3A_9, %dma_start3A_10] : memref<2x80x128xf32, #tpu.memory_space<vmem>> -> memref<1x80x128xf32, #tpu.memory_space<vmem>>
    %dma_start3A_12 = tpu.memref_squeeze %dma_start3A_11 : memref<1x80x128xf32, #tpu.memory_space<vmem>> -> memref<80x128xf32, #tpu.memory_space<vmem>>
    %dma_start3A_13 = arith.constant 0 : i32
    %dma_start3A_14 = tpu.memref_slice %arg8[%dma_start3A, %dma_start3A_13] : memref<2x80xi32, #tpu.memory_space<vmem>> -> memref<1x80xi32, #tpu.memory_space<vmem>>
    %dma_start3A_15 = tpu.memref_squeeze %dma_start3A_14 : memref<1x80xi32, #tpu.memory_space<vmem>> -> memref<80xi32, #tpu.memory_space<vmem>>
    %dma_start3A_16 = arith.constant 0 : i32
    %dma_start3A_17 = arith.constant 0 : i32
    %dma_start3A_18 = tpu.memref_slice %arg2[%dma_start3A_16, %dma_start3A_17] : memref<10000x128xf32, #tpu.memory_space<hbm>> -> memref<10000x128xf32, #tpu.memory_space<hbm>>
    tpu.enqueue_indirect_dma source(%dma_start3A_18 : memref<10000x128xf32, #tpu.memory_space<hbm>>) target(%dma_start3A_12 : memref<80x128xf32, #tpu.memory_space<vmem>>) offsets(%dma_start3A_15 : memref<80xi32, #tpu.memory_space<vmem>>) semaphore(%arg11 : memref<!tpu.dma_semaphore, #tpu.memory_space<semaphore_mem>>)
    %scan3A = arith.constant 0 : i32
    %scan3A_19 = arith.constant 62 : i32
    %scan3A_20 = arith.addi %scan3A, %scan3A_19 : i32
    %scan3A_21 = arith.constant 1 : i32
    scf.for %scan3A_44 = %scan3A to %scan3A_20 step %scan3A_21  : i32 {
      %mul3A_45 = arith.constant 1 : i32
      %mul3A_46 = arith.muli %scan3A_44, %mul3A_45 : i32
      %add3A_47 = arith.constant 0 : i32
      %add3A_48 = arith.addi %add3A_47, %mul3A_46 : i32
      %mul3A_49 = arith.constant 2 : i32
      %mul3A_50 = arith.muli %mul3A_49, %add3A_48 : i32
      %add3A_51 = arith.constant 1 : i32
      %add3A_52 = arith.addi %add3A_51, %mul3A_50 : i32
      %mul3A_53 = arith.constant 80 : i32
      %mul3A_54 = arith.muli %add3A_52, %mul3A_53 : i32
      %add3A_55 = arith.addi %mul3A_4, %mul3A_54 : i32
      %run_scoped3A_56 = arith.constant 1 : i32
      "tpu.region"() ({
        %run_scoped3A_117 = tpu.sem_alloc : memref<!tpu.dma_semaphore, #tpu.memory_space<semaphore_mem>>
        %dma_start3A_118 = arith.constant 0 : i32
        %dma_start3A_119 = tpu.memref_slice %arg8[%run_scoped3A_56, %dma_start3A_118] : memref<2x80xi32, #tpu.memory_space<vmem>> -> memref<1x80xi32, #tpu.memory_space<vmem>>
        %dma_start3A_120 = tpu.memref_squeeze %dma_start3A_119 : memref<1x80xi32, #tpu.memory_space<vmem>> -> memref<80xi32, #tpu.memory_space<vmem>>
        %dma_start3A_121 = tpu.memref_slice %arg3[%add3A_55] : memref<320000xi32, #tpu.memory_space<hbm>> -> memref<80xi32, #tpu.memory_space<hbm>>
        %dma_start3A_122 = arith.constant 0 : i32
        %dma_start3A_123 = tpu.memref_slice %arg8[%run_scoped3A_56, %dma_start3A_122] : memref<2x80xi32, #tpu.memory_space<vmem>> -> memref<1x80xi32, #tpu.memory_space<vmem>>
        %dma_start3A_124 = tpu.memref_squeeze %dma_start3A_123 : memref<1x80xi32, #tpu.memory_space<vmem>> -> memref<80xi32, #tpu.memory_space<vmem>>
        %dma_start3A_125 = tpu.memref_slice %arg3[%add3A_55] : memref<320000xi32, #tpu.memory_space<hbm>> -> memref<80xi32, #tpu.memory_space<hbm>>
        tpu.enqueue_dma source(%dma_start3A_125 : memref<80xi32, #tpu.memory_space<hbm>>) target(%dma_start3A_124 : memref<80xi32, #tpu.memory_space<vmem>>) target_semaphore(%run_scoped3A_117 : memref<!tpu.dma_semaphore, #tpu.memory_space<semaphore_mem>>)
        %dma_wait3A_126 = arith.constant 0 : i32
        %dma_wait3A_127 = tpu.memref_slice %arg8[%run_scoped3A_56, %dma_wait3A_126] : memref<2x80xi32, #tpu.memory_space<vmem>> -> memref<1x80xi32, #tpu.memory_space<vmem>>
        %dma_wait3A_128 = tpu.memref_squeeze %dma_wait3A_127 : memref<1x80xi32, #tpu.memory_space<vmem>> -> memref<80xi32, #tpu.memory_space<vmem>>
        %dma_wait3A_129 = tpu.memref_slice %arg3[%add3A_55] : memref<320000xi32, #tpu.memory_space<hbm>> -> memref<80xi32, #tpu.memory_space<hbm>>
        %dma_wait3A_130 = arith.constant 0 : i32
        %dma_wait3A_131 = tpu.memref_slice %arg8[%run_scoped3A_56, %dma_wait3A_130] : memref<2x80xi32, #tpu.memory_space<vmem>> -> memref<1x80xi32, #tpu.memory_space<vmem>>
        %dma_wait3A_132 = tpu.memref_squeeze %dma_wait3A_131 : memref<1x80xi32, #tpu.memory_space<vmem>> -> memref<80xi32, #tpu.memory_space<vmem>>
        %dma_wait3A_133 = tpu.memref_slice %arg3[%add3A_55] : memref<320000xi32, #tpu.memory_space<hbm>> -> memref<80xi32, #tpu.memory_space<hbm>>
        tpu.wait_dma2 semaphore(%run_scoped3A_117 : memref<!tpu.dma_semaphore, #tpu.memory_space<semaphore_mem>>) src(%dma_wait3A_133 : memref<80xi32, #tpu.memory_space<hbm>>) dst(%dma_wait3A_132 : memref<80xi32, #tpu.memory_space<vmem>>)
        tpu.yield
      }) : () -> ()
      %run_scoped3A_57 = arith.constant 1 : i32
      "tpu.region"() ({
        %run_scoped3A_117 = tpu.sem_alloc : memref<!tpu.dma_semaphore, #tpu.memory_space<semaphore_mem>>
        %dma_start3A_118 = arith.constant 0 : i32
        %dma_start3A_119 = tpu.memref_slice %arg9[%run_scoped3A_57, %dma_start3A_118] : memref<2x80xi32, #tpu.memory_space<vmem>> -> memref<1x80xi32, #tpu.memory_space<vmem>>
        %dma_start3A_120 = tpu.memref_squeeze %dma_start3A_119 : memref<1x80xi32, #tpu.memory_space<vmem>> -> memref<80xi32, #tpu.memory_space<vmem>>
        %dma_start3A_121 = tpu.memref_slice %arg4[%add3A_55] : memref<320000xi32, #tpu.memory_space<hbm>> -> memref<80xi32, #tpu.memory_space<hbm>>
        %dma_start3A_122 = arith.constant 0 : i32
        %dma_start3A_123 = tpu.memref_slice %arg9[%run_scoped3A_57, %dma_start3A_122] : memref<2x80xi32, #tpu.memory_space<vmem>> -> memref<1x80xi32, #tpu.memory_space<vmem>>
        %dma_start3A_124 = tpu.memref_squeeze %dma_start3A_123 : memref<1x80xi32, #tpu.memory_space<vmem>> -> memref<80xi32, #tpu.memory_space<vmem>>
        %dma_start3A_125 = tpu.memref_slice %arg4[%add3A_55] : memref<320000xi32, #tpu.memory_space<hbm>> -> memref<80xi32, #tpu.memory_space<hbm>>
        tpu.enqueue_dma source(%dma_start3A_125 : memref<80xi32, #tpu.memory_space<hbm>>) target(%dma_start3A_124 : memref<80xi32, #tpu.memory_space<vmem>>) target_semaphore(%run_scoped3A_117 : memref<!tpu.dma_semaphore, #tpu.memory_space<semaphore_mem>>)
        %dma_wait3A_126 = arith.constant 0 : i32
        %dma_wait3A_127 = tpu.memref_slice %arg9[%run_scoped3A_57, %dma_wait3A_126] : memref<2x80xi32, #tpu.memory_space<vmem>> -> memref<1x80xi32, #tpu.memory_space<vmem>>
        %dma_wait3A_128 = tpu.memref_squeeze %dma_wait3A_127 : memref<1x80xi32, #tpu.memory_space<vmem>> -> memref<80xi32, #tpu.memory_space<vmem>>
        %dma_wait3A_129 = tpu.memref_slice %arg4[%add3A_55] : memref<320000xi32, #tpu.memory_space<hbm>> -> memref<80xi32, #tpu.memory_space<hbm>>
        %dma_wait3A_130 = arith.constant 0 : i32
        %dma_wait3A_131 = tpu.memref_slice %arg9[%run_scoped3A_57, %dma_wait3A_130] : memref<2x80xi32, #tpu.memory_space<vmem>> -> memref<1x80xi32, #tpu.memory_space<vmem>>
        %dma_wait3A_132 = tpu.memref_squeeze %dma_wait3A_131 : memref<1x80xi32, #tpu.memory_space<vmem>> -> memref<80xi32, #tpu.memory_space<vmem>>
        %dma_wait3A_133 = tpu.memref_slice %arg4[%add3A_55] : memref<320000xi32, #tpu.memory_space<hbm>> -> memref<80xi32, #tpu.memory_space<hbm>>
        tpu.wait_dma2 semaphore(%run_scoped3A_117 : memref<!tpu.dma_semaphore, #tpu.memory_space<semaphore_mem>>) src(%dma_wait3A_133 : memref<80xi32, #tpu.memory_space<hbm>>) dst(%dma_wait3A_132 : memref<80xi32, #tpu.memory_space<vmem>>)
        tpu.yield
      }) : () -> ()
      %dma_start3A_58 = arith.constant 1 : i32
      %dma_start3A_59 = arith.constant 1 : i32
      %dma_start3A_60 = arith.constant 0 : i32
      %dma_start3A_61 = arith.constant 0 : i32
      %dma_start3A_62 = tpu.memref_slice %arg10[%dma_start3A_59, %dma_start3A_60, %dma_start3A_61] : memref<2x80x128xf32, #tpu.memory_space<vmem>> -> memref<1x80x128xf32, #tpu.memory_space<vmem>>
      %dma_start3A_63 = tpu.memref_squeeze %dma_start3A_62 : memref<1x80x128xf32, #tpu.memory_space<vmem>> -> memref<80x128xf32, #tpu.memory_space<vmem>>
      %dma_start3A_64 = arith.constant 0 : i32
      %dma_start3A_65 = tpu.memref_slice %arg8[%dma_start3A_58, %dma_start3A_64] : memref<2x80xi32, #tpu.memory_space<vmem>> -> memref<1x80xi32, #tpu.memory_space<vmem>>
      %dma_start3A_66 = tpu.memref_squeeze %dma_start3A_65 : memref<1x80xi32, #tpu.memory_space<vmem>> -> memref<80xi32, #tpu.memory_space<vmem>>
      %dma_start3A_67 = arith.constant 0 : i32
      %dma_start3A_68 = arith.constant 0 : i32
      %dma_start3A_69 = tpu.memref_slice %arg2[%dma_start3A_67, %dma_start3A_68] : memref<10000x128xf32, #tpu.memory_space<hbm>> -> memref<10000x128xf32, #tpu.memory_space<hbm>>
      tpu.enqueue_indirect_dma source(%dma_start3A_69 : memref<10000x128xf32, #tpu.memory_space<hbm>>) target(%dma_start3A_63 : memref<80x128xf32, #tpu.memory_space<vmem>>) offsets(%dma_start3A_66 : memref<80xi32, #tpu.memory_space<vmem>>) semaphore(%arg12 : memref<!tpu.dma_semaphore, #tpu.memory_space<semaphore_mem>>)
      %dma_wait3A_70 = arith.constant 0 : i32
      %dma_wait3A_71 = arith.constant 0 : i32
      %dma_wait3A_72 = arith.constant 0 : i32
      %dma_wait3A_73 = arith.constant 0 : i32
      %dma_wait3A_74 = tpu.memref_slice %arg10[%dma_wait3A_71, %dma_wait3A_72, %dma_wait3A_73] : memref<2x80x128xf32, #tpu.memory_space<vmem>> -> memref<1x80x128xf32, #tpu.memory_space<vmem>>
      %dma_wait3A_75 = tpu.memref_squeeze %dma_wait3A_74 : memref<1x80x128xf32, #tpu.memory_space<vmem>> -> memref<80x128xf32, #tpu.memory_space<vmem>>
      %dma_wait3A_76 = arith.constant 0 : i32
      %dma_wait3A_77 = tpu.memref_slice %arg8[%dma_wait3A_70, %dma_wait3A_76] : memref<2x80xi32, #tpu.memory_space<vmem>> -> memref<1x80xi32, #tpu.memory_space<vmem>>
      %dma_wait3A_78 = tpu.memref_squeeze %dma_wait3A_77 : memref<1x80xi32, #tpu.memory_space<vmem>> -> memref<80xi32, #tpu.memory_space<vmem>>
      %dma_wait3A_79 = arith.constant 0 : i32
      %dma_wait3A_80 = arith.constant 0 : i32
      %dma_wait3A_81 = tpu.memref_slice %arg2[%dma_wait3A_79, %dma_wait3A_80] : memref<10000x128xf32, #tpu.memory_space<hbm>> -> memref<10000x128xf32, #tpu.memory_space<hbm>>
      tpu.wait_indirect_dma semaphore(%arg11 : memref<!tpu.dma_semaphore, #tpu.memory_space<semaphore_mem>>) src(%dma_wait3A_81 : memref<10000x128xf32, #tpu.memory_space<hbm>>) dst(%dma_wait3A_75 : memref<80x128xf32, #tpu.memory_space<vmem>>)
      %run_scoped3A_82 = arith.constant 0 : i32
      %run_scoped3A_83 = arith.constant 0 : i32
      "tpu.region"() ({
        %run_scoped3A_117 = tpu.sem_alloc : memref<!tpu.dma_semaphore, #tpu.memory_space<semaphore_mem>>
        %dma_start3A_118 = arith.constant 0 : i32
        %dma_start3A_119 = arith.constant 0 : i32
        %dma_start3A_120 = tpu.memref_slice %arg10[%run_scoped3A_82, %dma_start3A_118, %dma_start3A_119] : memref<2x80x128xf32, #tpu.memory_space<vmem>> -> memref<1x80x128xf32, #tpu.memory_space<vmem>>
        %dma_start3A_121 = tpu.memref_squeeze %dma_start3A_120 : memref<1x80x128xf32, #tpu.memory_space<vmem>> -> memref<80x128xf32, #tpu.memory_space<vmem>>
        %dma_start3A_122 = arith.constant 0 : i32
        %dma_start3A_123 = tpu.memref_slice %arg9[%run_scoped3A_83, %dma_start3A_122] : memref<2x80xi32, #tpu.memory_space<vmem>> -> memref<1x80xi32, #tpu.memory_space<vmem>>
        %dma_start3A_124 = tpu.memref_squeeze %dma_start3A_123 : memref<1x80xi32, #tpu.memory_space<vmem>> -> memref<80xi32, #tpu.memory_space<vmem>>
        %dma_start3A_125 = arith.constant 0 : i32
        %dma_start3A_126 = arith.constant 0 : i32
        %dma_start3A_127 = tpu.memref_slice %arg7[%dma_start3A_125, %dma_start3A_126] : memref<10240x128xf32, #tpu.memory_space<vmem_shared>> -> memref<10240x128xf32, #tpu.memory_space<vmem_shared>>
        tpu.enqueue_indirect_dma source(%dma_start3A_121 : memref<80x128xf32, #tpu.memory_space<vmem>>) target(%dma_start3A_127 : memref<10240x128xf32, #tpu.memory_space<vmem_shared>>) offsets(%dma_start3A_124 : memref<80xi32, #tpu.memory_space<vmem>>) semaphore(%run_scoped3A_117 : memref<!tpu.dma_semaphore, #tpu.memory_space<semaphore_mem>>) {add = true}
        %dma_wait3A_128 = arith.constant 0 : i32
        %dma_wait3A_129 = arith.constant 0 : i32
        %dma_wait3A_130 = tpu.memref_slice %arg10[%run_scoped3A_82, %dma_wait3A_128, %dma_wait3A_129] : memref<2x80x128xf32, #tpu.memory_space<vmem>> -> memref<1x80x128xf32, #tpu.memory_space<vmem>>
        %dma_wait3A_131 = tpu.memref_squeeze %dma_wait3A_130 : memref<1x80x128xf32, #tpu.memory_space<vmem>> -> memref<80x128xf32, #tpu.memory_space<vmem>>
        %dma_wait3A_132 = arith.constant 0 : i32
        %dma_wait3A_133 = tpu.memref_slice %arg9[%run_scoped3A_83, %dma_wait3A_132] : memref<2x80xi32, #tpu.memory_space<vmem>> -> memref<1x80xi32, #tpu.memory_space<vmem>>
        %dma_wait3A_134 = tpu.memref_squeeze %dma_wait3A_133 : memref<1x80xi32, #tpu.memory_space<vmem>> -> memref<80xi32, #tpu.memory_space<vmem>>
        %dma_wait3A_135 = arith.constant 0 : i32
        %dma_wait3A_136 = arith.constant 0 : i32
        %dma_wait3A_137 = tpu.memref_slice %arg7[%dma_wait3A_135, %dma_wait3A_136] : memref<10240x128xf32, #tpu.memory_space<vmem_shared>> -> memref<10240x128xf32, #tpu.memory_space<vmem_shared>>
        tpu.wait_indirect_dma semaphore(%run_scoped3A_117 : memref<!tpu.dma_semaphore, #tpu.memory_space<semaphore_mem>>) src(%dma_wait3A_131 : memref<80x128xf32, #tpu.memory_space<vmem>>) dst(%dma_wait3A_137 : memref<10240x128xf32, #tpu.memory_space<vmem_shared>>)
        tpu.yield
      }) : () -> ()
      %add3A_84 = arith.constant 1 : i32
      %add3A_85 = arith.addi %add3A_52, %add3A_84 : i32
      %mul3A_86 = arith.constant 80 : i32
      %mul3A_87 = arith.muli %add3A_85, %mul3A_86 : i32
      %add3A_88 = arith.addi %mul3A_4, %mul3A_87 : i32
      %run_scoped3A_89 = arith.constant 0 : i32
      "tpu.region"() ({
        %run_scoped3A_117 = tpu.sem_alloc : memref<!tpu.dma_semaphore, #tpu.memory_space<semaphore_mem>>
        %dma_start3A_118 = arith.constant 0 : i32
        %dma_start3A_119 = tpu.memref_slice %arg8[%run_scoped3A_89, %dma_start3A_118] : memref<2x80xi32, #tpu.memory_space<vmem>> -> memref<1x80xi32, #tpu.memory_space<vmem>>
        %dma_start3A_120 = tpu.memref_squeeze %dma_start3A_119 : memref<1x80xi32, #tpu.memory_space<vmem>> -> memref<80xi32, #tpu.memory_space<vmem>>
        %dma_start3A_121 = tpu.memref_slice %arg3[%add3A_88] : memref<320000xi32, #tpu.memory_space<hbm>> -> memref<80xi32, #tpu.memory_space<hbm>>
        %dma_start3A_122 = arith.constant 0 : i32
        %dma_start3A_123 = tpu.memref_slice %arg8[%run_scoped3A_89, %dma_start3A_122] : memref<2x80xi32, #tpu.memory_space<vmem>> -> memref<1x80xi32, #tpu.memory_space<vmem>>
        %dma_start3A_124 = tpu.memref_squeeze %dma_start3A_123 : memref<1x80xi32, #tpu.memory_space<vmem>> -> memref<80xi32, #tpu.memory_space<vmem>>
        %dma_start3A_125 = tpu.memref_slice %arg3[%add3A_88] : memref<320000xi32, #tpu.memory_space<hbm>> -> memref<80xi32, #tpu.memory_space<hbm>>
        tpu.enqueue_dma source(%dma_start3A_125 : memref<80xi32, #tpu.memory_space<hbm>>) target(%dma_start3A_124 : memref<80xi32, #tpu.memory_space<vmem>>) target_semaphore(%run_scoped3A_117 : memref<!tpu.dma_semaphore, #tpu.memory_space<semaphore_mem>>)
        %dma_wait3A_126 = arith.constant 0 : i32
        %dma_wait3A_127 = tpu.memref_slice %arg8[%run_scoped3A_89, %dma_wait3A_126] : memref<2x80xi32, #tpu.memory_space<vmem>> -> memref<1x80xi32, #tpu.memory_space<vmem>>
        %dma_wait3A_128 = tpu.memref_squeeze %dma_wait3A_127 : memref<1x80xi32, #tpu.memory_space<vmem>> -> memref<80xi32, #tpu.memory_space<vmem>>
        %dma_wait3A_129 = tpu.memref_slice %arg3[%add3A_88] : memref<320000xi32, #tpu.memory_space<hbm>> -> memref<80xi32, #tpu.memory_space<hbm>>
        %dma_wait3A_130 = arith.constant 0 : i32
        %dma_wait3A_131 = tpu.memref_slice %arg8[%run_scoped3A_89, %dma_wait3A_130] : memref<2x80xi32, #tpu.memory_space<vmem>> -> memref<1x80xi32, #tpu.memory_space<vmem>>
        %dma_wait3A_132 = tpu.memref_squeeze %dma_wait3A_131 : memref<1x80xi32, #tpu.memory_space<vmem>> -> memref<80xi32, #tpu.memory_space<vmem>>
        %dma_wait3A_133 = tpu.memref_slice %arg3[%add3A_88] : memref<320000xi32, #tpu.memory_space<hbm>> -> memref<80xi32, #tpu.memory_space<hbm>>
        tpu.wait_dma2 semaphore(%run_scoped3A_117 : memref<!tpu.dma_semaphore, #tpu.memory_space<semaphore_mem>>) src(%dma_wait3A_133 : memref<80xi32, #tpu.memory_space<hbm>>) dst(%dma_wait3A_132 : memref<80xi32, #tpu.memory_space<vmem>>)
        tpu.yield
      }) : () -> ()
      %run_scoped3A_90 = arith.constant 0 : i32
      "tpu.region"() ({
        %run_scoped3A_117 = tpu.sem_alloc : memref<!tpu.dma_semaphore, #tpu.memory_space<semaphore_mem>>
        %dma_start3A_118 = arith.constant 0 : i32
        %dma_start3A_119 = tpu.memref_slice %arg9[%run_scoped3A_90, %dma_start3A_118] : memref<2x80xi32, #tpu.memory_space<vmem>> -> memref<1x80xi32, #tpu.memory_space<vmem>>
        %dma_start3A_120 = tpu.memref_squeeze %dma_start3A_119 : memref<1x80xi32, #tpu.memory_space<vmem>> -> memref<80xi32, #tpu.memory_space<vmem>>
        %dma_start3A_121 = tpu.memref_slice %arg4[%add3A_88] : memref<320000xi32, #tpu.memory_space<hbm>> -> memref<80xi32, #tpu.memory_space<hbm>>
        %dma_start3A_122 = arith.constant 0 : i32
        %dma_start3A_123 = tpu.memref_slice %arg9[%run_scoped3A_90, %dma_start3A_122] : memref<2x80xi32, #tpu.memory_space<vmem>> -> memref<1x80xi32, #tpu.memory_space<vmem>>
        %dma_start3A_124 = tpu.memref_squeeze %dma_start3A_123 : memref<1x80xi32, #tpu.memory_space<vmem>> -> memref<80xi32, #tpu.memory_space<vmem>>
        %dma_start3A_125 = tpu.memref_slice %arg4[%add3A_88] : memref<320000xi32, #tpu.memory_space<hbm>> -> memref<80xi32, #tpu.memory_space<hbm>>
        tpu.enqueue_dma source(%dma_start3A_125 : memref<80xi32, #tpu.memory_space<hbm>>) target(%dma_start3A_124 : memref<80xi32, #tpu.memory_space<vmem>>) target_semaphore(%run_scoped3A_117 : memref<!tpu.dma_semaphore, #tpu.memory_space<semaphore_mem>>)
        %dma_wait3A_126 = arith.constant 0 : i32
        %dma_wait3A_127 = tpu.memref_slice %arg9[%run_scoped3A_90, %dma_wait3A_126] : memref<2x80xi32, #tpu.memory_space<vmem>> -> memref<1x80xi32, #tpu.memory_space<vmem>>
        %dma_wait3A_128 = tpu.memref_squeeze %dma_wait3A_127 : memref<1x80xi32, #tpu.memory_space<vmem>> -> memref<80xi32, #tpu.memory_space<vmem>>
        %dma_wait3A_129 = tpu.memref_slice %arg4[%add3A_88] : memref<320000xi32, #tpu.memory_space<hbm>> -> memref<80xi32, #tpu.memory_space<hbm>>
        %dma_wait3A_130 = arith.constant 0 : i32
        %dma_wait3A_131 = tpu.memref_slice %arg9[%run_scoped3A_90, %dma_wait3A_130] : memref<2x80xi32, #tpu.memory_space<vmem>> -> memref<1x80xi32, #tpu.memory_space<vmem>>
        %dma_wait3A_132 = tpu.memref_squeeze %dma_wait3A_131 : memref<1x80xi32, #tpu.memory_space<vmem>> -> memref<80xi32, #tpu.memory_space<vmem>>
        %dma_wait3A_133 = tpu.memref_slice %arg4[%add3A_88] : memref<320000xi32, #tpu.memory_space<hbm>> -> memref<80xi32, #tpu.memory_space<hbm>>
        tpu.wait_dma2 semaphore(%run_scoped3A_117 : memref<!tpu.dma_semaphore, #tpu.memory_space<semaphore_mem>>) src(%dma_wait3A_133 : memref<80xi32, #tpu.memory_space<hbm>>) dst(%dma_wait3A_132 : memref<80xi32, #tpu.memory_space<vmem>>)
        tpu.yield
      }) : () -> ()
      %dma_start3A_91 = arith.constant 0 : i32
      %dma_start3A_92 = arith.constant 0 : i32
      %dma_start3A_93 = arith.constant 0 : i32
      %dma_start3A_94 = arith.constant 0 : i32
      %dma_start3A_95 = tpu.memref_slice %arg10[%dma_start3A_92, %dma_start3A_93, %dma_start3A_94] : memref<2x80x128xf32, #tpu.memory_space<vmem>> -> memref<1x80x128xf32, #tpu.memory_space<vmem>>
      %dma_start3A_96 = tpu.memref_squeeze %dma_start3A_95 : memref<1x80x128xf32, #tpu.memory_space<vmem>> -> memref<80x128xf32, #tpu.memory_space<vmem>>
      %dma_start3A_97 = arith.constant 0 : i32
      %dma_start3A_98 = tpu.memref_slice %arg8[%dma_start3A_91, %dma_start3A_97] : memref<2x80xi32, #tpu.memory_space<vmem>> -> memref<1x80xi32, #tpu.memory_space<vmem>>
      %dma_start3A_99 = tpu.memref_squeeze %dma_start3A_98 : memref<1x80xi32, #tpu.memory_space<vmem>> -> memref<80xi32, #tpu.memory_space<vmem>>
      %dma_start3A_100 = arith.constant 0 : i32
      %dma_start3A_101 = arith.constant 0 : i32
      %dma_start3A_102 = tpu.memref_slice %arg2[%dma_start3A_100, %dma_start3A_101] : memref<10000x128xf32, #tpu.memory_space<hbm>> -> memref<10000x128xf32, #tpu.memory_space<hbm>>
      tpu.enqueue_indirect_dma source(%dma_start3A_102 : memref<10000x128xf32, #tpu.memory_space<hbm>>) target(%dma_start3A_96 : memref<80x128xf32, #tpu.memory_space<vmem>>) offsets(%dma_start3A_99 : memref<80xi32, #tpu.memory_space<vmem>>) semaphore(%arg11 : memref<!tpu.dma_semaphore, #tpu.memory_space<semaphore_mem>>)
      %dma_wait3A_103 = arith.constant 1 : i32
      %dma_wait3A_104 = arith.constant 1 : i32
      %dma_wait3A_105 = arith.constant 0 : i32
      %dma_wait3A_106 = arith.constant 0 : i32
      %dma_wait3A_107 = tpu.memref_slice %arg10[%dma_wait3A_104, %dma_wait3A_105, %dma_wait3A_106] : memref<2x80x128xf32, #tpu.memory_space<vmem>> -> memref<1x80x128xf32, #tpu.memory_space<vmem>>
      %dma_wait3A_108 = tpu.memref_squeeze %dma_wait3A_107 : memref<1x80x128xf32, #tpu.memory_space<vmem>> -> memref<80x128xf32, #tpu.memory_space<vmem>>
      %dma_wait3A_109 = arith.constant 0 : i32
      %dma_wait3A_110 = tpu.memref_slice %arg8[%dma_wait3A_103, %dma_wait3A_109] : memref<2x80xi32, #tpu.memory_space<vmem>> -> memref<1x80xi32, #tpu.memory_space<vmem>>
      %dma_wait3A_111 = tpu.memref_squeeze %dma_wait3A_110 : memref<1x80xi32, #tpu.memory_space<vmem>> -> memref<80xi32, #tpu.memory_space<vmem>>
      %dma_wait3A_112 = arith.constant 0 : i32
      %dma_wait3A_113 = arith.constant 0 : i32
      %dma_wait3A_114 = tpu.memref_slice %arg2[%dma_wait3A_112, %dma_wait3A_113] : memref<10000x128xf32, #tpu.memory_space<hbm>> -> memref<10000x128xf32, #tpu.memory_space<hbm>>
      tpu.wait_indirect_dma semaphore(%arg12 : memref<!tpu.dma_semaphore, #tpu.memory_space<semaphore_mem>>) src(%dma_wait3A_114 : memref<10000x128xf32, #tpu.memory_space<hbm>>) dst(%dma_wait3A_108 : memref<80x128xf32, #tpu.memory_space<vmem>>)
      %run_scoped3A_115 = arith.constant 1 : i32
      %run_scoped3A_116 = arith.constant 1 : i32
      "tpu.region"() ({
        %run_scoped3A_117 = tpu.sem_alloc : memref<!tpu.dma_semaphore, #tpu.memory_space<semaphore_mem>>
        %dma_start3A_118 = arith.constant 0 : i32
        %dma_start3A_119 = arith.constant 0 : i32
        %dma_start3A_120 = tpu.memref_slice %arg10[%run_scoped3A_115, %dma_start3A_118, %dma_start3A_119] : memref<2x80x128xf32, #tpu.memory_space<vmem>> -> memref<1x80x128xf32, #tpu.memory_space<vmem>>
        %dma_start3A_121 = tpu.memref_squeeze %dma_start3A_120 : memref<1x80x128xf32, #tpu.memory_space<vmem>> -> memref<80x128xf32, #tpu.memory_space<vmem>>
        %dma_start3A_122 = arith.constant 0 : i32
        %dma_start3A_123 = tpu.memref_slice %arg9[%run_scoped3A_116, %dma_start3A_122] : memref<2x80xi32, #tpu.memory_space<vmem>> -> memref<1x80xi32, #tpu.memory_space<vmem>>
        %dma_start3A_124 = tpu.memref_squeeze %dma_start3A_123 : memref<1x80xi32, #tpu.memory_space<vmem>> -> memref<80xi32, #tpu.memory_space<vmem>>
        %dma_start3A_125 = arith.constant 0 : i32
        %dma_start3A_126 = arith.constant 0 : i32
        %dma_start3A_127 = tpu.memref_slice %arg7[%dma_start3A_125, %dma_start3A_126] : memref<10240x128xf32, #tpu.memory_space<vmem_shared>> -> memref<10240x128xf32, #tpu.memory_space<vmem_shared>>
        tpu.enqueue_indirect_dma source(%dma_start3A_121 : memref<80x128xf32, #tpu.memory_space<vmem>>) target(%dma_start3A_127 : memref<10240x128xf32, #tpu.memory_space<vmem_shared>>) offsets(%dma_start3A_124 : memref<80xi32, #tpu.memory_space<vmem>>) semaphore(%run_scoped3A_117 : memref<!tpu.dma_semaphore, #tpu.memory_space<semaphore_mem>>) {add = true}
        %dma_wait3A_128 = arith.constant 0 : i32
        %dma_wait3A_129 = arith.constant 0 : i32
        %dma_wait3A_130 = tpu.memref_slice %arg10[%run_scoped3A_115, %dma_wait3A_128, %dma_wait3A_129] : memref<2x80x128xf32, #tpu.memory_space<vmem>> -> memref<1x80x128xf32, #tpu.memory_space<vmem>>
        %dma_wait3A_131 = tpu.memref_squeeze %dma_wait3A_130 : memref<1x80x128xf32, #tpu.memory_space<vmem>> -> memref<80x128xf32, #tpu.memory_space<vmem>>
        %dma_wait3A_132 = arith.constant 0 : i32
        %dma_wait3A_133 = tpu.memref_slice %arg9[%run_scoped3A_116, %dma_wait3A_132] : memref<2x80xi32, #tpu.memory_space<vmem>> -> memref<1x80xi32, #tpu.memory_space<vmem>>
        %dma_wait3A_134 = tpu.memref_squeeze %dma_wait3A_133 : memref<1x80xi32, #tpu.memory_space<vmem>> -> memref<80xi32, #tpu.memory_space<vmem>>
        %dma_wait3A_135 = arith.constant 0 : i32
        %dma_wait3A_136 = arith.constant 0 : i32
        %dma_wait3A_137 = tpu.memref_slice %arg7[%dma_wait3A_135, %dma_wait3A_136] : memref<10240x128xf32, #tpu.memory_space<vmem_shared>> -> memref<10240x128xf32, #tpu.memory_space<vmem_shared>>
        tpu.wait_indirect_dma semaphore(%run_scoped3A_117 : memref<!tpu.dma_semaphore, #tpu.memory_space<semaphore_mem>>) src(%dma_wait3A_131 : memref<80x128xf32, #tpu.memory_space<vmem>>) dst(%dma_wait3A_137 : memref<10240x128xf32, #tpu.memory_space<vmem_shared>>)
        tpu.yield
      }) : () -> ()
    }
    %scan3A_22 = arith.constant 62 : i32
    %dma_wait3A = arith.constant 0 : i32
    %dma_wait3A_23 = arith.constant 0 : i32
    %dma_wait3A_24 = arith.constant 0 : i32
    %dma_wait3A_25 = arith.constant 0 : i32
    %dma_wait3A_26 = tpu.memref_slice %arg10[%dma_wait3A_23, %dma_wait3A_24, %dma_wait3A_25] : memref<2x80x128xf32, #tpu.memory_space<vmem>> -> memref<1x80x128xf32, #tpu.memory_space<vmem>>
    %dma_wait3A_27 = tpu.memref_squeeze %dma_wait3A_26 : memref<1x80x128xf32, #tpu.memory_space<vmem>> -> memref<80x128xf32, #tpu.memory_space<vmem>>
    %dma_wait3A_28 = arith.constant 0 : i32
    %dma_wait3A_29 = tpu.memref_slice %arg8[%dma_wait3A, %dma_wait3A_28] : memref<2x80xi32, #tpu.memory_space<vmem>> -> memref<1x80xi32, #tpu.memory_space<vmem>>
    %dma_wait3A_30 = tpu.memref_squeeze %dma_wait3A_29 : memref<1x80xi32, #tpu.memory_space<vmem>> -> memref<80xi32, #tpu.memory_space<vmem>>
    %dma_wait3A_31 = arith.constant 0 : i32
    %dma_wait3A_32 = arith.constant 0 : i32
    %dma_wait3A_33 = tpu.memref_slice %arg2[%dma_wait3A_31, %dma_wait3A_32] : memref<10000x128xf32, #tpu.memory_space<hbm>> -> memref<10000x128xf32, #tpu.memory_space<hbm>>
    tpu.wait_indirect_dma semaphore(%arg11 : memref<!tpu.dma_semaphore, #tpu.memory_space<semaphore_mem>>) src(%dma_wait3A_33 : memref<10000x128xf32, #tpu.memory_space<hbm>>) dst(%dma_wait3A_27 : memref<80x128xf32, #tpu.memory_space<vmem>>)
    %run_scoped3A_34 = arith.constant 0 : i32
    %run_scoped3A_35 = arith.constant 0 : i32
    "tpu.region"() ({
      %run_scoped3A_44 = tpu.sem_alloc : memref<!tpu.dma_semaphore, #tpu.memory_space<semaphore_mem>>
      %dma_start3A_45 = arith.constant 0 : i32
      %dma_start3A_46 = arith.constant 0 : i32
      %dma_start3A_47 = tpu.memref_slice %arg10[%run_scoped3A_34, %dma_start3A_45, %dma_start3A_46] : memref<2x80x128xf32, #tpu.memory_space<vmem>> -> memref<1x80x128xf32, #tpu.memory_space<vmem>>
      %dma_start3A_48 = tpu.memref_squeeze %dma_start3A_47 : memref<1x80x128xf32, #tpu.memory_space<vmem>> -> memref<80x128xf32, #tpu.memory_space<vmem>>
      %dma_start3A_49 = arith.constant 0 : i32
      %dma_start3A_50 = tpu.memref_slice %arg9[%run_scoped3A_35, %dma_start3A_49] : memref<2x80xi32, #tpu.memory_space<vmem>> -> memref<1x80xi32, #tpu.memory_space<vmem>>
      %dma_start3A_51 = tpu.memref_squeeze %dma_start3A_50 : memref<1x80xi32, #tpu.memory_space<vmem>> -> memref<80xi32, #tpu.memory_space<vmem>>
      %dma_start3A_52 = arith.constant 0 : i32
      %dma_start3A_53 = arith.constant 0 : i32
      %dma_start3A_54 = tpu.memref_slice %arg7[%dma_start3A_52, %dma_start3A_53] : memref<10240x128xf32, #tpu.memory_space<vmem_shared>> -> memref<10240x128xf32, #tpu.memory_space<vmem_shared>>
      tpu.enqueue_indirect_dma source(%dma_start3A_48 : memref<80x128xf32, #tpu.memory_space<vmem>>) target(%dma_start3A_54 : memref<10240x128xf32, #tpu.memory_space<vmem_shared>>) offsets(%dma_start3A_51 : memref<80xi32, #tpu.memory_space<vmem>>) semaphore(%run_scoped3A_44 : memref<!tpu.dma_semaphore, #tpu.memory_space<semaphore_mem>>) {add = true}
      %dma_wait3A_55 = arith.constant 0 : i32
      %dma_wait3A_56 = arith.constant 0 : i32
      %dma_wait3A_57 = tpu.memref_slice %arg10[%run_scoped3A_34, %dma_wait3A_55, %dma_wait3A_56] : memref<2x80x128xf32, #tpu.memory_space<vmem>> -> memref<1x80x128xf32, #tpu.memory_space<vmem>>
      %dma_wait3A_58 = tpu.memref_squeeze %dma_wait3A_57 : memref<1x80x128xf32, #tpu.memory_space<vmem>> -> memref<80x128xf32, #tpu.memory_space<vmem>>
      %dma_wait3A_59 = arith.constant 0 : i32
      %dma_wait3A_60 = tpu.memref_slice %arg9[%run_scoped3A_35, %dma_wait3A_59] : memref<2x80xi32, #tpu.memory_space<vmem>> -> memref<1x80xi32, #tpu.memory_space<vmem>>
      %dma_wait3A_61 = tpu.memref_squeeze %dma_wait3A_60 : memref<1x80xi32, #tpu.memory_space<vmem>> -> memref<80xi32, #tpu.memory_space<vmem>>
      %dma_wait3A_62 = arith.constant 0 : i32
      %dma_wait3A_63 = arith.constant 0 : i32
      %dma_wait3A_64 = tpu.memref_slice %arg7[%dma_wait3A_62, %dma_wait3A_63] : memref<10240x128xf32, #tpu.memory_space<vmem_shared>> -> memref<10240x128xf32, #tpu.memory_space<vmem_shared>>
      tpu.wait_indirect_dma semaphore(%run_scoped3A_44 : memref<!tpu.dma_semaphore, #tpu.memory_space<semaphore_mem>>) src(%dma_wait3A_58 : memref<80x128xf32, #tpu.memory_space<vmem>>) dst(%dma_wait3A_64 : memref<10240x128xf32, #tpu.memory_space<vmem_shared>>)
      tpu.yield
    }) : () -> ()
    %barrier3A_36 = arith.constant 0 : index
    tpu.barrier barrier_id(%barrier3A_36)
    %mul3A_37 = arith.constant 640 : i32
    %mul3A_38 = arith.muli %arg1, %mul3A_37 : i32
    %mul3A_39 = arith.constant 10240 : i32
    %mul3A_40 = arith.muli %arg0, %mul3A_39 : i32
    %mul3A_41 = arith.constant 640 : i32
    %mul3A_42 = arith.muli %arg1, %mul3A_41 : i32
    %add3A_43 = arith.addi %mul3A_40, %mul3A_42 : i32
    "tpu.region"() ({
      %run_scoped3A_44 = tpu.sem_alloc : memref<!tpu.dma_semaphore, #tpu.memory_space<semaphore_mem>>
      %dma_start3A_45 = arith.constant 0 : i32
      %dma_start3A_46 = tpu.memref_slice %arg6[%add3A_43, %dma_start3A_45] : memref<20480x128xf32, #tpu.memory_space<hbm>> -> memref<640x128xf32, #tpu.memory_space<hbm>>
      %dma_start3A_47 = arith.constant 0 : i32
      %dma_start3A_48 = tpu.memref_slice %arg7[%mul3A_38, %dma_start3A_47] : memref<10240x128xf32, #tpu.memory_space<vmem_shared>> -> memref<640x128xf32, #tpu.memory_space<vmem_shared>>
      tpu.enqueue_dma source(%dma_start3A_48 : memref<640x128xf32, #tpu.memory_space<vmem_shared>>) target(%dma_start3A_46 : memref<640x128xf32, #tpu.memory_space<hbm>>) target_semaphore(%run_scoped3A_44 : memref<!tpu.dma_semaphore, #tpu.memory_space<semaphore_mem>>)
      %dma_wait3A_49 = arith.constant 0 : i32
      %dma_wait3A_50 = tpu.memref_slice %arg6[%add3A_43, %dma_wait3A_49] : memref<20480x128xf32, #tpu.memory_space<hbm>> -> memref<640x128xf32, #tpu.memory_space<hbm>>
      %dma_wait3A_51 = arith.constant 0 : i32
      %dma_wait3A_52 = tpu.memref_slice %arg7[%mul3A_38, %dma_wait3A_51] : memref<10240x128xf32, #tpu.memory_space<vmem_shared>> -> memref<640x128xf32, #tpu.memory_space<vmem_shared>>
      tpu.wait_dma2 semaphore(%run_scoped3A_44 : memref<!tpu.dma_semaphore, #tpu.memory_space<semaphore_mem>>) src(%dma_wait3A_52 : memref<640x128xf32, #tpu.memory_space<vmem_shared>>) dst(%dma_wait3A_50 : memref<640x128xf32, #tpu.memory_space<hbm>>)
      tpu.yield
    }) : () -> ()
    return
  }
}

#map = affine_map<(d0, d1) -> (0, 0)>
#map1 = affine_map<(d0, d1) -> (0)>
module attributes {stable_mosaic.version = 14 : i64} {
  func.func @body(%arg0: i32, %arg1: i32, %arg2: memref<10000x128xf32, #tpu.memory_space<hbm>>, %arg3: memref<320000xi32, #tpu.memory_space<hbm>>, %arg4: memref<320000xi32, #tpu.memory_space<hbm>>, %arg5: memref<640x128xf32, #tpu.memory_space<hbm>>, %arg6: memref<20480x128xf32, #tpu.memory_space<hbm>>, %arg7: memref<10240x128xf32, #tpu.memory_space<vmem_shared>>, %arg8: memref<2x80xi32, #tpu.memory_space<vmem>>, %arg9: memref<2x80xi32, #tpu.memory_space<vmem>>, %arg10: memref<2x80x128xf32, #tpu.memory_space<vmem>>, %arg11: memref<!tpu.dma_semaphore, #tpu.memory_space<semaphore_mem>>, %arg12: memref<!tpu.dma_semaphore, #tpu.memory_space<semaphore_mem>>) attributes {dimension_semantics = [#tpu.dimension_semantics<core_parallel>, #tpu.dimension_semantics<subcore_parallel>], iteration_bounds = array<i64: 2, 16>, scalar_prefetch = 0 : i64, scratch_operands = 6 : i64, tpu.core_type = #tpu.core_type<sc_vector_subcore>, window_params = [{transform_indices = #map}, {transform_indices = #map1}, {transform_indices = #map1}, {transform_indices = #map}, {transform_indices = #map}]} {
    %mul3A = arith.constant 2 : i32
    %mul3A_0 = arith.muli %arg1, %mul3A : i32
    %add3A = arith.addi %mul3A_0, %arg0 : i32
    %mul3A_1 = arith.constant 640 : i32
    %mul3A_2 = arith.muli %arg1, %mul3A_1 : i32
    "tpu.region"() ({
      %run_scoped3A_44 = tpu.sem_alloc : memref<!tpu.dma_semaphore, #tpu.memory_space<semaphore_mem>>
      %dma_start3A_45 = arith.constant 0 : i32
      %dma_start3A_46 = tpu.memref_slice %arg7[%mul3A_2, %dma_start3A_45] : memref<10240x128xf32, #tpu.memory_space<vmem_shared>> -> memref<640x128xf32, #tpu.memory_space<vmem_shared>>
      tpu.enqueue_dma source(%arg5 : memref<640x128xf32, #tpu.memory_space<hbm>>) target(%dma_start3A_46 : memref<640x128xf32, #tpu.memory_space<vmem_shared>>) target_semaphore(%run_scoped3A_44 : memref<!tpu.dma_semaphore, #tpu.memory_space<semaphore_mem>>)
      %dma_wait3A_47 = arith.constant 0 : i32
      %dma_wait3A_48 = tpu.memref_slice %arg7[%mul3A_2, %dma_wait3A_47] : memref<10240x128xf32, #tpu.memory_space<vmem_shared>> -> memref<640x128xf32, #tpu.memory_space<vmem_shared>>
      tpu.wait_dma2 semaphore(%run_scoped3A_44 : memref<!tpu.dma_semaphore, #tpu.memory_space<semaphore_mem>>) src(%arg5 : memref<640x128xf32, #tpu.memory_space<hbm>>) dst(%dma_wait3A_48 : memref<640x128xf32, #tpu.memory_space<vmem_shared>>)
      tpu.yield
    }) : () -> ()
    %barrier3A = arith.constant 0 : index
    tpu.barrier barrier_id(%barrier3A)
    %mul3A_3 = arith.constant 10000 : i32
    %mul3A_4 = arith.muli %add3A, %mul3A_3 : i32
    %add3A_5 = arith.constant 0 : i32
    %add3A_6 = arith.addi %mul3A_4, %add3A_5 : i32
    %run_scoped3A = arith.constant 0 : i32
    "tpu.region"() ({
      %run_scoped3A_44 = tpu.sem_alloc : memref<!tpu.dma_semaphore, #tpu.memory_space<semaphore_mem>>
      %dma_start3A_45 = arith.constant 0 : i32
      %dma_start3A_46 = tpu.memref_slice %arg8[%run_scoped3A, %dma_start3A_45] : memref<2x80xi32, #tpu.memory_space<vmem>> -> memref<1x80xi32, #tpu.memory_space<vmem>>
      %dma_start3A_47 = tpu.memref_squeeze %dma_start3A_46 : memref<1x80xi32, #tpu.memory_space<vmem>> -> memref<80xi32, #tpu.memory_space<vmem>>
      %dma_start3A_48 = tpu.memref_slice %arg3[%add3A_6] : memref<320000xi32, #tpu.memory_space<hbm>> -> memref<80xi32, #tpu.memory_space<hbm>>
      %dma_start3A_49 = arith.constant 0 : i32
      %dma_start3A_50 = tpu.memref_slice %arg8[%run_scoped3A, %dma_start3A_49] : memref<2x80xi32, #tpu.memory_space<vmem>> -> memref<1x80xi32, #tpu.memory_space<vmem>>
      %dma_start3A_51 = tpu.memref_squeeze %dma_start3A_50 : memref<1x80xi32, #tpu.memory_space<vmem>> -> memref<80xi32, #tpu.memory_space<vmem>>
      %dma_start3A_52 = tpu.memref_slice %arg3[%add3A_6] : memref<320000xi32, #tpu.memory_space<hbm>> -> memref<80xi32, #tpu.memory_space<hbm>>
      tpu.enqueue_dma source(%dma_start3A_52 : memref<80xi32, #tpu.memory_space<hbm>>) target(%dma_start3A_51 : memref<80xi32, #tpu.memory_space<vmem>>) target_semaphore(%run_scoped3A_44 : memref<!tpu.dma_semaphore, #tpu.memory_space<semaphore_mem>>)
      %dma_wait3A_53 = arith.constant 0 : i32
      %dma_wait3A_54 = tpu.memref_slice %arg8[%run_scoped3A, %dma_wait3A_53] : memref<2x80xi32, #tpu.memory_space<vmem>> -> memref<1x80xi32, #tpu.memory_space<vmem>>
      %dma_wait3A_55 = tpu.memref_squeeze %dma_wait3A_54 : memref<1x80xi32, #tpu.memory_space<vmem>> -> memref<80xi32, #tpu.memory_space<vmem>>
      %dma_wait3A_56 = tpu.memref_slice %arg3[%add3A_6] : memref<320000xi32, #tpu.memory_space<hbm>> -> memref<80xi32, #tpu.memory_space<hbm>>
      %dma_wait3A_57 = arith.constant 0 : i32
      %dma_wait3A_58 = tpu.memref_slice %arg8[%run_scoped3A, %dma_wait3A_57] : memref<2x80xi32, #tpu.memory_space<vmem>> -> memref<1x80xi32, #tpu.memory_space<vmem>>
      %dma_wait3A_59 = tpu.memref_squeeze %dma_wait3A_58 : memref<1x80xi32, #tpu.memory_space<vmem>> -> memref<80xi32, #tpu.memory_space<vmem>>
      %dma_wait3A_60 = tpu.memref_slice %arg3[%add3A_6] : memref<320000xi32, #tpu.memory_space<hbm>> -> memref<80xi32, #tpu.memory_space<hbm>>
      tpu.wait_dma2 semaphore(%run_scoped3A_44 : memref<!tpu.dma_semaphore, #tpu.memory_space<semaphore_mem>>) src(%dma_wait3A_60 : memref<80xi32, #tpu.memory_space<hbm>>) dst(%dma_wait3A_59 : memref<80xi32, #tpu.memory_space<vmem>>)
      tpu.yield
    }) : () -> ()
    %run_scoped3A_7 = arith.constant 0 : i32
    "tpu.region"() ({
      %run_scoped3A_44 = tpu.sem_alloc : memref<!tpu.dma_semaphore, #tpu.memory_space<semaphore_mem>>
      %dma_start3A_45 = arith.constant 0 : i32
      %dma_start3A_46 = tpu.memref_slice %arg9[%run_scoped3A_7, %dma_start3A_45] : memref<2x80xi32, #tpu.memory_space<vmem>> -> memref<1x80xi32, #tpu.memory_space<vmem>>
      %dma_start3A_47 = tpu.memref_squeeze %dma_start3A_46 : memref<1x80xi32, #tpu.memory_space<vmem>> -> memref<80xi32, #tpu.memory_space<vmem>>
      %dma_start3A_48 = tpu.memref_slice %arg4[%add3A_6] : memref<320000xi32, #tpu.memory_space<hbm>> -> memref<80xi32, #tpu.memory_space<hbm>>
      %dma_start3A_49 = arith.constant 0 : i32
      %dma_start3A_50 = tpu.memref_slice %arg9[%run_scoped3A_7, %dma_start3A_49] : memref<2x80xi32, #tpu.memory_space<vmem>> -> memref<1x80xi32, #tpu.memory_space<vmem>>
      %dma_start3A_51 = tpu.memref_squeeze %dma_start3A_50 : memref<1x80xi32, #tpu.memory_space<vmem>> -> memref<80xi32, #tpu.memory_space<vmem>>
      %dma_start3A_52 = tpu.memref_slice %arg4[%add3A_6] : memref<320000xi32, #tpu.memory_space<hbm>> -> memref<80xi32, #tpu.memory_space<hbm>>
      tpu.enqueue_dma source(%dma_start3A_52 : memref<80xi32, #tpu.memory_space<hbm>>) target(%dma_start3A_51 : memref<80xi32, #tpu.memory_space<vmem>>) target_semaphore(%run_scoped3A_44 : memref<!tpu.dma_semaphore, #tpu.memory_space<semaphore_mem>>)
      %dma_wait3A_53 = arith.constant 0 : i32
      %dma_wait3A_54 = tpu.memref_slice %arg9[%run_scoped3A_7, %dma_wait3A_53] : memref<2x80xi32, #tpu.memory_space<vmem>> -> memref<1x80xi32, #tpu.memory_space<vmem>>
      %dma_wait3A_55 = tpu.memref_squeeze %dma_wait3A_54 : memref<1x80xi32, #tpu.memory_space<vmem>> -> memref<80xi32, #tpu.memory_space<vmem>>
      %dma_wait3A_56 = tpu.memref_slice %arg4[%add3A_6] : memref<320000xi32, #tpu.memory_space<hbm>> -> memref<80xi32, #tpu.memory_space<hbm>>
      %dma_wait3A_57 = arith.constant 0 : i32
      %dma_wait3A_58 = tpu.memref_slice %arg9[%run_scoped3A_7, %dma_wait3A_57] : memref<2x80xi32, #tpu.memory_space<vmem>> -> memref<1x80xi32, #tpu.memory_space<vmem>>
      %dma_wait3A_59 = tpu.memref_squeeze %dma_wait3A_58 : memref<1x80xi32, #tpu.memory_space<vmem>> -> memref<80xi32, #tpu.memory_space<vmem>>
      %dma_wait3A_60 = tpu.memref_slice %arg4[%add3A_6] : memref<320000xi32, #tpu.memory_space<hbm>> -> memref<80xi32, #tpu.memory_space<hbm>>
      tpu.wait_dma2 semaphore(%run_scoped3A_44 : memref<!tpu.dma_semaphore, #tpu.memory_space<semaphore_mem>>) src(%dma_wait3A_60 : memref<80xi32, #tpu.memory_space<hbm>>) dst(%dma_wait3A_59 : memref<80xi32, #tpu.memory_space<vmem>>)
      tpu.yield
    }) : () -> ()
    %dma_start3A = arith.constant 0 : i32
    %dma_start3A_8 = arith.constant 0 : i32
    %dma_start3A_9 = arith.constant 0 : i32
    %dma_start3A_10 = arith.constant 0 : i32
    %dma_start3A_11 = tpu.memref_slice %arg10[%dma_start3A_8, %dma_start3A_9, %dma_start3A_10] : memref<2x80x128xf32, #tpu.memory_space<vmem>> -> memref<1x80x128xf32, #tpu.memory_space<vmem>>
    %dma_start3A_12 = tpu.memref_squeeze %dma_start3A_11 : memref<1x80x128xf32, #tpu.memory_space<vmem>> -> memref<80x128xf32, #tpu.memory_space<vmem>>
    %dma_start3A_13 = arith.constant 0 : i32
    %dma_start3A_14 = tpu.memref_slice %arg8[%dma_start3A, %dma_start3A_13] : memref<2x80xi32, #tpu.memory_space<vmem>> -> memref<1x80xi32, #tpu.memory_space<vmem>>
    %dma_start3A_15 = tpu.memref_squeeze %dma_start3A_14 : memref<1x80xi32, #tpu.memory_space<vmem>> -> memref<80xi32, #tpu.memory_space<vmem>>
    %dma_start3A_16 = arith.constant 0 : i32
    %dma_start3A_17 = arith.constant 0 : i32
    %dma_start3A_18 = tpu.memref_slice %arg2[%dma_start3A_16, %dma_start3A_17] : memref<10000x128xf32, #tpu.memory_space<hbm>> -> memref<10000x128xf32, #tpu.memory_space<hbm>>
    tpu.enqueue_indirect_dma source(%dma_start3A_18 : memref<10000x128xf32, #tpu.memory_space<hbm>>) target(%dma_start3A_12 : memref<80x128xf32, #tpu.memory_space<vmem>>) offsets(%dma_start3A_15 : memref<80xi32, #tpu.memory_space<vmem>>) semaphore(%arg11 : memref<!tpu.dma_semaphore, #tpu.memory_space<semaphore_mem>>)
    %scan3A = arith.constant 0 : i32
    %scan3A_19 = arith.constant 62 : i32
    %scan3A_20 = arith.addi %scan3A, %scan3A_19 : i32
    %scan3A_21 = arith.constant 1 : i32
    scf.for %scan3A_44 = %scan3A to %scan3A_20 step %scan3A_21  : i32 {
      %mul3A_45 = arith.constant 1 : i32
      %mul3A_46 = arith.muli %scan3A_44, %mul3A_45 : i32
      %add3A_47 = arith.constant 0 : i32
      %add3A_48 = arith.addi %add3A_47, %mul3A_46 : i32
      %mul3A_49 = arith.constant 2 : i32
      %mul3A_50 = arith.muli %mul3A_49, %add3A_48 : i32
      %add3A_51 = arith.constant 1 : i32
      %add3A_52 = arith.addi %add3A_51, %mul3A_50 : i32
      %mul3A_53 = arith.constant 80 : i32
      %mul3A_54 = arith.muli %add3A_52, %mul3A_53 : i32
      %add3A_55 = arith.addi %mul3A_4, %mul3A_54 : i32
      %run_scoped3A_56 = arith.constant 1 : i32
      "tpu.region"() ({
        %run_scoped3A_117 = tpu.sem_alloc : memref<!tpu.dma_semaphore, #tpu.memory_space<semaphore_mem>>
        %dma_start3A_118 = arith.constant 0 : i32
        %dma_start3A_119 = tpu.memref_slice %arg8[%run_scoped3A_56, %dma_start3A_118] : memref<2x80xi32, #tpu.memory_space<vmem>> -> memref<1x80xi32, #tpu.memory_space<vmem>>
        %dma_start3A_120 = tpu.memref_squeeze %dma_start3A_119 : memref<1x80xi32, #tpu.memory_space<vmem>> -> memref<80xi32, #tpu.memory_space<vmem>>
        %dma_start3A_121 = tpu.memref_slice %arg3[%add3A_55] : memref<320000xi32, #tpu.memory_space<hbm>> -> memref<80xi32, #tpu.memory_space<hbm>>
        %dma_start3A_122 = arith.constant 0 : i32
        %dma_start3A_123 = tpu.memref_slice %arg8[%run_scoped3A_56, %dma_start3A_122] : memref<2x80xi32, #tpu.memory_space<vmem>> -> memref<1x80xi32, #tpu.memory_space<vmem>>
        %dma_start3A_124 = tpu.memref_squeeze %dma_start3A_123 : memref<1x80xi32, #tpu.memory_space<vmem>> -> memref<80xi32, #tpu.memory_space<vmem>>
        %dma_start3A_125 = tpu.memref_slice %arg3[%add3A_55] : memref<320000xi32, #tpu.memory_space<hbm>> -> memref<80xi32, #tpu.memory_space<hbm>>
        tpu.enqueue_dma source(%dma_start3A_125 : memref<80xi32, #tpu.memory_space<hbm>>) target(%dma_start3A_124 : memref<80xi32, #tpu.memory_space<vmem>>) target_semaphore(%run_scoped3A_117 : memref<!tpu.dma_semaphore, #tpu.memory_space<semaphore_mem>>)
        %dma_wait3A_126 = arith.constant 0 : i32
        %dma_wait3A_127 = tpu.memref_slice %arg8[%run_scoped3A_56, %dma_wait3A_126] : memref<2x80xi32, #tpu.memory_space<vmem>> -> memref<1x80xi32, #tpu.memory_space<vmem>>
        %dma_wait3A_128 = tpu.memref_squeeze %dma_wait3A_127 : memref<1x80xi32, #tpu.memory_space<vmem>> -> memref<80xi32, #tpu.memory_space<vmem>>
        %dma_wait3A_129 = tpu.memref_slice %arg3[%add3A_55] : memref<320000xi32, #tpu.memory_space<hbm>> -> memref<80xi32, #tpu.memory_space<hbm>>
        %dma_wait3A_130 = arith.constant 0 : i32
        %dma_wait3A_131 = tpu.memref_slice %arg8[%run_scoped3A_56, %dma_wait3A_130] : memref<2x80xi32, #tpu.memory_space<vmem>> -> memref<1x80xi32, #tpu.memory_space<vmem>>
        %dma_wait3A_132 = tpu.memref_squeeze %dma_wait3A_131 : memref<1x80xi32, #tpu.memory_space<vmem>> -> memref<80xi32, #tpu.memory_space<vmem>>
        %dma_wait3A_133 = tpu.memref_slice %arg3[%add3A_55] : memref<320000xi32, #tpu.memory_space<hbm>> -> memref<80xi32, #tpu.memory_space<hbm>>
        tpu.wait_dma2 semaphore(%run_scoped3A_117 : memref<!tpu.dma_semaphore, #tpu.memory_space<semaphore_mem>>) src(%dma_wait3A_133 : memref<80xi32, #tpu.memory_space<hbm>>) dst(%dma_wait3A_132 : memref<80xi32, #tpu.memory_space<vmem>>)
        tpu.yield
      }) : () -> ()
      %run_scoped3A_57 = arith.constant 1 : i32
      "tpu.region"() ({
        %run_scoped3A_117 = tpu.sem_alloc : memref<!tpu.dma_semaphore, #tpu.memory_space<semaphore_mem>>
        %dma_start3A_118 = arith.constant 0 : i32
        %dma_start3A_119 = tpu.memref_slice %arg9[%run_scoped3A_57, %dma_start3A_118] : memref<2x80xi32, #tpu.memory_space<vmem>> -> memref<1x80xi32, #tpu.memory_space<vmem>>
        %dma_start3A_120 = tpu.memref_squeeze %dma_start3A_119 : memref<1x80xi32, #tpu.memory_space<vmem>> -> memref<80xi32, #tpu.memory_space<vmem>>
        %dma_start3A_121 = tpu.memref_slice %arg4[%add3A_55] : memref<320000xi32, #tpu.memory_space<hbm>> -> memref<80xi32, #tpu.memory_space<hbm>>
        %dma_start3A_122 = arith.constant 0 : i32
        %dma_start3A_123 = tpu.memref_slice %arg9[%run_scoped3A_57, %dma_start3A_122] : memref<2x80xi32, #tpu.memory_space<vmem>> -> memref<1x80xi32, #tpu.memory_space<vmem>>
        %dma_start3A_124 = tpu.memref_squeeze %dma_start3A_123 : memref<1x80xi32, #tpu.memory_space<vmem>> -> memref<80xi32, #tpu.memory_space<vmem>>
        %dma_start3A_125 = tpu.memref_slice %arg4[%add3A_55] : memref<320000xi32, #tpu.memory_space<hbm>> -> memref<80xi32, #tpu.memory_space<hbm>>
        tpu.enqueue_dma source(%dma_start3A_125 : memref<80xi32, #tpu.memory_space<hbm>>) target(%dma_start3A_124 : memref<80xi32, #tpu.memory_space<vmem>>) target_semaphore(%run_scoped3A_117 : memref<!tpu.dma_semaphore, #tpu.memory_space<semaphore_mem>>)
        %dma_wait3A_126 = arith.constant 0 : i32
        %dma_wait3A_127 = tpu.memref_slice %arg9[%run_scoped3A_57, %dma_wait3A_126] : memref<2x80xi32, #tpu.memory_space<vmem>> -> memref<1x80xi32, #tpu.memory_space<vmem>>
        %dma_wait3A_128 = tpu.memref_squeeze %dma_wait3A_127 : memref<1x80xi32, #tpu.memory_space<vmem>> -> memref<80xi32, #tpu.memory_space<vmem>>
        %dma_wait3A_129 = tpu.memref_slice %arg4[%add3A_55] : memref<320000xi32, #tpu.memory_space<hbm>> -> memref<80xi32, #tpu.memory_space<hbm>>
        %dma_wait3A_130 = arith.constant 0 : i32
        %dma_wait3A_131 = tpu.memref_slice %arg9[%run_scoped3A_57, %dma_wait3A_130] : memref<2x80xi32, #tpu.memory_space<vmem>> -> memref<1x80xi32, #tpu.memory_space<vmem>>
        %dma_wait3A_132 = tpu.memref_squeeze %dma_wait3A_131 : memref<1x80xi32, #tpu.memory_space<vmem>> -> memref<80xi32, #tpu.memory_space<vmem>>
        %dma_wait3A_133 = tpu.memref_slice %arg4[%add3A_55] : memref<320000xi32, #tpu.memory_space<hbm>> -> memref<80xi32, #tpu.memory_space<hbm>>
        tpu.wait_dma2 semaphore(%run_scoped3A_117 : memref<!tpu.dma_semaphore, #tpu.memory_space<semaphore_mem>>) src(%dma_wait3A_133 : memref<80xi32, #tpu.memory_space<hbm>>) dst(%dma_wait3A_132 : memref<80xi32, #tpu.memory_space<vmem>>)
        tpu.yield
      }) : () -> ()
      %dma_start3A_58 = arith.constant 1 : i32
      %dma_start3A_59 = arith.constant 1 : i32
      %dma_start3A_60 = arith.constant 0 : i32
      %dma_start3A_61 = arith.constant 0 : i32
      %dma_start3A_62 = tpu.memref_slice %arg10[%dma_start3A_59, %dma_start3A_60, %dma_start3A_61] : memref<2x80x128xf32, #tpu.memory_space<vmem>> -> memref<1x80x128xf32, #tpu.memory_space<vmem>>
      %dma_start3A_63 = tpu.memref_squeeze %dma_start3A_62 : memref<1x80x128xf32, #tpu.memory_space<vmem>> -> memref<80x128xf32, #tpu.memory_space<vmem>>
      %dma_start3A_64 = arith.constant 0 : i32
      %dma_start3A_65 = tpu.memref_slice %arg8[%dma_start3A_58, %dma_start3A_64] : memref<2x80xi32, #tpu.memory_space<vmem>> -> memref<1x80xi32, #tpu.memory_space<vmem>>
      %dma_start3A_66 = tpu.memref_squeeze %dma_start3A_65 : memref<1x80xi32, #tpu.memory_space<vmem>> -> memref<80xi32, #tpu.memory_space<vmem>>
      %dma_start3A_67 = arith.constant 0 : i32
      %dma_start3A_68 = arith.constant 0 : i32
      %dma_start3A_69 = tpu.memref_slice %arg2[%dma_start3A_67, %dma_start3A_68] : memref<10000x128xf32, #tpu.memory_space<hbm>> -> memref<10000x128xf32, #tpu.memory_space<hbm>>
      tpu.enqueue_indirect_dma source(%dma_start3A_69 : memref<10000x128xf32, #tpu.memory_space<hbm>>) target(%dma_start3A_63 : memref<80x128xf32, #tpu.memory_space<vmem>>) offsets(%dma_start3A_66 : memref<80xi32, #tpu.memory_space<vmem>>) semaphore(%arg12 : memref<!tpu.dma_semaphore, #tpu.memory_space<semaphore_mem>>)
      %dma_wait3A_70 = arith.constant 0 : i32
      %dma_wait3A_71 = arith.constant 0 : i32
      %dma_wait3A_72 = arith.constant 0 : i32
      %dma_wait3A_73 = arith.constant 0 : i32
      %dma_wait3A_74 = tpu.memref_slice %arg10[%dma_wait3A_71, %dma_wait3A_72, %dma_wait3A_73] : memref<2x80x128xf32, #tpu.memory_space<vmem>> -> memref<1x80x128xf32, #tpu.memory_space<vmem>>
      %dma_wait3A_75 = tpu.memref_squeeze %dma_wait3A_74 : memref<1x80x128xf32, #tpu.memory_space<vmem>> -> memref<80x128xf32, #tpu.memory_space<vmem>>
      %dma_wait3A_76 = arith.constant 0 : i32
      %dma_wait3A_77 = tpu.memref_slice %arg8[%dma_wait3A_70, %dma_wait3A_76] : memref<2x80xi32, #tpu.memory_space<vmem>> -> memref<1x80xi32, #tpu.memory_space<vmem>>
      %dma_wait3A_78 = tpu.memref_squeeze %dma_wait3A_77 : memref<1x80xi32, #tpu.memory_space<vmem>> -> memref<80xi32, #tpu.memory_space<vmem>>
      %dma_wait3A_79 = arith.constant 0 : i32
      %dma_wait3A_80 = arith.constant 0 : i32
      %dma_wait3A_81 = tpu.memref_slice %arg2[%dma_wait3A_79, %dma_wait3A_80] : memref<10000x128xf32, #tpu.memory_space<hbm>> -> memref<10000x128xf32, #tpu.memory_space<hbm>>
      tpu.wait_indirect_dma semaphore(%arg11 : memref<!tpu.dma_semaphore, #tpu.memory_space<semaphore_mem>>) src(%dma_wait3A_81 : memref<10000x128xf32, #tpu.memory_space<hbm>>) dst(%dma_wait3A_75 : memref<80x128xf32, #tpu.memory_space<vmem>>)
      %run_scoped3A_82 = arith.constant 0 : i32
      %run_scoped3A_83 = arith.constant 0 : i32
      "tpu.region"() ({
        %run_scoped3A_117 = tpu.sem_alloc : memref<!tpu.dma_semaphore, #tpu.memory_space<semaphore_mem>>
        %dma_start3A_118 = arith.constant 0 : i32
        %dma_start3A_119 = arith.constant 0 : i32
        %dma_start3A_120 = tpu.memref_slice %arg10[%run_scoped3A_82, %dma_start3A_118, %dma_start3A_119] : memref<2x80x128xf32, #tpu.memory_space<vmem>> -> memref<1x80x128xf32, #tpu.memory_space<vmem>>
        %dma_start3A_121 = tpu.memref_squeeze %dma_start3A_120 : memref<1x80x128xf32, #tpu.memory_space<vmem>> -> memref<80x128xf32, #tpu.memory_space<vmem>>
        %dma_start3A_122 = arith.constant 0 : i32
        %dma_start3A_123 = tpu.memref_slice %arg9[%run_scoped3A_83, %dma_start3A_122] : memref<2x80xi32, #tpu.memory_space<vmem>> -> memref<1x80xi32, #tpu.memory_space<vmem>>
        %dma_start3A_124 = tpu.memref_squeeze %dma_start3A_123 : memref<1x80xi32, #tpu.memory_space<vmem>> -> memref<80xi32, #tpu.memory_space<vmem>>
        %dma_start3A_125 = arith.constant 0 : i32
        %dma_start3A_126 = arith.constant 0 : i32
        %dma_start3A_127 = tpu.memref_slice %arg7[%dma_start3A_125, %dma_start3A_126] : memref<10240x128xf32, #tpu.memory_space<vmem_shared>> -> memref<10240x128xf32, #tpu.memory_space<vmem_shared>>
        tpu.enqueue_indirect_dma source(%dma_start3A_121 : memref<80x128xf32, #tpu.memory_space<vmem>>) target(%dma_start3A_127 : memref<10240x128xf32, #tpu.memory_space<vmem_shared>>) offsets(%dma_start3A_124 : memref<80xi32, #tpu.memory_space<vmem>>) semaphore(%run_scoped3A_117 : memref<!tpu.dma_semaphore, #tpu.memory_space<semaphore_mem>>) {add = true}
        %dma_wait3A_128 = arith.constant 0 : i32
        %dma_wait3A_129 = arith.constant 0 : i32
        %dma_wait3A_130 = tpu.memref_slice %arg10[%run_scoped3A_82, %dma_wait3A_128, %dma_wait3A_129] : memref<2x80x128xf32, #tpu.memory_space<vmem>> -> memref<1x80x128xf32, #tpu.memory_space<vmem>>
        %dma_wait3A_131 = tpu.memref_squeeze %dma_wait3A_130 : memref<1x80x128xf32, #tpu.memory_space<vmem>> -> memref<80x128xf32, #tpu.memory_space<vmem>>
        %dma_wait3A_132 = arith.constant 0 : i32
        %dma_wait3A_133 = tpu.memref_slice %arg9[%run_scoped3A_83, %dma_wait3A_132] : memref<2x80xi32, #tpu.memory_space<vmem>> -> memref<1x80xi32, #tpu.memory_space<vmem>>
        %dma_wait3A_134 = tpu.memref_squeeze %dma_wait3A_133 : memref<1x80xi32, #tpu.memory_space<vmem>> -> memref<80xi32, #tpu.memory_space<vmem>>
        %dma_wait3A_135 = arith.constant 0 : i32
        %dma_wait3A_136 = arith.constant 0 : i32
        %dma_wait3A_137 = tpu.memref_slice %arg7[%dma_wait3A_135, %dma_wait3A_136] : memref<10240x128xf32, #tpu.memory_space<vmem_shared>> -> memref<10240x128xf32, #tpu.memory_space<vmem_shared>>
        tpu.wait_indirect_dma semaphore(%run_scoped3A_117 : memref<!tpu.dma_semaphore, #tpu.memory_space<semaphore_mem>>) src(%dma_wait3A_131 : memref<80x128xf32, #tpu.memory_space<vmem>>) dst(%dma_wait3A_137 : memref<10240x128xf32, #tpu.memory_space<vmem_shared>>)
        tpu.yield
      }) : () -> ()
      %add3A_84 = arith.constant 1 : i32
      %add3A_85 = arith.addi %add3A_52, %add3A_84 : i32
      %mul3A_86 = arith.constant 80 : i32
      %mul3A_87 = arith.muli %add3A_85, %mul3A_86 : i32
      %add3A_88 = arith.addi %mul3A_4, %mul3A_87 : i32
      %run_scoped3A_89 = arith.constant 0 : i32
      "tpu.region"() ({
        %run_scoped3A_117 = tpu.sem_alloc : memref<!tpu.dma_semaphore, #tpu.memory_space<semaphore_mem>>
        %dma_start3A_118 = arith.constant 0 : i32
        %dma_start3A_119 = tpu.memref_slice %arg8[%run_scoped3A_89, %dma_start3A_118] : memref<2x80xi32, #tpu.memory_space<vmem>> -> memref<1x80xi32, #tpu.memory_space<vmem>>
        %dma_start3A_120 = tpu.memref_squeeze %dma_start3A_119 : memref<1x80xi32, #tpu.memory_space<vmem>> -> memref<80xi32, #tpu.memory_space<vmem>>
        %dma_start3A_121 = tpu.memref_slice %arg3[%add3A_88] : memref<320000xi32, #tpu.memory_space<hbm>> -> memref<80xi32, #tpu.memory_space<hbm>>
        %dma_start3A_122 = arith.constant 0 : i32
        %dma_start3A_123 = tpu.memref_slice %arg8[%run_scoped3A_89, %dma_start3A_122] : memref<2x80xi32, #tpu.memory_space<vmem>> -> memref<1x80xi32, #tpu.memory_space<vmem>>
        %dma_start3A_124 = tpu.memref_squeeze %dma_start3A_123 : memref<1x80xi32, #tpu.memory_space<vmem>> -> memref<80xi32, #tpu.memory_space<vmem>>
        %dma_start3A_125 = tpu.memref_slice %arg3[%add3A_88] : memref<320000xi32, #tpu.memory_space<hbm>> -> memref<80xi32, #tpu.memory_space<hbm>>
        tpu.enqueue_dma source(%dma_start3A_125 : memref<80xi32, #tpu.memory_space<hbm>>) target(%dma_start3A_124 : memref<80xi32, #tpu.memory_space<vmem>>) target_semaphore(%run_scoped3A_117 : memref<!tpu.dma_semaphore, #tpu.memory_space<semaphore_mem>>)
        %dma_wait3A_126 = arith.constant 0 : i32
        %dma_wait3A_127 = tpu.memref_slice %arg8[%run_scoped3A_89, %dma_wait3A_126] : memref<2x80xi32, #tpu.memory_space<vmem>> -> memref<1x80xi32, #tpu.memory_space<vmem>>
        %dma_wait3A_128 = tpu.memref_squeeze %dma_wait3A_127 : memref<1x80xi32, #tpu.memory_space<vmem>> -> memref<80xi32, #tpu.memory_space<vmem>>
        %dma_wait3A_129 = tpu.memref_slice %arg3[%add3A_88] : memref<320000xi32, #tpu.memory_space<hbm>> -> memref<80xi32, #tpu.memory_space<hbm>>
        %dma_wait3A_130 = arith.constant 0 : i32
        %dma_wait3A_131 = tpu.memref_slice %arg8[%run_scoped3A_89, %dma_wait3A_130] : memref<2x80xi32, #tpu.memory_space<vmem>> -> memref<1x80xi32, #tpu.memory_space<vmem>>
        %dma_wait3A_132 = tpu.memref_squeeze %dma_wait3A_131 : memref<1x80xi32, #tpu.memory_space<vmem>> -> memref<80xi32, #tpu.memory_space<vmem>>
        %dma_wait3A_133 = tpu.memref_slice %arg3[%add3A_88] : memref<320000xi32, #tpu.memory_space<hbm>> -> memref<80xi32, #tpu.memory_space<hbm>>
        tpu.wait_dma2 semaphore(%run_scoped3A_117 : memref<!tpu.dma_semaphore, #tpu.memory_space<semaphore_mem>>) src(%dma_wait3A_133 : memref<80xi32, #tpu.memory_space<hbm>>) dst(%dma_wait3A_132 : memref<80xi32, #tpu.memory_space<vmem>>)
        tpu.yield
      }) : () -> ()
      %run_scoped3A_90 = arith.constant 0 : i32
      "tpu.region"() ({
        %run_scoped3A_117 = tpu.sem_alloc : memref<!tpu.dma_semaphore, #tpu.memory_space<semaphore_mem>>
        %dma_start3A_118 = arith.constant 0 : i32
        %dma_start3A_119 = tpu.memref_slice %arg9[%run_scoped3A_90, %dma_start3A_118] : memref<2x80xi32, #tpu.memory_space<vmem>> -> memref<1x80xi32, #tpu.memory_space<vmem>>
        %dma_start3A_120 = tpu.memref_squeeze %dma_start3A_119 : memref<1x80xi32, #tpu.memory_space<vmem>> -> memref<80xi32, #tpu.memory_space<vmem>>
        %dma_start3A_121 = tpu.memref_slice %arg4[%add3A_88] : memref<320000xi32, #tpu.memory_space<hbm>> -> memref<80xi32, #tpu.memory_space<hbm>>
        %dma_start3A_122 = arith.constant 0 : i32
        %dma_start3A_123 = tpu.memref_slice %arg9[%run_scoped3A_90, %dma_start3A_122] : memref<2x80xi32, #tpu.memory_space<vmem>> -> memref<1x80xi32, #tpu.memory_space<vmem>>
        %dma_start3A_124 = tpu.memref_squeeze %dma_start3A_123 : memref<1x80xi32, #tpu.memory_space<vmem>> -> memref<80xi32, #tpu.memory_space<vmem>>
        %dma_start3A_125 = tpu.memref_slice %arg4[%add3A_88] : memref<320000xi32, #tpu.memory_space<hbm>> -> memref<80xi32, #tpu.memory_space<hbm>>
        tpu.enqueue_dma source(%dma_start3A_125 : memref<80xi32, #tpu.memory_space<hbm>>) target(%dma_start3A_124 : memref<80xi32, #tpu.memory_space<vmem>>) target_semaphore(%run_scoped3A_117 : memref<!tpu.dma_semaphore, #tpu.memory_space<semaphore_mem>>)
        %dma_wait3A_126 = arith.constant 0 : i32
        %dma_wait3A_127 = tpu.memref_slice %arg9[%run_scoped3A_90, %dma_wait3A_126] : memref<2x80xi32, #tpu.memory_space<vmem>> -> memref<1x80xi32, #tpu.memory_space<vmem>>
        %dma_wait3A_128 = tpu.memref_squeeze %dma_wait3A_127 : memref<1x80xi32, #tpu.memory_space<vmem>> -> memref<80xi32, #tpu.memory_space<vmem>>
        %dma_wait3A_129 = tpu.memref_slice %arg4[%add3A_88] : memref<320000xi32, #tpu.memory_space<hbm>> -> memref<80xi32, #tpu.memory_space<hbm>>
        %dma_wait3A_130 = arith.constant 0 : i32
        %dma_wait3A_131 = tpu.memref_slice %arg9[%run_scoped3A_90, %dma_wait3A_130] : memref<2x80xi32, #tpu.memory_space<vmem>> -> memref<1x80xi32, #tpu.memory_space<vmem>>
        %dma_wait3A_132 = tpu.memref_squeeze %dma_wait3A_131 : memref<1x80xi32, #tpu.memory_space<vmem>> -> memref<80xi32, #tpu.memory_space<vmem>>
        %dma_wait3A_133 = tpu.memref_slice %arg4[%add3A_88] : memref<320000xi32, #tpu.memory_space<hbm>> -> memref<80xi32, #tpu.memory_space<hbm>>
        tpu.wait_dma2 semaphore(%run_scoped3A_117 : memref<!tpu.dma_semaphore, #tpu.memory_space<semaphore_mem>>) src(%dma_wait3A_133 : memref<80xi32, #tpu.memory_space<hbm>>) dst(%dma_wait3A_132 : memref<80xi32, #tpu.memory_space<vmem>>)
        tpu.yield
      }) : () -> ()
      %dma_start3A_91 = arith.constant 0 : i32
      %dma_start3A_92 = arith.constant 0 : i32
      %dma_start3A_93 = arith.constant 0 : i32
      %dma_start3A_94 = arith.constant 0 : i32
      %dma_start3A_95 = tpu.memref_slice %arg10[%dma_start3A_92, %dma_start3A_93, %dma_start3A_94] : memref<2x80x128xf32, #tpu.memory_space<vmem>> -> memref<1x80x128xf32, #tpu.memory_space<vmem>>
      %dma_start3A_96 = tpu.memref_squeeze %dma_start3A_95 : memref<1x80x128xf32, #tpu.memory_space<vmem>> -> memref<80x128xf32, #tpu.memory_space<vmem>>
      %dma_start3A_97 = arith.constant 0 : i32
      %dma_start3A_98 = tpu.memref_slice %arg8[%dma_start3A_91, %dma_start3A_97] : memref<2x80xi32, #tpu.memory_space<vmem>> -> memref<1x80xi32, #tpu.memory_space<vmem>>
      %dma_start3A_99 = tpu.memref_squeeze %dma_start3A_98 : memref<1x80xi32, #tpu.memory_space<vmem>> -> memref<80xi32, #tpu.memory_space<vmem>>
      %dma_start3A_100 = arith.constant 0 : i32
      %dma_start3A_101 = arith.constant 0 : i32
      %dma_start3A_102 = tpu.memref_slice %arg2[%dma_start3A_100, %dma_start3A_101] : memref<10000x128xf32, #tpu.memory_space<hbm>> -> memref<10000x128xf32, #tpu.memory_space<hbm>>
      tpu.enqueue_indirect_dma source(%dma_start3A_102 : memref<10000x128xf32, #tpu.memory_space<hbm>>) target(%dma_start3A_96 : memref<80x128xf32, #tpu.memory_space<vmem>>) offsets(%dma_start3A_99 : memref<80xi32, #tpu.memory_space<vmem>>) semaphore(%arg11 : memref<!tpu.dma_semaphore, #tpu.memory_space<semaphore_mem>>)
      %dma_wait3A_103 = arith.constant 1 : i32
      %dma_wait3A_104 = arith.constant 1 : i32
      %dma_wait3A_105 = arith.constant 0 : i32
      %dma_wait3A_106 = arith.constant 0 : i32
      %dma_wait3A_107 = tpu.memref_slice %arg10[%dma_wait3A_104, %dma_wait3A_105, %dma_wait3A_106] : memref<2x80x128xf32, #tpu.memory_space<vmem>> -> memref<1x80x128xf32, #tpu.memory_space<vmem>>
      %dma_wait3A_108 = tpu.memref_squeeze %dma_wait3A_107 : memref<1x80x128xf32, #tpu.memory_space<vmem>> -> memref<80x128xf32, #tpu.memory_space<vmem>>
      %dma_wait3A_109 = arith.constant 0 : i32
      %dma_wait3A_110 = tpu.memref_slice %arg8[%dma_wait3A_103, %dma_wait3A_109] : memref<2x80xi32, #tpu.memory_space<vmem>> -> memref<1x80xi32, #tpu.memory_space<vmem>>
      %dma_wait3A_111 = tpu.memref_squeeze %dma_wait3A_110 : memref<1x80xi32, #tpu.memory_space<vmem>> -> memref<80xi32, #tpu.memory_space<vmem>>
      %dma_wait3A_112 = arith.constant 0 : i32
      %dma_wait3A_113 = arith.constant 0 : i32
      %dma_wait3A_114 = tpu.memref_slice %arg2[%dma_wait3A_112, %dma_wait3A_113] : memref<10000x128xf32, #tpu.memory_space<hbm>> -> memref<10000x128xf32, #tpu.memory_space<hbm>>
      tpu.wait_indirect_dma semaphore(%arg12 : memref<!tpu.dma_semaphore, #tpu.memory_space<semaphore_mem>>) src(%dma_wait3A_114 : memref<10000x128xf32, #tpu.memory_space<hbm>>) dst(%dma_wait3A_108 : memref<80x128xf32, #tpu.memory_space<vmem>>)
      %run_scoped3A_115 = arith.constant 1 : i32
      %run_scoped3A_116 = arith.constant 1 : i32
      "tpu.region"() ({
        %run_scoped3A_117 = tpu.sem_alloc : memref<!tpu.dma_semaphore, #tpu.memory_space<semaphore_mem>>
        %dma_start3A_118 = arith.constant 0 : i32
        %dma_start3A_119 = arith.constant 0 : i32
        %dma_start3A_120 = tpu.memref_slice %arg10[%run_scoped3A_115, %dma_start3A_118, %dma_start3A_119] : memref<2x80x128xf32, #tpu.memory_space<vmem>> -> memref<1x80x128xf32, #tpu.memory_space<vmem>>
        %dma_start3A_121 = tpu.memref_squeeze %dma_start3A_120 : memref<1x80x128xf32, #tpu.memory_space<vmem>> -> memref<80x128xf32, #tpu.memory_space<vmem>>
        %dma_start3A_122 = arith.constant 0 : i32
        %dma_start3A_123 = tpu.memref_slice %arg9[%run_scoped3A_116, %dma_start3A_122] : memref<2x80xi32, #tpu.memory_space<vmem>> -> memref<1x80xi32, #tpu.memory_space<vmem>>
        %dma_start3A_124 = tpu.memref_squeeze %dma_start3A_123 : memref<1x80xi32, #tpu.memory_space<vmem>> -> memref<80xi32, #tpu.memory_space<vmem>>
        %dma_start3A_125 = arith.constant 0 : i32
        %dma_start3A_126 = arith.constant 0 : i32
        %dma_start3A_127 = tpu.memref_slice %arg7[%dma_start3A_125, %dma_start3A_126] : memref<10240x128xf32, #tpu.memory_space<vmem_shared>> -> memref<10240x128xf32, #tpu.memory_space<vmem_shared>>
        tpu.enqueue_indirect_dma source(%dma_start3A_121 : memref<80x128xf32, #tpu.memory_space<vmem>>) target(%dma_start3A_127 : memref<10240x128xf32, #tpu.memory_space<vmem_shared>>) offsets(%dma_start3A_124 : memref<80xi32, #tpu.memory_space<vmem>>) semaphore(%run_scoped3A_117 : memref<!tpu.dma_semaphore, #tpu.memory_space<semaphore_mem>>) {add = true}
        %dma_wait3A_128 = arith.constant 0 : i32
        %dma_wait3A_129 = arith.constant 0 : i32
        %dma_wait3A_130 = tpu.memref_slice %arg10[%run_scoped3A_115, %dma_wait3A_128, %dma_wait3A_129] : memref<2x80x128xf32, #tpu.memory_space<vmem>> -> memref<1x80x128xf32, #tpu.memory_space<vmem>>
        %dma_wait3A_131 = tpu.memref_squeeze %dma_wait3A_130 : memref<1x80x128xf32, #tpu.memory_space<vmem>> -> memref<80x128xf32, #tpu.memory_space<vmem>>
        %dma_wait3A_132 = arith.constant 0 : i32
        %dma_wait3A_133 = tpu.memref_slice %arg9[%run_scoped3A_116, %dma_wait3A_132] : memref<2x80xi32, #tpu.memory_space<vmem>> -> memref<1x80xi32, #tpu.memory_space<vmem>>
        %dma_wait3A_134 = tpu.memref_squeeze %dma_wait3A_133 : memref<1x80xi32, #tpu.memory_space<vmem>> -> memref<80xi32, #tpu.memory_space<vmem>>
        %dma_wait3A_135 = arith.constant 0 : i32
        %dma_wait3A_136 = arith.constant 0 : i32
        %dma_wait3A_137 = tpu.memref_slice %arg7[%dma_wait3A_135, %dma_wait3A_136] : memref<10240x128xf32, #tpu.memory_space<vmem_shared>> -> memref<10240x128xf32, #tpu.memory_space<vmem_shared>>
        tpu.wait_indirect_dma semaphore(%run_scoped3A_117 : memref<!tpu.dma_semaphore, #tpu.memory_space<semaphore_mem>>) src(%dma_wait3A_131 : memref<80x128xf32, #tpu.memory_space<vmem>>) dst(%dma_wait3A_137 : memref<10240x128xf32, #tpu.memory_space<vmem_shared>>)
        tpu.yield
      }) : () -> ()
    }
    %scan3A_22 = arith.constant 62 : i32
    %dma_wait3A = arith.constant 0 : i32
    %dma_wait3A_23 = arith.constant 0 : i32
    %dma_wait3A_24 = arith.constant 0 : i32
    %dma_wait3A_25 = arith.constant 0 : i32
    %dma_wait3A_26 = tpu.memref_slice %arg10[%dma_wait3A_23, %dma_wait3A_24, %dma_wait3A_25] : memref<2x80x128xf32, #tpu.memory_space<vmem>> -> memref<1x80x128xf32, #tpu.memory_space<vmem>>
    %dma_wait3A_27 = tpu.memref_squeeze %dma_wait3A_26 : memref<1x80x128xf32, #tpu.memory_space<vmem>> -> memref<80x128xf32, #tpu.memory_space<vmem>>
    %dma_wait3A_28 = arith.constant 0 : i32
    %dma_wait3A_29 = tpu.memref_slice %arg8[%dma_wait3A, %dma_wait3A_28] : memref<2x80xi32, #tpu.memory_space<vmem>> -> memref<1x80xi32, #tpu.memory_space<vmem>>
    %dma_wait3A_30 = tpu.memref_squeeze %dma_wait3A_29 : memref<1x80xi32, #tpu.memory_space<vmem>> -> memref<80xi32, #tpu.memory_space<vmem>>
    %dma_wait3A_31 = arith.constant 0 : i32
    %dma_wait3A_32 = arith.constant 0 : i32
    %dma_wait3A_33 = tpu.memref_slice %arg2[%dma_wait3A_31, %dma_wait3A_32] : memref<10000x128xf32, #tpu.memory_space<hbm>> -> memref<10000x128xf32, #tpu.memory_space<hbm>>
    tpu.wait_indirect_dma semaphore(%arg11 : memref<!tpu.dma_semaphore, #tpu.memory_space<semaphore_mem>>) src(%dma_wait3A_33 : memref<10000x128xf32, #tpu.memory_space<hbm>>) dst(%dma_wait3A_27 : memref<80x128xf32, #tpu.memory_space<vmem>>)
    %run_scoped3A_34 = arith.constant 0 : i32
    %run_scoped3A_35 = arith.constant 0 : i32
    "tpu.region"() ({
      %run_scoped3A_44 = tpu.sem_alloc : memref<!tpu.dma_semaphore, #tpu.memory_space<semaphore_mem>>
      %dma_start3A_45 = arith.constant 0 : i32
      %dma_start3A_46 = arith.constant 0 : i32
      %dma_start3A_47 = tpu.memref_slice %arg10[%run_scoped3A_34, %dma_start3A_45, %dma_start3A_46] : memref<2x80x128xf32, #tpu.memory_space<vmem>> -> memref<1x80x128xf32, #tpu.memory_space<vmem>>
      %dma_start3A_48 = tpu.memref_squeeze %dma_start3A_47 : memref<1x80x128xf32, #tpu.memory_space<vmem>> -> memref<80x128xf32, #tpu.memory_space<vmem>>
      %dma_start3A_49 = arith.constant 0 : i32
      %dma_start3A_50 = tpu.memref_slice %arg9[%run_scoped3A_35, %dma_start3A_49] : memref<2x80xi32, #tpu.memory_space<vmem>> -> memref<1x80xi32, #tpu.memory_space<vmem>>
      %dma_start3A_51 = tpu.memref_squeeze %dma_start3A_50 : memref<1x80xi32, #tpu.memory_space<vmem>> -> memref<80xi32, #tpu.memory_space<vmem>>
      %dma_start3A_52 = arith.constant 0 : i32
      %dma_start3A_53 = arith.constant 0 : i32
      %dma_start3A_54 = tpu.memref_slice %arg7[%dma_start3A_52, %dma_start3A_53] : memref<10240x128xf32, #tpu.memory_space<vmem_shared>> -> memref<10240x128xf32, #tpu.memory_space<vmem_shared>>
      tpu.enqueue_indirect_dma source(%dma_start3A_48 : memref<80x128xf32, #tpu.memory_space<vmem>>) target(%dma_start3A_54 : memref<10240x128xf32, #tpu.memory_space<vmem_shared>>) offsets(%dma_start3A_51 : memref<80xi32, #tpu.memory_space<vmem>>) semaphore(%run_scoped3A_44 : memref<!tpu.dma_semaphore, #tpu.memory_space<semaphore_mem>>) {add = true}
      %dma_wait3A_55 = arith.constant 0 : i32
      %dma_wait3A_56 = arith.constant 0 : i32
      %dma_wait3A_57 = tpu.memref_slice %arg10[%run_scoped3A_34, %dma_wait3A_55, %dma_wait3A_56] : memref<2x80x128xf32, #tpu.memory_space<vmem>> -> memref<1x80x128xf32, #tpu.memory_space<vmem>>
      %dma_wait3A_58 = tpu.memref_squeeze %dma_wait3A_57 : memref<1x80x128xf32, #tpu.memory_space<vmem>> -> memref<80x128xf32, #tpu.memory_space<vmem>>
      %dma_wait3A_59 = arith.constant 0 : i32
      %dma_wait3A_60 = tpu.memref_slice %arg9[%run_scoped3A_35, %dma_wait3A_59] : memref<2x80xi32, #tpu.memory_space<vmem>> -> memref<1x80xi32, #tpu.memory_space<vmem>>
      %dma_wait3A_61 = tpu.memref_squeeze %dma_wait3A_60 : memref<1x80xi32, #tpu.memory_space<vmem>> -> memref<80xi32, #tpu.memory_space<vmem>>
      %dma_wait3A_62 = arith.constant 0 : i32
      %dma_wait3A_63 = arith.constant 0 : i32
      %dma_wait3A_64 = tpu.memref_slice %arg7[%dma_wait3A_62, %dma_wait3A_63] : memref<10240x128xf32, #tpu.memory_space<vmem_shared>> -> memref<10240x128xf32, #tpu.memory_space<vmem_shared>>
      tpu.wait_indirect_dma semaphore(%run_scoped3A_44 : memref<!tpu.dma_semaphore, #tpu.memory_space<semaphore_mem>>) src(%dma_wait3A_58 : memref<80x128xf32, #tpu.memory_space<vmem>>) dst(%dma_wait3A_64 : memref<10240x128xf32, #tpu.memory_space<vmem_shared>>)
      tpu.yield
    }) : () -> ()
    %barrier3A_36 = arith.constant 0 : index
    tpu.barrier barrier_id(%barrier3A_36)
    %mul3A_37 = arith.constant 640 : i32
    %mul3A_38 = arith.muli %arg1, %mul3A_37 : i32
    %mul3A_39 = arith.constant 10240 : i32
    %mul3A_40 = arith.muli %arg0, %mul3A_39 : i32
    %mul3A_41 = arith.constant 640 : i32
    %mul3A_42 = arith.muli %arg1, %mul3A_41 : i32
    %add3A_43 = arith.addi %mul3A_40, %mul3A_42 : i32
    "tpu.region"() ({
      %run_scoped3A_44 = tpu.sem_alloc : memref<!tpu.dma_semaphore, #tpu.memory_space<semaphore_mem>>
      %dma_start3A_45 = arith.constant 0 : i32
      %dma_start3A_46 = tpu.memref_slice %arg6[%add3A_43, %dma_start3A_45] : memref<20480x128xf32, #tpu.memory_space<hbm>> -> memref<640x128xf32, #tpu.memory_space<hbm>>
      %dma_start3A_47 = arith.constant 0 : i32
      %dma_start3A_48 = tpu.memref_slice %arg7[%mul3A_38, %dma_start3A_47] : memref<10240x128xf32, #tpu.memory_space<vmem_shared>> -> memref<640x128xf32, #tpu.memory_space<vmem_shared>>
      tpu.enqueue_dma source(%dma_start3A_48 : memref<640x128xf32, #tpu.memory_space<vmem_shared>>) target(%dma_start3A_46 : memref<640x128xf32, #tpu.memory_space<hbm>>) target_semaphore(%run_scoped3A_44 : memref<!tpu.dma_semaphore, #tpu.memory_space<semaphore_mem>>)
      %dma_wait3A_49 = arith.constant 0 : i32
      %dma_wait3A_50 = tpu.memref_slice %arg6[%add3A_43, %dma_wait3A_49] : memref<20480x128xf32, #tpu.memory_space<hbm>> -> memref<640x128xf32, #tpu.memory_space<hbm>>
      %dma_wait3A_51 = arith.constant 0 : i32
      %dma_wait3A_52 = tpu.memref_slice %arg7[%mul3A_38, %dma_wait3A_51] : memref<10240x128xf32, #tpu.memory_space<vmem_shared>> -> memref<640x128xf32, #tpu.memory_space<vmem_shared>>
      tpu.wait_dma2 semaphore(%run_scoped3A_44 : memref<!tpu.dma_semaphore, #tpu.memory_space<semaphore_mem>>) src(%dma_wait3A_52 : memref<640x128xf32, #tpu.memory_space<vmem_shared>>) dst(%dma_wait3A_50 : memref<640x128xf32, #tpu.memory_space<hbm>>)
      tpu.yield
    }) : () -> ()
    return
  }
}

#map = affine_map<(d0, d1) -> (0, 0)>
#map1 = affine_map<(d0, d1) -> (0)>
module attributes {stable_mosaic.version = 14 : i64} {
  func.func @body(%arg0: i32, %arg1: i32, %arg2: memref<10000x128xf32, #tpu.memory_space<hbm>>, %arg3: memref<320000xi32, #tpu.memory_space<hbm>>, %arg4: memref<320000xi32, #tpu.memory_space<hbm>>, %arg5: memref<640x128xf32, #tpu.memory_space<hbm>>, %arg6: memref<20480x128xf32, #tpu.memory_space<hbm>>, %arg7: memref<10240x128xf32, #tpu.memory_space<vmem_shared>>, %arg8: memref<2x80xi32, #tpu.memory_space<vmem>>, %arg9: memref<2x80xi32, #tpu.memory_space<vmem>>, %arg10: memref<2x80x128xf32, #tpu.memory_space<vmem>>, %arg11: memref<!tpu.dma_semaphore, #tpu.memory_space<semaphore_mem>>, %arg12: memref<!tpu.dma_semaphore, #tpu.memory_space<semaphore_mem>>) attributes {dimension_semantics = [#tpu.dimension_semantics<core_parallel>, #tpu.dimension_semantics<subcore_parallel>], iteration_bounds = array<i64: 2, 16>, scalar_prefetch = 0 : i64, scratch_operands = 6 : i64, tpu.core_type = #tpu.core_type<sc_vector_subcore>, window_params = [{transform_indices = #map}, {transform_indices = #map1}, {transform_indices = #map1}, {transform_indices = #map}, {transform_indices = #map}]} {
    %mul3A = arith.constant 2 : i32
    %mul3A_0 = arith.muli %arg1, %mul3A : i32
    %add3A = arith.addi %mul3A_0, %arg0 : i32
    %mul3A_1 = arith.constant 640 : i32
    %mul3A_2 = arith.muli %arg1, %mul3A_1 : i32
    "tpu.region"() ({
      %run_scoped3A_44 = tpu.sem_alloc : memref<!tpu.dma_semaphore, #tpu.memory_space<semaphore_mem>>
      %dma_start3A_45 = arith.constant 0 : i32
      %dma_start3A_46 = tpu.memref_slice %arg7[%mul3A_2, %dma_start3A_45] : memref<10240x128xf32, #tpu.memory_space<vmem_shared>> -> memref<640x128xf32, #tpu.memory_space<vmem_shared>>
      tpu.enqueue_dma source(%arg5 : memref<640x128xf32, #tpu.memory_space<hbm>>) target(%dma_start3A_46 : memref<640x128xf32, #tpu.memory_space<vmem_shared>>) target_semaphore(%run_scoped3A_44 : memref<!tpu.dma_semaphore, #tpu.memory_space<semaphore_mem>>)
      %dma_wait3A_47 = arith.constant 0 : i32
      %dma_wait3A_48 = tpu.memref_slice %arg7[%mul3A_2, %dma_wait3A_47] : memref<10240x128xf32, #tpu.memory_space<vmem_shared>> -> memref<640x128xf32, #tpu.memory_space<vmem_shared>>
      tpu.wait_dma2 semaphore(%run_scoped3A_44 : memref<!tpu.dma_semaphore, #tpu.memory_space<semaphore_mem>>) src(%arg5 : memref<640x128xf32, #tpu.memory_space<hbm>>) dst(%dma_wait3A_48 : memref<640x128xf32, #tpu.memory_space<vmem_shared>>)
      tpu.yield
    }) : () -> ()
    %barrier3A = arith.constant 0 : index
    tpu.barrier barrier_id(%barrier3A)
    %mul3A_3 = arith.constant 10000 : i32
    %mul3A_4 = arith.muli %add3A, %mul3A_3 : i32
    %add3A_5 = arith.constant 0 : i32
    %add3A_6 = arith.addi %mul3A_4, %add3A_5 : i32
    %run_scoped3A = arith.constant 0 : i32
    "tpu.region"() ({
      %run_scoped3A_44 = tpu.sem_alloc : memref<!tpu.dma_semaphore, #tpu.memory_space<semaphore_mem>>
      %dma_start3A_45 = arith.constant 0 : i32
      %dma_start3A_46 = tpu.memref_slice %arg8[%run_scoped3A, %dma_start3A_45] : memref<2x80xi32, #tpu.memory_space<vmem>> -> memref<1x80xi32, #tpu.memory_space<vmem>>
      %dma_start3A_47 = tpu.memref_squeeze %dma_start3A_46 : memref<1x80xi32, #tpu.memory_space<vmem>> -> memref<80xi32, #tpu.memory_space<vmem>>
      %dma_start3A_48 = tpu.memref_slice %arg3[%add3A_6] : memref<320000xi32, #tpu.memory_space<hbm>> -> memref<80xi32, #tpu.memory_space<hbm>>
      %dma_start3A_49 = arith.constant 0 : i32
      %dma_start3A_50 = tpu.memref_slice %arg8[%run_scoped3A, %dma_start3A_49] : memref<2x80xi32, #tpu.memory_space<vmem>> -> memref<1x80xi32, #tpu.memory_space<vmem>>
      %dma_start3A_51 = tpu.memref_squeeze %dma_start3A_50 : memref<1x80xi32, #tpu.memory_space<vmem>> -> memref<80xi32, #tpu.memory_space<vmem>>
      %dma_start3A_52 = tpu.memref_slice %arg3[%add3A_6] : memref<320000xi32, #tpu.memory_space<hbm>> -> memref<80xi32, #tpu.memory_space<hbm>>
      tpu.enqueue_dma source(%dma_start3A_52 : memref<80xi32, #tpu.memory_space<hbm>>) target(%dma_start3A_51 : memref<80xi32, #tpu.memory_space<vmem>>) target_semaphore(%run_scoped3A_44 : memref<!tpu.dma_semaphore, #tpu.memory_space<semaphore_mem>>)
      %dma_wait3A_53 = arith.constant 0 : i32
      %dma_wait3A_54 = tpu.memref_slice %arg8[%run_scoped3A, %dma_wait3A_53] : memref<2x80xi32, #tpu.memory_space<vmem>> -> memref<1x80xi32, #tpu.memory_space<vmem>>
      %dma_wait3A_55 = tpu.memref_squeeze %dma_wait3A_54 : memref<1x80xi32, #tpu.memory_space<vmem>> -> memref<80xi32, #tpu.memory_space<vmem>>
      %dma_wait3A_56 = tpu.memref_slice %arg3[%add3A_6] : memref<320000xi32, #tpu.memory_space<hbm>> -> memref<80xi32, #tpu.memory_space<hbm>>
      %dma_wait3A_57 = arith.constant 0 : i32
      %dma_wait3A_58 = tpu.memref_slice %arg8[%run_scoped3A, %dma_wait3A_57] : memref<2x80xi32, #tpu.memory_space<vmem>> -> memref<1x80xi32, #tpu.memory_space<vmem>>
      %dma_wait3A_59 = tpu.memref_squeeze %dma_wait3A_58 : memref<1x80xi32, #tpu.memory_space<vmem>> -> memref<80xi32, #tpu.memory_space<vmem>>
      %dma_wait3A_60 = tpu.memref_slice %arg3[%add3A_6] : memref<320000xi32, #tpu.memory_space<hbm>> -> memref<80xi32, #tpu.memory_space<hbm>>
      tpu.wait_dma2 semaphore(%run_scoped3A_44 : memref<!tpu.dma_semaphore, #tpu.memory_space<semaphore_mem>>) src(%dma_wait3A_60 : memref<80xi32, #tpu.memory_space<hbm>>) dst(%dma_wait3A_59 : memref<80xi32, #tpu.memory_space<vmem>>)
      tpu.yield
    }) : () -> ()
    %run_scoped3A_7 = arith.constant 0 : i32
    "tpu.region"() ({
      %run_scoped3A_44 = tpu.sem_alloc : memref<!tpu.dma_semaphore, #tpu.memory_space<semaphore_mem>>
      %dma_start3A_45 = arith.constant 0 : i32
      %dma_start3A_46 = tpu.memref_slice %arg9[%run_scoped3A_7, %dma_start3A_45] : memref<2x80xi32, #tpu.memory_space<vmem>> -> memref<1x80xi32, #tpu.memory_space<vmem>>
      %dma_start3A_47 = tpu.memref_squeeze %dma_start3A_46 : memref<1x80xi32, #tpu.memory_space<vmem>> -> memref<80xi32, #tpu.memory_space<vmem>>
      %dma_start3A_48 = tpu.memref_slice %arg4[%add3A_6] : memref<320000xi32, #tpu.memory_space<hbm>> -> memref<80xi32, #tpu.memory_space<hbm>>
      %dma_start3A_49 = arith.constant 0 : i32
      %dma_start3A_50 = tpu.memref_slice %arg9[%run_scoped3A_7, %dma_start3A_49] : memref<2x80xi32, #tpu.memory_space<vmem>> -> memref<1x80xi32, #tpu.memory_space<vmem>>
      %dma_start3A_51 = tpu.memref_squeeze %dma_start3A_50 : memref<1x80xi32, #tpu.memory_space<vmem>> -> memref<80xi32, #tpu.memory_space<vmem>>
      %dma_start3A_52 = tpu.memref_slice %arg4[%add3A_6] : memref<320000xi32, #tpu.memory_space<hbm>> -> memref<80xi32, #tpu.memory_space<hbm>>
      tpu.enqueue_dma source(%dma_start3A_52 : memref<80xi32, #tpu.memory_space<hbm>>) target(%dma_start3A_51 : memref<80xi32, #tpu.memory_space<vmem>>) target_semaphore(%run_scoped3A_44 : memref<!tpu.dma_semaphore, #tpu.memory_space<semaphore_mem>>)
      %dma_wait3A_53 = arith.constant 0 : i32
      %dma_wait3A_54 = tpu.memref_slice %arg9[%run_scoped3A_7, %dma_wait3A_53] : memref<2x80xi32, #tpu.memory_space<vmem>> -> memref<1x80xi32, #tpu.memory_space<vmem>>
      %dma_wait3A_55 = tpu.memref_squeeze %dma_wait3A_54 : memref<1x80xi32, #tpu.memory_space<vmem>> -> memref<80xi32, #tpu.memory_space<vmem>>
      %dma_wait3A_56 = tpu.memref_slice %arg4[%add3A_6] : memref<320000xi32, #tpu.memory_space<hbm>> -> memref<80xi32, #tpu.memory_space<hbm>>
      %dma_wait3A_57 = arith.constant 0 : i32
      %dma_wait3A_58 = tpu.memref_slice %arg9[%run_scoped3A_7, %dma_wait3A_57] : memref<2x80xi32, #tpu.memory_space<vmem>> -> memref<1x80xi32, #tpu.memory_space<vmem>>
      %dma_wait3A_59 = tpu.memref_squeeze %dma_wait3A_58 : memref<1x80xi32, #tpu.memory_space<vmem>> -> memref<80xi32, #tpu.memory_space<vmem>>
      %dma_wait3A_60 = tpu.memref_slice %arg4[%add3A_6] : memref<320000xi32, #tpu.memory_space<hbm>> -> memref<80xi32, #tpu.memory_space<hbm>>
      tpu.wait_dma2 semaphore(%run_scoped3A_44 : memref<!tpu.dma_semaphore, #tpu.memory_space<semaphore_mem>>) src(%dma_wait3A_60 : memref<80xi32, #tpu.memory_space<hbm>>) dst(%dma_wait3A_59 : memref<80xi32, #tpu.memory_space<vmem>>)
      tpu.yield
    }) : () -> ()
    %dma_start3A = arith.constant 0 : i32
    %dma_start3A_8 = arith.constant 0 : i32
    %dma_start3A_9 = arith.constant 0 : i32
    %dma_start3A_10 = arith.constant 0 : i32
    %dma_start3A_11 = tpu.memref_slice %arg10[%dma_start3A_8, %dma_start3A_9, %dma_start3A_10] : memref<2x80x128xf32, #tpu.memory_space<vmem>> -> memref<1x80x128xf32, #tpu.memory_space<vmem>>
    %dma_start3A_12 = tpu.memref_squeeze %dma_start3A_11 : memref<1x80x128xf32, #tpu.memory_space<vmem>> -> memref<80x128xf32, #tpu.memory_space<vmem>>
    %dma_start3A_13 = arith.constant 0 : i32
    %dma_start3A_14 = tpu.memref_slice %arg8[%dma_start3A, %dma_start3A_13] : memref<2x80xi32, #tpu.memory_space<vmem>> -> memref<1x80xi32, #tpu.memory_space<vmem>>
    %dma_start3A_15 = tpu.memref_squeeze %dma_start3A_14 : memref<1x80xi32, #tpu.memory_space<vmem>> -> memref<80xi32, #tpu.memory_space<vmem>>
    %dma_start3A_16 = arith.constant 0 : i32
    %dma_start3A_17 = arith.constant 0 : i32
    %dma_start3A_18 = tpu.memref_slice %arg2[%dma_start3A_16, %dma_start3A_17] : memref<10000x128xf32, #tpu.memory_space<hbm>> -> memref<10000x128xf32, #tpu.memory_space<hbm>>
    tpu.enqueue_indirect_dma source(%dma_start3A_18 : memref<10000x128xf32, #tpu.memory_space<hbm>>) target(%dma_start3A_12 : memref<80x128xf32, #tpu.memory_space<vmem>>) offsets(%dma_start3A_15 : memref<80xi32, #tpu.memory_space<vmem>>) semaphore(%arg11 : memref<!tpu.dma_semaphore, #tpu.memory_space<semaphore_mem>>)
    %scan3A = arith.constant 0 : i32
    %scan3A_19 = arith.constant 62 : i32
    %scan3A_20 = arith.addi %scan3A, %scan3A_19 : i32
    %scan3A_21 = arith.constant 1 : i32
    scf.for %scan3A_44 = %scan3A to %scan3A_20 step %scan3A_21  : i32 {
      %mul3A_45 = arith.constant 1 : i32
      %mul3A_46 = arith.muli %scan3A_44, %mul3A_45 : i32
      %add3A_47 = arith.constant 0 : i32
      %add3A_48 = arith.addi %add3A_47, %mul3A_46 : i32
      %mul3A_49 = arith.constant 2 : i32
      %mul3A_50 = arith.muli %mul3A_49, %add3A_48 : i32
      %add3A_51 = arith.constant 1 : i32
      %add3A_52 = arith.addi %add3A_51, %mul3A_50 : i32
      %mul3A_53 = arith.constant 80 : i32
      %mul3A_54 = arith.muli %add3A_52, %mul3A_53 : i32
      %add3A_55 = arith.addi %mul3A_4, %mul3A_54 : i32
      %run_scoped3A_56 = arith.constant 1 : i32
      "tpu.region"() ({
        %run_scoped3A_117 = tpu.sem_alloc : memref<!tpu.dma_semaphore, #tpu.memory_space<semaphore_mem>>
        %dma_start3A_118 = arith.constant 0 : i32
        %dma_start3A_119 = tpu.memref_slice %arg8[%run_scoped3A_56, %dma_start3A_118] : memref<2x80xi32, #tpu.memory_space<vmem>> -> memref<1x80xi32, #tpu.memory_space<vmem>>
        %dma_start3A_120 = tpu.memref_squeeze %dma_start3A_119 : memref<1x80xi32, #tpu.memory_space<vmem>> -> memref<80xi32, #tpu.memory_space<vmem>>
        %dma_start3A_121 = tpu.memref_slice %arg3[%add3A_55] : memref<320000xi32, #tpu.memory_space<hbm>> -> memref<80xi32, #tpu.memory_space<hbm>>
        %dma_start3A_122 = arith.constant 0 : i32
        %dma_start3A_123 = tpu.memref_slice %arg8[%run_scoped3A_56, %dma_start3A_122] : memref<2x80xi32, #tpu.memory_space<vmem>> -> memref<1x80xi32, #tpu.memory_space<vmem>>
        %dma_start3A_124 = tpu.memref_squeeze %dma_start3A_123 : memref<1x80xi32, #tpu.memory_space<vmem>> -> memref<80xi32, #tpu.memory_space<vmem>>
        %dma_start3A_125 = tpu.memref_slice %arg3[%add3A_55] : memref<320000xi32, #tpu.memory_space<hbm>> -> memref<80xi32, #tpu.memory_space<hbm>>
        tpu.enqueue_dma source(%dma_start3A_125 : memref<80xi32, #tpu.memory_space<hbm>>) target(%dma_start3A_124 : memref<80xi32, #tpu.memory_space<vmem>>) target_semaphore(%run_scoped3A_117 : memref<!tpu.dma_semaphore, #tpu.memory_space<semaphore_mem>>)
        %dma_wait3A_126 = arith.constant 0 : i32
        %dma_wait3A_127 = tpu.memref_slice %arg8[%run_scoped3A_56, %dma_wait3A_126] : memref<2x80xi32, #tpu.memory_space<vmem>> -> memref<1x80xi32, #tpu.memory_space<vmem>>
        %dma_wait3A_128 = tpu.memref_squeeze %dma_wait3A_127 : memref<1x80xi32, #tpu.memory_space<vmem>> -> memref<80xi32, #tpu.memory_space<vmem>>
        %dma_wait3A_129 = tpu.memref_slice %arg3[%add3A_55] : memref<320000xi32, #tpu.memory_space<hbm>> -> memref<80xi32, #tpu.memory_space<hbm>>
        %dma_wait3A_130 = arith.constant 0 : i32
        %dma_wait3A_131 = tpu.memref_slice %arg8[%run_scoped3A_56, %dma_wait3A_130] : memref<2x80xi32, #tpu.memory_space<vmem>> -> memref<1x80xi32, #tpu.memory_space<vmem>>
        %dma_wait3A_132 = tpu.memref_squeeze %dma_wait3A_131 : memref<1x80xi32, #tpu.memory_space<vmem>> -> memref<80xi32, #tpu.memory_space<vmem>>
        %dma_wait3A_133 = tpu.memref_slice %arg3[%add3A_55] : memref<320000xi32, #tpu.memory_space<hbm>> -> memref<80xi32, #tpu.memory_space<hbm>>
        tpu.wait_dma2 semaphore(%run_scoped3A_117 : memref<!tpu.dma_semaphore, #tpu.memory_space<semaphore_mem>>) src(%dma_wait3A_133 : memref<80xi32, #tpu.memory_space<hbm>>) dst(%dma_wait3A_132 : memref<80xi32, #tpu.memory_space<vmem>>)
        tpu.yield
      }) : () -> ()
      %run_scoped3A_57 = arith.constant 1 : i32
      "tpu.region"() ({
        %run_scoped3A_117 = tpu.sem_alloc : memref<!tpu.dma_semaphore, #tpu.memory_space<semaphore_mem>>
        %dma_start3A_118 = arith.constant 0 : i32
        %dma_start3A_119 = tpu.memref_slice %arg9[%run_scoped3A_57, %dma_start3A_118] : memref<2x80xi32, #tpu.memory_space<vmem>> -> memref<1x80xi32, #tpu.memory_space<vmem>>
        %dma_start3A_120 = tpu.memref_squeeze %dma_start3A_119 : memref<1x80xi32, #tpu.memory_space<vmem>> -> memref<80xi32, #tpu.memory_space<vmem>>
        %dma_start3A_121 = tpu.memref_slice %arg4[%add3A_55] : memref<320000xi32, #tpu.memory_space<hbm>> -> memref<80xi32, #tpu.memory_space<hbm>>
        %dma_start3A_122 = arith.constant 0 : i32
        %dma_start3A_123 = tpu.memref_slice %arg9[%run_scoped3A_57, %dma_start3A_122] : memref<2x80xi32, #tpu.memory_space<vmem>> -> memref<1x80xi32, #tpu.memory_space<vmem>>
        %dma_start3A_124 = tpu.memref_squeeze %dma_start3A_123 : memref<1x80xi32, #tpu.memory_space<vmem>> -> memref<80xi32, #tpu.memory_space<vmem>>
        %dma_start3A_125 = tpu.memref_slice %arg4[%add3A_55] : memref<320000xi32, #tpu.memory_space<hbm>> -> memref<80xi32, #tpu.memory_space<hbm>>
        tpu.enqueue_dma source(%dma_start3A_125 : memref<80xi32, #tpu.memory_space<hbm>>) target(%dma_start3A_124 : memref<80xi32, #tpu.memory_space<vmem>>) target_semaphore(%run_scoped3A_117 : memref<!tpu.dma_semaphore, #tpu.memory_space<semaphore_mem>>)
        %dma_wait3A_126 = arith.constant 0 : i32
        %dma_wait3A_127 = tpu.memref_slice %arg9[%run_scoped3A_57, %dma_wait3A_126] : memref<2x80xi32, #tpu.memory_space<vmem>> -> memref<1x80xi32, #tpu.memory_space<vmem>>
        %dma_wait3A_128 = tpu.memref_squeeze %dma_wait3A_127 : memref<1x80xi32, #tpu.memory_space<vmem>> -> memref<80xi32, #tpu.memory_space<vmem>>
        %dma_wait3A_129 = tpu.memref_slice %arg4[%add3A_55] : memref<320000xi32, #tpu.memory_space<hbm>> -> memref<80xi32, #tpu.memory_space<hbm>>
        %dma_wait3A_130 = arith.constant 0 : i32
        %dma_wait3A_131 = tpu.memref_slice %arg9[%run_scoped3A_57, %dma_wait3A_130] : memref<2x80xi32, #tpu.memory_space<vmem>> -> memref<1x80xi32, #tpu.memory_space<vmem>>
        %dma_wait3A_132 = tpu.memref_squeeze %dma_wait3A_131 : memref<1x80xi32, #tpu.memory_space<vmem>> -> memref<80xi32, #tpu.memory_space<vmem>>
        %dma_wait3A_133 = tpu.memref_slice %arg4[%add3A_55] : memref<320000xi32, #tpu.memory_space<hbm>> -> memref<80xi32, #tpu.memory_space<hbm>>
        tpu.wait_dma2 semaphore(%run_scoped3A_117 : memref<!tpu.dma_semaphore, #tpu.memory_space<semaphore_mem>>) src(%dma_wait3A_133 : memref<80xi32, #tpu.memory_space<hbm>>) dst(%dma_wait3A_132 : memref<80xi32, #tpu.memory_space<vmem>>)
        tpu.yield
      }) : () -> ()
      %dma_start3A_58 = arith.constant 1 : i32
      %dma_start3A_59 = arith.constant 1 : i32
      %dma_start3A_60 = arith.constant 0 : i32
      %dma_start3A_61 = arith.constant 0 : i32
      %dma_start3A_62 = tpu.memref_slice %arg10[%dma_start3A_59, %dma_start3A_60, %dma_start3A_61] : memref<2x80x128xf32, #tpu.memory_space<vmem>> -> memref<1x80x128xf32, #tpu.memory_space<vmem>>
      %dma_start3A_63 = tpu.memref_squeeze %dma_start3A_62 : memref<1x80x128xf32, #tpu.memory_space<vmem>> -> memref<80x128xf32, #tpu.memory_space<vmem>>
      %dma_start3A_64 = arith.constant 0 : i32
      %dma_start3A_65 = tpu.memref_slice %arg8[%dma_start3A_58, %dma_start3A_64] : memref<2x80xi32, #tpu.memory_space<vmem>> -> memref<1x80xi32, #tpu.memory_space<vmem>>
      %dma_start3A_66 = tpu.memref_squeeze %dma_start3A_65 : memref<1x80xi32, #tpu.memory_space<vmem>> -> memref<80xi32, #tpu.memory_space<vmem>>
      %dma_start3A_67 = arith.constant 0 : i32
      %dma_start3A_68 = arith.constant 0 : i32
      %dma_start3A_69 = tpu.memref_slice %arg2[%dma_start3A_67, %dma_start3A_68] : memref<10000x128xf32, #tpu.memory_space<hbm>> -> memref<10000x128xf32, #tpu.memory_space<hbm>>
      tpu.enqueue_indirect_dma source(%dma_start3A_69 : memref<10000x128xf32, #tpu.memory_space<hbm>>) target(%dma_start3A_63 : memref<80x128xf32, #tpu.memory_space<vmem>>) offsets(%dma_start3A_66 : memref<80xi32, #tpu.memory_space<vmem>>) semaphore(%arg12 : memref<!tpu.dma_semaphore, #tpu.memory_space<semaphore_mem>>)
      %dma_wait3A_70 = arith.constant 0 : i32
      %dma_wait3A_71 = arith.constant 0 : i32
      %dma_wait3A_72 = arith.constant 0 : i32
      %dma_wait3A_73 = arith.constant 0 : i32
      %dma_wait3A_74 = tpu.memref_slice %arg10[%dma_wait3A_71, %dma_wait3A_72, %dma_wait3A_73] : memref<2x80x128xf32, #tpu.memory_space<vmem>> -> memref<1x80x128xf32, #tpu.memory_space<vmem>>
      %dma_wait3A_75 = tpu.memref_squeeze %dma_wait3A_74 : memref<1x80x128xf32, #tpu.memory_space<vmem>> -> memref<80x128xf32, #tpu.memory_space<vmem>>
      %dma_wait3A_76 = arith.constant 0 : i32
      %dma_wait3A_77 = tpu.memref_slice %arg8[%dma_wait3A_70, %dma_wait3A_76] : memref<2x80xi32, #tpu.memory_space<vmem>> -> memref<1x80xi32, #tpu.memory_space<vmem>>
      %dma_wait3A_78 = tpu.memref_squeeze %dma_wait3A_77 : memref<1x80xi32, #tpu.memory_space<vmem>> -> memref<80xi32, #tpu.memory_space<vmem>>
      %dma_wait3A_79 = arith.constant 0 : i32
      %dma_wait3A_80 = arith.constant 0 : i32
      %dma_wait3A_81 = tpu.memref_slice %arg2[%dma_wait3A_79, %dma_wait3A_80] : memref<10000x128xf32, #tpu.memory_space<hbm>> -> memref<10000x128xf32, #tpu.memory_space<hbm>>
      tpu.wait_indirect_dma semaphore(%arg11 : memref<!tpu.dma_semaphore, #tpu.memory_space<semaphore_mem>>) src(%dma_wait3A_81 : memref<10000x128xf32, #tpu.memory_space<hbm>>) dst(%dma_wait3A_75 : memref<80x128xf32, #tpu.memory_space<vmem>>)
      %run_scoped3A_82 = arith.constant 0 : i32
      %run_scoped3A_83 = arith.constant 0 : i32
      "tpu.region"() ({
        %run_scoped3A_117 = tpu.sem_alloc : memref<!tpu.dma_semaphore, #tpu.memory_space<semaphore_mem>>
        %dma_start3A_118 = arith.constant 0 : i32
        %dma_start3A_119 = arith.constant 0 : i32
        %dma_start3A_120 = tpu.memref_slice %arg10[%run_scoped3A_82, %dma_start3A_118, %dma_start3A_119] : memref<2x80x128xf32, #tpu.memory_space<vmem>> -> memref<1x80x128xf32, #tpu.memory_space<vmem>>
        %dma_start3A_121 = tpu.memref_squeeze %dma_start3A_120 : memref<1x80x128xf32, #tpu.memory_space<vmem>> -> memref<80x128xf32, #tpu.memory_space<vmem>>
        %dma_start3A_122 = arith.constant 0 : i32
        %dma_start3A_123 = tpu.memref_slice %arg9[%run_scoped3A_83, %dma_start3A_122] : memref<2x80xi32, #tpu.memory_space<vmem>> -> memref<1x80xi32, #tpu.memory_space<vmem>>
        %dma_start3A_124 = tpu.memref_squeeze %dma_start3A_123 : memref<1x80xi32, #tpu.memory_space<vmem>> -> memref<80xi32, #tpu.memory_space<vmem>>
        %dma_start3A_125 = arith.constant 0 : i32
        %dma_start3A_126 = arith.constant 0 : i32
        %dma_start3A_127 = tpu.memref_slice %arg7[%dma_start3A_125, %dma_start3A_126] : memref<10240x128xf32, #tpu.memory_space<vmem_shared>> -> memref<10240x128xf32, #tpu.memory_space<vmem_shared>>
        tpu.enqueue_indirect_dma source(%dma_start3A_121 : memref<80x128xf32, #tpu.memory_space<vmem>>) target(%dma_start3A_127 : memref<10240x128xf32, #tpu.memory_space<vmem_shared>>) offsets(%dma_start3A_124 : memref<80xi32, #tpu.memory_space<vmem>>) semaphore(%run_scoped3A_117 : memref<!tpu.dma_semaphore, #tpu.memory_space<semaphore_mem>>) {add = true}
        %dma_wait3A_128 = arith.constant 0 : i32
        %dma_wait3A_129 = arith.constant 0 : i32
        %dma_wait3A_130 = tpu.memref_slice %arg10[%run_scoped3A_82, %dma_wait3A_128, %dma_wait3A_129] : memref<2x80x128xf32, #tpu.memory_space<vmem>> -> memref<1x80x128xf32, #tpu.memory_space<vmem>>
        %dma_wait3A_131 = tpu.memref_squeeze %dma_wait3A_130 : memref<1x80x128xf32, #tpu.memory_space<vmem>> -> memref<80x128xf32, #tpu.memory_space<vmem>>
        %dma_wait3A_132 = arith.constant 0 : i32
        %dma_wait3A_133 = tpu.memref_slice %arg9[%run_scoped3A_83, %dma_wait3A_132] : memref<2x80xi32, #tpu.memory_space<vmem>> -> memref<1x80xi32, #tpu.memory_space<vmem>>
        %dma_wait3A_134 = tpu.memref_squeeze %dma_wait3A_133 : memref<1x80xi32, #tpu.memory_space<vmem>> -> memref<80xi32, #tpu.memory_space<vmem>>
        %dma_wait3A_135 = arith.constant 0 : i32
        %dma_wait3A_136 = arith.constant 0 : i32
        %dma_wait3A_137 = tpu.memref_slice %arg7[%dma_wait3A_135, %dma_wait3A_136] : memref<10240x128xf32, #tpu.memory_space<vmem_shared>> -> memref<10240x128xf32, #tpu.memory_space<vmem_shared>>
        tpu.wait_indirect_dma semaphore(%run_scoped3A_117 : memref<!tpu.dma_semaphore, #tpu.memory_space<semaphore_mem>>) src(%dma_wait3A_131 : memref<80x128xf32, #tpu.memory_space<vmem>>) dst(%dma_wait3A_137 : memref<10240x128xf32, #tpu.memory_space<vmem_shared>>)
        tpu.yield
      }) : () -> ()
      %add3A_84 = arith.constant 1 : i32
      %add3A_85 = arith.addi %add3A_52, %add3A_84 : i32
      %mul3A_86 = arith.constant 80 : i32
      %mul3A_87 = arith.muli %add3A_85, %mul3A_86 : i32
      %add3A_88 = arith.addi %mul3A_4, %mul3A_87 : i32
      %run_scoped3A_89 = arith.constant 0 : i32
      "tpu.region"() ({
        %run_scoped3A_117 = tpu.sem_alloc : memref<!tpu.dma_semaphore, #tpu.memory_space<semaphore_mem>>
        %dma_start3A_118 = arith.constant 0 : i32
        %dma_start3A_119 = tpu.memref_slice %arg8[%run_scoped3A_89, %dma_start3A_118] : memref<2x80xi32, #tpu.memory_space<vmem>> -> memref<1x80xi32, #tpu.memory_space<vmem>>
        %dma_start3A_120 = tpu.memref_squeeze %dma_start3A_119 : memref<1x80xi32, #tpu.memory_space<vmem>> -> memref<80xi32, #tpu.memory_space<vmem>>
        %dma_start3A_121 = tpu.memref_slice %arg3[%add3A_88] : memref<320000xi32, #tpu.memory_space<hbm>> -> memref<80xi32, #tpu.memory_space<hbm>>
        %dma_start3A_122 = arith.constant 0 : i32
        %dma_start3A_123 = tpu.memref_slice %arg8[%run_scoped3A_89, %dma_start3A_122] : memref<2x80xi32, #tpu.memory_space<vmem>> -> memref<1x80xi32, #tpu.memory_space<vmem>>
        %dma_start3A_124 = tpu.memref_squeeze %dma_start3A_123 : memref<1x80xi32, #tpu.memory_space<vmem>> -> memref<80xi32, #tpu.memory_space<vmem>>
        %dma_start3A_125 = tpu.memref_slice %arg3[%add3A_88] : memref<320000xi32, #tpu.memory_space<hbm>> -> memref<80xi32, #tpu.memory_space<hbm>>
        tpu.enqueue_dma source(%dma_start3A_125 : memref<80xi32, #tpu.memory_space<hbm>>) target(%dma_start3A_124 : memref<80xi32, #tpu.memory_space<vmem>>) target_semaphore(%run_scoped3A_117 : memref<!tpu.dma_semaphore, #tpu.memory_space<semaphore_mem>>)
        %dma_wait3A_126 = arith.constant 0 : i32
        %dma_wait3A_127 = tpu.memref_slice %arg8[%run_scoped3A_89, %dma_wait3A_126] : memref<2x80xi32, #tpu.memory_space<vmem>> -> memref<1x80xi32, #tpu.memory_space<vmem>>
        %dma_wait3A_128 = tpu.memref_squeeze %dma_wait3A_127 : memref<1x80xi32, #tpu.memory_space<vmem>> -> memref<80xi32, #tpu.memory_space<vmem>>
        %dma_wait3A_129 = tpu.memref_slice %arg3[%add3A_88] : memref<320000xi32, #tpu.memory_space<hbm>> -> memref<80xi32, #tpu.memory_space<hbm>>
        %dma_wait3A_130 = arith.constant 0 : i32
        %dma_wait3A_131 = tpu.memref_slice %arg8[%run_scoped3A_89, %dma_wait3A_130] : memref<2x80xi32, #tpu.memory_space<vmem>> -> memref<1x80xi32, #tpu.memory_space<vmem>>
        %dma_wait3A_132 = tpu.memref_squeeze %dma_wait3A_131 : memref<1x80xi32, #tpu.memory_space<vmem>> -> memref<80xi32, #tpu.memory_space<vmem>>
        %dma_wait3A_133 = tpu.memref_slice %arg3[%add3A_88] : memref<320000xi32, #tpu.memory_space<hbm>> -> memref<80xi32, #tpu.memory_space<hbm>>
        tpu.wait_dma2 semaphore(%run_scoped3A_117 : memref<!tpu.dma_semaphore, #tpu.memory_space<semaphore_mem>>) src(%dma_wait3A_133 : memref<80xi32, #tpu.memory_space<hbm>>) dst(%dma_wait3A_132 : memref<80xi32, #tpu.memory_space<vmem>>)
        tpu.yield
      }) : () -> ()
      %run_scoped3A_90 = arith.constant 0 : i32
      "tpu.region"() ({
        %run_scoped3A_117 = tpu.sem_alloc : memref<!tpu.dma_semaphore, #tpu.memory_space<semaphore_mem>>
        %dma_start3A_118 = arith.constant 0 : i32
        %dma_start3A_119 = tpu.memref_slice %arg9[%run_scoped3A_90, %dma_start3A_118] : memref<2x80xi32, #tpu.memory_space<vmem>> -> memref<1x80xi32, #tpu.memory_space<vmem>>
        %dma_start3A_120 = tpu.memref_squeeze %dma_start3A_119 : memref<1x80xi32, #tpu.memory_space<vmem>> -> memref<80xi32, #tpu.memory_space<vmem>>
        %dma_start3A_121 = tpu.memref_slice %arg4[%add3A_88] : memref<320000xi32, #tpu.memory_space<hbm>> -> memref<80xi32, #tpu.memory_space<hbm>>
        %dma_start3A_122 = arith.constant 0 : i32
        %dma_start3A_123 = tpu.memref_slice %arg9[%run_scoped3A_90, %dma_start3A_122] : memref<2x80xi32, #tpu.memory_space<vmem>> -> memref<1x80xi32, #tpu.memory_space<vmem>>
        %dma_start3A_124 = tpu.memref_squeeze %dma_start3A_123 : memref<1x80xi32, #tpu.memory_space<vmem>> -> memref<80xi32, #tpu.memory_space<vmem>>
        %dma_start3A_125 = tpu.memref_slice %arg4[%add3A_88] : memref<320000xi32, #tpu.memory_space<hbm>> -> memref<80xi32, #tpu.memory_space<hbm>>
        tpu.enqueue_dma source(%dma_start3A_125 : memref<80xi32, #tpu.memory_space<hbm>>) target(%dma_start3A_124 : memref<80xi32, #tpu.memory_space<vmem>>) target_semaphore(%run_scoped3A_117 : memref<!tpu.dma_semaphore, #tpu.memory_space<semaphore_mem>>)
        %dma_wait3A_126 = arith.constant 0 : i32
        %dma_wait3A_127 = tpu.memref_slice %arg9[%run_scoped3A_90, %dma_wait3A_126] : memref<2x80xi32, #tpu.memory_space<vmem>> -> memref<1x80xi32, #tpu.memory_space<vmem>>
        %dma_wait3A_128 = tpu.memref_squeeze %dma_wait3A_127 : memref<1x80xi32, #tpu.memory_space<vmem>> -> memref<80xi32, #tpu.memory_space<vmem>>
        %dma_wait3A_129 = tpu.memref_slice %arg4[%add3A_88] : memref<320000xi32, #tpu.memory_space<hbm>> -> memref<80xi32, #tpu.memory_space<hbm>>
        %dma_wait3A_130 = arith.constant 0 : i32
        %dma_wait3A_131 = tpu.memref_slice %arg9[%run_scoped3A_90, %dma_wait3A_130] : memref<2x80xi32, #tpu.memory_space<vmem>> -> memref<1x80xi32, #tpu.memory_space<vmem>>
        %dma_wait3A_132 = tpu.memref_squeeze %dma_wait3A_131 : memref<1x80xi32, #tpu.memory_space<vmem>> -> memref<80xi32, #tpu.memory_space<vmem>>
        %dma_wait3A_133 = tpu.memref_slice %arg4[%add3A_88] : memref<320000xi32, #tpu.memory_space<hbm>> -> memref<80xi32, #tpu.memory_space<hbm>>
        tpu.wait_dma2 semaphore(%run_scoped3A_117 : memref<!tpu.dma_semaphore, #tpu.memory_space<semaphore_mem>>) src(%dma_wait3A_133 : memref<80xi32, #tpu.memory_space<hbm>>) dst(%dma_wait3A_132 : memref<80xi32, #tpu.memory_space<vmem>>)
        tpu.yield
      }) : () -> ()
      %dma_start3A_91 = arith.constant 0 : i32
      %dma_start3A_92 = arith.constant 0 : i32
      %dma_start3A_93 = arith.constant 0 : i32
      %dma_start3A_94 = arith.constant 0 : i32
      %dma_start3A_95 = tpu.memref_slice %arg10[%dma_start3A_92, %dma_start3A_93, %dma_start3A_94] : memref<2x80x128xf32, #tpu.memory_space<vmem>> -> memref<1x80x128xf32, #tpu.memory_space<vmem>>
      %dma_start3A_96 = tpu.memref_squeeze %dma_start3A_95 : memref<1x80x128xf32, #tpu.memory_space<vmem>> -> memref<80x128xf32, #tpu.memory_space<vmem>>
      %dma_start3A_97 = arith.constant 0 : i32
      %dma_start3A_98 = tpu.memref_slice %arg8[%dma_start3A_91, %dma_start3A_97] : memref<2x80xi32, #tpu.memory_space<vmem>> -> memref<1x80xi32, #tpu.memory_space<vmem>>
      %dma_start3A_99 = tpu.memref_squeeze %dma_start3A_98 : memref<1x80xi32, #tpu.memory_space<vmem>> -> memref<80xi32, #tpu.memory_space<vmem>>
      %dma_start3A_100 = arith.constant 0 : i32
      %dma_start3A_101 = arith.constant 0 : i32
      %dma_start3A_102 = tpu.memref_slice %arg2[%dma_start3A_100, %dma_start3A_101] : memref<10000x128xf32, #tpu.memory_space<hbm>> -> memref<10000x128xf32, #tpu.memory_space<hbm>>
      tpu.enqueue_indirect_dma source(%dma_start3A_102 : memref<10000x128xf32, #tpu.memory_space<hbm>>) target(%dma_start3A_96 : memref<80x128xf32, #tpu.memory_space<vmem>>) offsets(%dma_start3A_99 : memref<80xi32, #tpu.memory_space<vmem>>) semaphore(%arg11 : memref<!tpu.dma_semaphore, #tpu.memory_space<semaphore_mem>>)
      %dma_wait3A_103 = arith.constant 1 : i32
      %dma_wait3A_104 = arith.constant 1 : i32
      %dma_wait3A_105 = arith.constant 0 : i32
      %dma_wait3A_106 = arith.constant 0 : i32
      %dma_wait3A_107 = tpu.memref_slice %arg10[%dma_wait3A_104, %dma_wait3A_105, %dma_wait3A_106] : memref<2x80x128xf32, #tpu.memory_space<vmem>> -> memref<1x80x128xf32, #tpu.memory_space<vmem>>
      %dma_wait3A_108 = tpu.memref_squeeze %dma_wait3A_107 : memref<1x80x128xf32, #tpu.memory_space<vmem>> -> memref<80x128xf32, #tpu.memory_space<vmem>>
      %dma_wait3A_109 = arith.constant 0 : i32
      %dma_wait3A_110 = tpu.memref_slice %arg8[%dma_wait3A_103, %dma_wait3A_109] : memref<2x80xi32, #tpu.memory_space<vmem>> -> memref<1x80xi32, #tpu.memory_space<vmem>>
      %dma_wait3A_111 = tpu.memref_squeeze %dma_wait3A_110 : memref<1x80xi32, #tpu.memory_space<vmem>> -> memref<80xi32, #tpu.memory_space<vmem>>
      %dma_wait3A_112 = arith.constant 0 : i32
      %dma_wait3A_113 = arith.constant 0 : i32
      %dma_wait3A_114 = tpu.memref_slice %arg2[%dma_wait3A_112, %dma_wait3A_113] : memref<10000x128xf32, #tpu.memory_space<hbm>> -> memref<10000x128xf32, #tpu.memory_space<hbm>>
      tpu.wait_indirect_dma semaphore(%arg12 : memref<!tpu.dma_semaphore, #tpu.memory_space<semaphore_mem>>) src(%dma_wait3A_114 : memref<10000x128xf32, #tpu.memory_space<hbm>>) dst(%dma_wait3A_108 : memref<80x128xf32, #tpu.memory_space<vmem>>)
      %run_scoped3A_115 = arith.constant 1 : i32
      %run_scoped3A_116 = arith.constant 1 : i32
      "tpu.region"() ({
        %run_scoped3A_117 = tpu.sem_alloc : memref<!tpu.dma_semaphore, #tpu.memory_space<semaphore_mem>>
        %dma_start3A_118 = arith.constant 0 : i32
        %dma_start3A_119 = arith.constant 0 : i32
        %dma_start3A_120 = tpu.memref_slice %arg10[%run_scoped3A_115, %dma_start3A_118, %dma_start3A_119] : memref<2x80x128xf32, #tpu.memory_space<vmem>> -> memref<1x80x128xf32, #tpu.memory_space<vmem>>
        %dma_start3A_121 = tpu.memref_squeeze %dma_start3A_120 : memref<1x80x128xf32, #tpu.memory_space<vmem>> -> memref<80x128xf32, #tpu.memory_space<vmem>>
        %dma_start3A_122 = arith.constant 0 : i32
        %dma_start3A_123 = tpu.memref_slice %arg9[%run_scoped3A_116, %dma_start3A_122] : memref<2x80xi32, #tpu.memory_space<vmem>> -> memref<1x80xi32, #tpu.memory_space<vmem>>
        %dma_start3A_124 = tpu.memref_squeeze %dma_start3A_123 : memref<1x80xi32, #tpu.memory_space<vmem>> -> memref<80xi32, #tpu.memory_space<vmem>>
        %dma_start3A_125 = arith.constant 0 : i32
        %dma_start3A_126 = arith.constant 0 : i32
        %dma_start3A_127 = tpu.memref_slice %arg7[%dma_start3A_125, %dma_start3A_126] : memref<10240x128xf32, #tpu.memory_space<vmem_shared>> -> memref<10240x128xf32, #tpu.memory_space<vmem_shared>>
        tpu.enqueue_indirect_dma source(%dma_start3A_121 : memref<80x128xf32, #tpu.memory_space<vmem>>) target(%dma_start3A_127 : memref<10240x128xf32, #tpu.memory_space<vmem_shared>>) offsets(%dma_start3A_124 : memref<80xi32, #tpu.memory_space<vmem>>) semaphore(%run_scoped3A_117 : memref<!tpu.dma_semaphore, #tpu.memory_space<semaphore_mem>>) {add = true}
        %dma_wait3A_128 = arith.constant 0 : i32
        %dma_wait3A_129 = arith.constant 0 : i32
        %dma_wait3A_130 = tpu.memref_slice %arg10[%run_scoped3A_115, %dma_wait3A_128, %dma_wait3A_129] : memref<2x80x128xf32, #tpu.memory_space<vmem>> -> memref<1x80x128xf32, #tpu.memory_space<vmem>>
        %dma_wait3A_131 = tpu.memref_squeeze %dma_wait3A_130 : memref<1x80x128xf32, #tpu.memory_space<vmem>> -> memref<80x128xf32, #tpu.memory_space<vmem>>
        %dma_wait3A_132 = arith.constant 0 : i32
        %dma_wait3A_133 = tpu.memref_slice %arg9[%run_scoped3A_116, %dma_wait3A_132] : memref<2x80xi32, #tpu.memory_space<vmem>> -> memref<1x80xi32, #tpu.memory_space<vmem>>
        %dma_wait3A_134 = tpu.memref_squeeze %dma_wait3A_133 : memref<1x80xi32, #tpu.memory_space<vmem>> -> memref<80xi32, #tpu.memory_space<vmem>>
        %dma_wait3A_135 = arith.constant 0 : i32
        %dma_wait3A_136 = arith.constant 0 : i32
        %dma_wait3A_137 = tpu.memref_slice %arg7[%dma_wait3A_135, %dma_wait3A_136] : memref<10240x128xf32, #tpu.memory_space<vmem_shared>> -> memref<10240x128xf32, #tpu.memory_space<vmem_shared>>
        tpu.wait_indirect_dma semaphore(%run_scoped3A_117 : memref<!tpu.dma_semaphore, #tpu.memory_space<semaphore_mem>>) src(%dma_wait3A_131 : memref<80x128xf32, #tpu.memory_space<vmem>>) dst(%dma_wait3A_137 : memref<10240x128xf32, #tpu.memory_space<vmem_shared>>)
        tpu.yield
      }) : () -> ()
    }
    %scan3A_22 = arith.constant 62 : i32
    %dma_wait3A = arith.constant 0 : i32
    %dma_wait3A_23 = arith.constant 0 : i32
    %dma_wait3A_24 = arith.constant 0 : i32
    %dma_wait3A_25 = arith.constant 0 : i32
    %dma_wait3A_26 = tpu.memref_slice %arg10[%dma_wait3A_23, %dma_wait3A_24, %dma_wait3A_25] : memref<2x80x128xf32, #tpu.memory_space<vmem>> -> memref<1x80x128xf32, #tpu.memory_space<vmem>>
    %dma_wait3A_27 = tpu.memref_squeeze %dma_wait3A_26 : memref<1x80x128xf32, #tpu.memory_space<vmem>> -> memref<80x128xf32, #tpu.memory_space<vmem>>
    %dma_wait3A_28 = arith.constant 0 : i32
    %dma_wait3A_29 = tpu.memref_slice %arg8[%dma_wait3A, %dma_wait3A_28] : memref<2x80xi32, #tpu.memory_space<vmem>> -> memref<1x80xi32, #tpu.memory_space<vmem>>
    %dma_wait3A_30 = tpu.memref_squeeze %dma_wait3A_29 : memref<1x80xi32, #tpu.memory_space<vmem>> -> memref<80xi32, #tpu.memory_space<vmem>>
    %dma_wait3A_31 = arith.constant 0 : i32
    %dma_wait3A_32 = arith.constant 0 : i32
    %dma_wait3A_33 = tpu.memref_slice %arg2[%dma_wait3A_31, %dma_wait3A_32] : memref<10000x128xf32, #tpu.memory_space<hbm>> -> memref<10000x128xf32, #tpu.memory_space<hbm>>
    tpu.wait_indirect_dma semaphore(%arg11 : memref<!tpu.dma_semaphore, #tpu.memory_space<semaphore_mem>>) src(%dma_wait3A_33 : memref<10000x128xf32, #tpu.memory_space<hbm>>) dst(%dma_wait3A_27 : memref<80x128xf32, #tpu.memory_space<vmem>>)
    %run_scoped3A_34 = arith.constant 0 : i32
    %run_scoped3A_35 = arith.constant 0 : i32
    "tpu.region"() ({
      %run_scoped3A_44 = tpu.sem_alloc : memref<!tpu.dma_semaphore, #tpu.memory_space<semaphore_mem>>
      %dma_start3A_45 = arith.constant 0 : i32
      %dma_start3A_46 = arith.constant 0 : i32
      %dma_start3A_47 = tpu.memref_slice %arg10[%run_scoped3A_34, %dma_start3A_45, %dma_start3A_46] : memref<2x80x128xf32, #tpu.memory_space<vmem>> -> memref<1x80x128xf32, #tpu.memory_space<vmem>>
      %dma_start3A_48 = tpu.memref_squeeze %dma_start3A_47 : memref<1x80x128xf32, #tpu.memory_space<vmem>> -> memref<80x128xf32, #tpu.memory_space<vmem>>
      %dma_start3A_49 = arith.constant 0 : i32
      %dma_start3A_50 = tpu.memref_slice %arg9[%run_scoped3A_35, %dma_start3A_49] : memref<2x80xi32, #tpu.memory_space<vmem>> -> memref<1x80xi32, #tpu.memory_space<vmem>>
      %dma_start3A_51 = tpu.memref_squeeze %dma_start3A_50 : memref<1x80xi32, #tpu.memory_space<vmem>> -> memref<80xi32, #tpu.memory_space<vmem>>
      %dma_start3A_52 = arith.constant 0 : i32
      %dma_start3A_53 = arith.constant 0 : i32
      %dma_start3A_54 = tpu.memref_slice %arg7[%dma_start3A_52, %dma_start3A_53] : memref<10240x128xf32, #tpu.memory_space<vmem_shared>> -> memref<10240x128xf32, #tpu.memory_space<vmem_shared>>
      tpu.enqueue_indirect_dma source(%dma_start3A_48 : memref<80x128xf32, #tpu.memory_space<vmem>>) target(%dma_start3A_54 : memref<10240x128xf32, #tpu.memory_space<vmem_shared>>) offsets(%dma_start3A_51 : memref<80xi32, #tpu.memory_space<vmem>>) semaphore(%run_scoped3A_44 : memref<!tpu.dma_semaphore, #tpu.memory_space<semaphore_mem>>) {add = true}
      %dma_wait3A_55 = arith.constant 0 : i32
      %dma_wait3A_56 = arith.constant 0 : i32
      %dma_wait3A_57 = tpu.memref_slice %arg10[%run_scoped3A_34, %dma_wait3A_55, %dma_wait3A_56] : memref<2x80x128xf32, #tpu.memory_space<vmem>> -> memref<1x80x128xf32, #tpu.memory_space<vmem>>
      %dma_wait3A_58 = tpu.memref_squeeze %dma_wait3A_57 : memref<1x80x128xf32, #tpu.memory_space<vmem>> -> memref<80x128xf32, #tpu.memory_space<vmem>>
      %dma_wait3A_59 = arith.constant 0 : i32
      %dma_wait3A_60 = tpu.memref_slice %arg9[%run_scoped3A_35, %dma_wait3A_59] : memref<2x80xi32, #tpu.memory_space<vmem>> -> memref<1x80xi32, #tpu.memory_space<vmem>>
      %dma_wait3A_61 = tpu.memref_squeeze %dma_wait3A_60 : memref<1x80xi32, #tpu.memory_space<vmem>> -> memref<80xi32, #tpu.memory_space<vmem>>
      %dma_wait3A_62 = arith.constant 0 : i32
      %dma_wait3A_63 = arith.constant 0 : i32
      %dma_wait3A_64 = tpu.memref_slice %arg7[%dma_wait3A_62, %dma_wait3A_63] : memref<10240x128xf32, #tpu.memory_space<vmem_shared>> -> memref<10240x128xf32, #tpu.memory_space<vmem_shared>>
      tpu.wait_indirect_dma semaphore(%run_scoped3A_44 : memref<!tpu.dma_semaphore, #tpu.memory_space<semaphore_mem>>) src(%dma_wait3A_58 : memref<80x128xf32, #tpu.memory_space<vmem>>) dst(%dma_wait3A_64 : memref<10240x128xf32, #tpu.memory_space<vmem_shared>>)
      tpu.yield
    }) : () -> ()
    %barrier3A_36 = arith.constant 0 : index
    tpu.barrier barrier_id(%barrier3A_36)
    %mul3A_37 = arith.constant 640 : i32
    %mul3A_38 = arith.muli %arg1, %mul3A_37 : i32
    %mul3A_39 = arith.constant 10240 : i32
    %mul3A_40 = arith.muli %arg0, %mul3A_39 : i32
    %mul3A_41 = arith.constant 640 : i32
    %mul3A_42 = arith.muli %arg1, %mul3A_41 : i32
    %add3A_43 = arith.addi %mul3A_40, %mul3A_42 : i32
    "tpu.region"() ({
      %run_scoped3A_44 = tpu.sem_alloc : memref<!tpu.dma_semaphore, #tpu.memory_space<semaphore_mem>>
      %dma_start3A_45 = arith.constant 0 : i32
      %dma_start3A_46 = tpu.memref_slice %arg6[%add3A_43, %dma_start3A_45] : memref<20480x128xf32, #tpu.memory_space<hbm>> -> memref<640x128xf32, #tpu.memory_space<hbm>>
      %dma_start3A_47 = arith.constant 0 : i32
      %dma_start3A_48 = tpu.memref_slice %arg7[%mul3A_38, %dma_start3A_47] : memref<10240x128xf32, #tpu.memory_space<vmem_shared>> -> memref<640x128xf32, #tpu.memory_space<vmem_shared>>
      tpu.enqueue_dma source(%dma_start3A_48 : memref<640x128xf32, #tpu.memory_space<vmem_shared>>) target(%dma_start3A_46 : memref<640x128xf32, #tpu.memory_space<hbm>>) target_semaphore(%run_scoped3A_44 : memref<!tpu.dma_semaphore, #tpu.memory_space<semaphore_mem>>)
      %dma_wait3A_49 = arith.constant 0 : i32
      %dma_wait3A_50 = tpu.memref_slice %arg6[%add3A_43, %dma_wait3A_49] : memref<20480x128xf32, #tpu.memory_space<hbm>> -> memref<640x128xf32, #tpu.memory_space<hbm>>
      %dma_wait3A_51 = arith.constant 0 : i32
      %dma_wait3A_52 = tpu.memref_slice %arg7[%mul3A_38, %dma_wait3A_51] : memref<10240x128xf32, #tpu.memory_space<vmem_shared>> -> memref<640x128xf32, #tpu.memory_space<vmem_shared>>
      tpu.wait_dma2 semaphore(%run_scoped3A_44 : memref<!tpu.dma_semaphore, #tpu.memory_space<semaphore_mem>>) src(%dma_wait3A_52 : memref<640x128xf32, #tpu.memory_space<vmem_shared>>) dst(%dma_wait3A_50 : memref<640x128xf32, #tpu.memory_space<hbm>>)
      tpu.yield
    }) : () -> ()
    return
  }
}

module attributes {stable_mosaic.version = 14 : i64} {
  func.func @body(%arg0: i32, %arg1: memref<1000x128xf32, #tpu.memory_space<vmem>>, %arg2: memref<128x128xf32, #tpu.memory_space<vmem>>, %arg3: memref<128x128xf32, #tpu.memory_space<vmem>>, %arg4: memref<1x128xf32, #tpu.memory_space<vmem>>, %arg5: memref<1000x128xf32, #tpu.memory_space<vmem>>, %arg6: memref<1000x128xf32, #tpu.memory_space<vmem>>) attributes {dimension_semantics = [#tpu.dimension_semantics<arbitrary>], iteration_bounds = array<i64: 10>, scalar_prefetch = 0 : i64, scratch_operands = 0 : i64, tpu.core_type = #tpu.core_type<tc>, window_params = [{transform_indices = @transform_0, window_bounds = array<i64: 1000, 128>}, {pipeline_mode = #tpu.pipeline_mode<synchronous>, transform_indices = @transform_1, window_bounds = array<i64: 128, 128>}, {pipeline_mode = #tpu.pipeline_mode<synchronous>, transform_indices = @transform_2, window_bounds = array<i64: 128, 128>}, {pipeline_mode = #tpu.pipeline_mode<synchronous>, transform_indices = @transform_3, window_bounds = array<i64: 1, 128>}, {transform_indices = @transform_4, window_bounds = array<i64: 1000, 128>}, {transform_indices = @transform_5, window_bounds = array<i64: 1000, 128>}]} {
    %get3A = arith.constant 0 : index
    %get3A_0 = arith.constant 0 : index
    %get3A_1 = vector.load %arg1[%get3A, %get3A_0] : memref<1000x128xf32, #tpu.memory_space<vmem>>, vector<1000x128xf32>
    %get3A_2 = arith.constant 0 : index
    %get3A_3 = arith.constant 0 : index
    %get3A_4 = vector.load %arg2[%get3A_2, %get3A_3] : memref<128x128xf32, #tpu.memory_space<vmem>>, vector<128x128xf32>
    %dot_general3A = arith.constant dense<0.000000e+00> : vector<1000x128xf32>
    %dot_general3A_5 = tpu.matmul %get3A_1, %get3A_4, %dot_general3A {dimension_numbers = #tpu.dot_dimension_numbers<[1], [0], [0], [1], [0, 0, 1, 1], [], []>, transpose_lhs_hint = false} : vector<1000x128xf32>, vector<128x128xf32>, vector<1000x128xf32> -> vector<1000x128xf32>
    %swap3A = arith.constant 0 : index
    %swap3A_6 = arith.constant 0 : index
    %swap3A_7 = vector.load %arg5[%swap3A, %swap3A_6] : memref<1000x128xf32, #tpu.memory_space<vmem>>, vector<1000x128xf32>
    tpu.vector_store %arg5[%swap3A, %swap3A_6], %dot_general3A_5 {strides = array<i32>} : memref<1000x128xf32, #tpu.memory_space<vmem>>, vector<1000x128xf32>,
    %get3A_8 = arith.constant 0 : index
    %get3A_9 = arith.constant 0 : index
    %get3A_10 = vector.load %arg3[%get3A_8, %get3A_9] : memref<128x128xf32, #tpu.memory_space<vmem>>, vector<128x128xf32>
    %dot_general3A_11 = arith.constant dense<0.000000e+00> : vector<1000x128xf32>
    %dot_general3A_12 = tpu.matmul %get3A_1, %get3A_10, %dot_general3A_11 {dimension_numbers = #tpu.dot_dimension_numbers<[1], [0], [0], [1], [0, 0, 1, 1], [], []>, transpose_lhs_hint = false} : vector<1000x128xf32>, vector<128x128xf32>, vector<1000x128xf32> -> vector<1000x128xf32>
    %get3A_13 = arith.constant 0 : index
    %get3A_14 = arith.constant 0 : index
    %get3A_15 = vector.load %arg4[%get3A_13, %get3A_14] : memref<1x128xf32, #tpu.memory_space<vmem>>, vector<1x128xf32>
    %add3A = vector.broadcast %get3A_15 : vector<1x128xf32> to vector<1000x128xf32>
    %add3A_16 = arith.addf %dot_general3A_12, %add3A : vector<1000x128xf32>
    %swap3A_17 = arith.constant 0 : index
    %swap3A_18 = arith.constant 0 : index
    %swap3A_19 = vector.load %arg6[%swap3A_17, %swap3A_18] : memref<1000x128xf32, #tpu.memory_space<vmem>>, vector<1000x128xf32>
    tpu.vector_store %arg6[%swap3A_17, %swap3A_18], %add3A_16 {strides = array<i32>} : memref<1000x128xf32, #tpu.memory_space<vmem>>, vector<1000x128xf32>,
    return
  }
  func.func @transform_0(%arg0: i32) -> (i32, i32) {
    %c0_i32 = arith.constant 0 : i32
    %c0_i32_0 = arith.constant 0 : i32
    return %arg0, %c0_i32 : i32, i32
  }
  func.func @transform_1(%arg0: i32) -> (i32, i32) {
    %c0_i32 = arith.constant 0 : i32
    %c0_i32_0 = arith.constant 0 : i32
    %c0_i32_1 = arith.constant 0 : i32
    return %c0_i32, %c0_i32_0 : i32, i32
  }
  func.func @transform_2(%arg0: i32) -> (i32, i32) {
    %c0_i32 = arith.constant 0 : i32
    %c0_i32_0 = arith.constant 0 : i32
    %c0_i32_1 = arith.constant 0 : i32
    return %c0_i32, %c0_i32_0 : i32, i32
  }
  func.func @transform_3(%arg0: i32) -> (i32, i32) {
    %c0_i32 = arith.constant 0 : i32
    %c0_i32_0 = arith.constant 0 : i32
    %c0_i32_1 = arith.constant 0 : i32
    return %c0_i32, %c0_i32_0 : i32, i32
  }
  func.func @transform_4(%arg0: i32) -> (i32, i32) {
    %c0_i32 = arith.constant 0 : i32
    %c0_i32_0 = arith.constant 0 : i32
    return %arg0, %c0_i32 : i32, i32
  }
  func.func @transform_5(%arg0: i32) -> (i32, i32) {
    %c0_i32 = arith.constant 0 : i32
    %c0_i32_0 = arith.constant 0 : i32
    return %arg0, %c0_i32 : i32, i32
  }
}

module attributes {stable_mosaic.version = 14 : i64} {
  func.func @body(%arg0: i32, %arg1: memref<2x1000x128xf32, #tpu.memory_space<vmem>>, %arg2: memref<2x1000x128xf32, #tpu.memory_space<vmem>>, %arg3: memref<1000x128xf32, #tpu.memory_space<vmem>>, %arg4: memref<128x128xf32, #tpu.memory_space<vmem>>, %arg5: memref<128x128xf32, #tpu.memory_space<vmem>>, %arg6: memref<1x128xf32, #tpu.memory_space<vmem>>, %arg7: memref<1x128xf32, #tpu.memory_space<vmem>>, %arg8: memref<1x128xf32, #tpu.memory_space<vmem>>, %arg9: memref<1000x128xf32, #tpu.memory_space<vmem>>, %arg10: memref<1000x128xf32, #tpu.memory_space<vmem>>) attributes {dimension_semantics = [#tpu.dimension_semantics<arbitrary>], iteration_bounds = array<i64: 10>, scalar_prefetch = 0 : i64, scratch_operands = 0 : i64, tpu.core_type = #tpu.core_type<tc>, window_params = [{transform_indices = @transform_0, window_bounds = array<i64: 2, 1000, 128>}, {transform_indices = @transform_1, window_bounds = array<i64: 2, 1000, 128>}, {transform_indices = @transform_2, window_bounds = array<i64: 1000, 128>}, {pipeline_mode = #tpu.pipeline_mode<synchronous>, transform_indices = @transform_3, window_bounds = array<i64: 128, 128>}, {pipeline_mode = #tpu.pipeline_mode<synchronous>, transform_indices = @transform_4, window_bounds = array<i64: 128, 128>}, {pipeline_mode = #tpu.pipeline_mode<synchronous>, transform_indices = @transform_5, window_bounds = array<i64: 1, 128>}, {pipeline_mode = #tpu.pipeline_mode<synchronous>, transform_indices = @transform_6, window_bounds = array<i64: 1, 128>}, {pipeline_mode = #tpu.pipeline_mode<synchronous>, transform_indices = @transform_7, window_bounds = array<i64: 1, 128>}, {transform_indices = @transform_8, window_bounds = array<i64: 1000, 128>}, {transform_indices = @transform_9, window_bounds = array<i64: 1000, 128>}]} {
    %get3A = arith.constant 0 : index
    %get3A_0 = arith.constant 0 : index
    %get3A_1 = arith.constant 0 : index
    %get3A_2 = vector.load %arg1[%get3A, %get3A_0, %get3A_1] : memref<2x1000x128xf32, #tpu.memory_space<vmem>>, vector<1x1000x128xf32>
    %get3A_3 = vector.shape_cast %get3A_2 : vector<1x1000x128xf32> to vector<1000x128xf32>
    %get3A_4 = arith.constant 1 : index
    %get3A_5 = arith.constant 0 : index
    %get3A_6 = arith.constant 0 : index
    %get3A_7 = vector.load %arg1[%get3A_4, %get3A_5, %get3A_6] : memref<2x1000x128xf32, #tpu.memory_space<vmem>>, vector<1x1000x128xf32>
    %get3A_8 = vector.shape_cast %get3A_7 : vector<1x1000x128xf32> to vector<1000x128xf32>
    %add3A = arith.addf %get3A_3, %get3A_8 : vector<1000x128xf32>
    %get3A_9 = arith.constant 0 : index
    %get3A_10 = arith.constant 0 : index
    %get3A_11 = arith.constant 0 : index
    %get3A_12 = vector.load %arg2[%get3A_9, %get3A_10, %get3A_11] : memref<2x1000x128xf32, #tpu.memory_space<vmem>>, vector<1x1000x1xf32>
    %get3A_13 = vector.shape_cast %get3A_12 : vector<1x1000x1xf32> to vector<1000x1xf32>
    %get3A_14 = arith.constant 1 : index
    %get3A_15 = arith.constant 0 : index
    %get3A_16 = arith.constant 0 : index
    %get3A_17 = vector.load %arg2[%get3A_14, %get3A_15, %get3A_16] : memref<2x1000x128xf32, #tpu.memory_space<vmem>>, vector<1x1000x1xf32>
    %get3A_18 = vector.shape_cast %get3A_17 : vector<1x1000x1xf32> to vector<1000x1xf32>
    %add3A_19 = arith.addf %get3A_13, %get3A_18 : vector<1000x1xf32>
    %max3A = arith.constant 1.000000e+00 : f32
    %max3A_20 = vector.broadcast %max3A : f32 to vector<1000x1xf32>
    %max3A_21 = arith.maximumf %add3A_19, %max3A_20 : vector<1000x1xf32>
    %div3A = arith.constant 1.000000e+00 : f32
    %div3A_22 = vector.broadcast %div3A : f32 to vector<1000x1xf32>
    %div3A_23 = arith.divf %div3A_22, %max3A_21 : vector<1000x1xf32>
    %mul3A = vector.broadcast %div3A_23 : vector<1000x1xf32> to vector<1000x128xf32>
    %mul3A_24 = arith.mulf %add3A, %mul3A : vector<1000x128xf32>
    %get3A_25 = arith.constant 0 : index
    %get3A_26 = arith.constant 0 : index
    %get3A_27 = vector.load %arg3[%get3A_25, %get3A_26] : memref<1000x128xf32, #tpu.memory_space<vmem>>, vector<1000x128xf32>
    %add3A_28 = arith.addf %mul3A_24, %get3A_27 : vector<1000x128xf32>
    %get3A_29 = arith.constant 0 : index
    %get3A_30 = arith.constant 0 : index
    %get3A_31 = vector.load %arg7[%get3A_29, %get3A_30] : memref<1x128xf32, #tpu.memory_space<vmem>>, vector<1x128xf32>
    %mul3A_32 = vector.broadcast %get3A_31 : vector<1x128xf32> to vector<1000x128xf32>
    %mul3A_33 = arith.mulf %add3A_28, %mul3A_32 : vector<1000x128xf32>
    %get3A_34 = arith.constant 0 : index
    %get3A_35 = arith.constant 0 : index
    %get3A_36 = vector.load %arg8[%get3A_34, %get3A_35] : memref<1x128xf32, #tpu.memory_space<vmem>>, vector<1x128xf32>
    %add3A_37 = vector.broadcast %get3A_36 : vector<1x128xf32> to vector<1000x128xf32>
    %add3A_38 = arith.addf %mul3A_33, %add3A_37 : vector<1000x128xf32>
    %max3A_39 = arith.constant 0.000000e+00 : f32
    %max3A_40 = vector.broadcast %max3A_39 : f32 to vector<1000x128xf32>
    %max3A_41 = arith.maximumf %add3A_38, %max3A_40 : vector<1000x128xf32>
    %get3A_42 = arith.constant 0 : index
    %get3A_43 = arith.constant 0 : index
    %get3A_44 = vector.load %arg4[%get3A_42, %get3A_43] : memref<128x128xf32, #tpu.memory_space<vmem>>, vector<128x128xf32>
    %dot_general3A = arith.constant dense<0.000000e+00> : vector<1000x128xf32>
    %dot_general3A_45 = tpu.matmul %max3A_41, %get3A_44, %dot_general3A {dimension_numbers = #tpu.dot_dimension_numbers<[1], [0], [0], [1], [0, 0, 1, 1], [], []>, transpose_lhs_hint = false} : vector<1000x128xf32>, vector<128x128xf32>, vector<1000x128xf32> -> vector<1000x128xf32>
    %swap3A = arith.constant 0 : index
    %swap3A_46 = arith.constant 0 : index
    %swap3A_47 = vector.load %arg9[%swap3A, %swap3A_46] : memref<1000x128xf32, #tpu.memory_space<vmem>>, vector<1000x128xf32>
    tpu.vector_store %arg9[%swap3A, %swap3A_46], %dot_general3A_45 {strides = array<i32>} : memref<1000x128xf32, #tpu.memory_space<vmem>>, vector<1000x128xf32>,
    %get3A_48 = arith.constant 0 : index
    %get3A_49 = arith.constant 0 : index
    %get3A_50 = vector.load %arg5[%get3A_48, %get3A_49] : memref<128x128xf32, #tpu.memory_space<vmem>>, vector<128x128xf32>
    %dot_general3A_51 = arith.constant dense<0.000000e+00> : vector<1000x128xf32>
    %dot_general3A_52 = tpu.matmul %max3A_41, %get3A_50, %dot_general3A_51 {dimension_numbers = #tpu.dot_dimension_numbers<[1], [0], [0], [1], [0, 0, 1, 1], [], []>, transpose_lhs_hint = false} : vector<1000x128xf32>, vector<128x128xf32>, vector<1000x128xf32> -> vector<1000x128xf32>
    %get3A_53 = arith.constant 0 : index
    %get3A_54 = arith.constant 0 : index
    %get3A_55 = vector.load %arg6[%get3A_53, %get3A_54] : memref<1x128xf32, #tpu.memory_space<vmem>>, vector<1x128xf32>
    %add3A_56 = vector.broadcast %get3A_55 : vector<1x128xf32> to vector<1000x128xf32>
    %add3A_57 = arith.addf %dot_general3A_52, %add3A_56 : vector<1000x128xf32>
    %swap3A_58 = arith.constant 0 : index
    %swap3A_59 = arith.constant 0 : index
    %swap3A_60 = vector.load %arg10[%swap3A_58, %swap3A_59] : memref<1000x128xf32, #tpu.memory_space<vmem>>, vector<1000x128xf32>
    tpu.vector_store %arg10[%swap3A_58, %swap3A_59], %add3A_57 {strides = array<i32>} : memref<1000x128xf32, #tpu.memory_space<vmem>>, vector<1000x128xf32>,
    return
  }
  func.func @transform_0(%arg0: i32) -> (i32, i32, i32) {
    %c0_i32 = arith.constant 0 : i32
    %c0_i32_0 = arith.constant 0 : i32
    %c0_i32_1 = arith.constant 0 : i32
    return %c0_i32, %arg0, %c0_i32_0 : i32, i32, i32
  }
  func.func @transform_1(%arg0: i32) -> (i32, i32, i32) {
    %c0_i32 = arith.constant 0 : i32
    %c0_i32_0 = arith.constant 0 : i32
    %c0_i32_1 = arith.constant 0 : i32
    return %c0_i32, %arg0, %c0_i32_0 : i32, i32, i32
  }
  func.func @transform_2(%arg0: i32) -> (i32, i32) {
    %c0_i32 = arith.constant 0 : i32
    %c0_i32_0 = arith.constant 0 : i32
    return %arg0, %c0_i32 : i32, i32
  }
  func.func @transform_3(%arg0: i32) -> (i32, i32) {
    %c0_i32 = arith.constant 0 : i32
    %c0_i32_0 = arith.constant 0 : i32
    %c0_i32_1 = arith.constant 0 : i32
    return %c0_i32, %c0_i32_0 : i32, i32
  }
  func.func @transform_4(%arg0: i32) -> (i32, i32) {
    %c0_i32 = arith.constant 0 : i32
    %c0_i32_0 = arith.constant 0 : i32
    %c0_i32_1 = arith.constant 0 : i32
    return %c0_i32, %c0_i32_0 : i32, i32
  }
  func.func @transform_5(%arg0: i32) -> (i32, i32) {
    %c0_i32 = arith.constant 0 : i32
    %c0_i32_0 = arith.constant 0 : i32
    %c0_i32_1 = arith.constant 0 : i32
    return %c0_i32, %c0_i32_0 : i32, i32
  }
  func.func @transform_6(%arg0: i32) -> (i32, i32) {
    %c0_i32 = arith.constant 0 : i32
    %c0_i32_0 = arith.constant 0 : i32
    %c0_i32_1 = arith.constant 0 : i32
    return %c0_i32, %c0_i32_0 : i32, i32
  }
  func.func @transform_7(%arg0: i32) -> (i32, i32) {
    %c0_i32 = arith.constant 0 : i32
    %c0_i32_0 = arith.constant 0 : i32
    %c0_i32_1 = arith.constant 0 : i32
    return %c0_i32, %c0_i32_0 : i32, i32
  }
  func.func @transform_8(%arg0: i32) -> (i32, i32) {
    %c0_i32 = arith.constant 0 : i32
    %c0_i32_0 = arith.constant 0 : i32
    return %arg0, %c0_i32 : i32, i32
  }
  func.func @transform_9(%arg0: i32) -> (i32, i32) {
    %c0_i32 = arith.constant 0 : i32
    %c0_i32_0 = arith.constant 0 : i32
    return %arg0, %c0_i32 : i32, i32
  }
}

module attributes {stable_mosaic.version = 14 : i64} {
  func.func @body(%arg0: i32, %arg1: memref<2x1000x128xf32, #tpu.memory_space<vmem>>, %arg2: memref<2x1000x128xf32, #tpu.memory_space<vmem>>, %arg3: memref<1000x128xf32, #tpu.memory_space<vmem>>, %arg4: memref<128x64xf32, #tpu.memory_space<vmem>>, %arg5: memref<1x64xf32, #tpu.memory_space<vmem>>, %arg6: memref<1x128xf32, #tpu.memory_space<vmem>>, %arg7: memref<1x128xf32, #tpu.memory_space<vmem>>, %arg8: memref<1000x128xf32, #tpu.memory_space<vmem>>, %arg9: memref<1000x64xf32, #tpu.memory_space<vmem>>) attributes {dimension_semantics = [#tpu.dimension_semantics<arbitrary>], iteration_bounds = array<i64: 10>, scalar_prefetch = 0 : i64, scratch_operands = 0 : i64, tpu.core_type = #tpu.core_type<tc>, window_params = [{transform_indices = @transform_0, window_bounds = array<i64: 2, 1000, 128>}, {transform_indices = @transform_1, window_bounds = array<i64: 2, 1000, 128>}, {transform_indices = @transform_2, window_bounds = array<i64: 1000, 128>}, {pipeline_mode = #tpu.pipeline_mode<synchronous>, transform_indices = @transform_3, window_bounds = array<i64: 128, 64>}, {pipeline_mode = #tpu.pipeline_mode<synchronous>, transform_indices = @transform_4, window_bounds = array<i64: 1, 64>}, {pipeline_mode = #tpu.pipeline_mode<synchronous>, transform_indices = @transform_5, window_bounds = array<i64: 1, 128>}, {pipeline_mode = #tpu.pipeline_mode<synchronous>, transform_indices = @transform_6, window_bounds = array<i64: 1, 128>}, {transform_indices = @transform_7, window_bounds = array<i64: 1000, 128>}, {transform_indices = @transform_8, window_bounds = array<i64: 1000, 64>}]} {
    %get3A = arith.constant 0 : index
    %get3A_0 = arith.constant 0 : index
    %get3A_1 = arith.constant 0 : index
    %get3A_2 = vector.load %arg1[%get3A, %get3A_0, %get3A_1] : memref<2x1000x128xf32, #tpu.memory_space<vmem>>, vector<1x1000x128xf32>
    %get3A_3 = vector.shape_cast %get3A_2 : vector<1x1000x128xf32> to vector<1000x128xf32>
    %get3A_4 = arith.constant 1 : index
    %get3A_5 = arith.constant 0 : index
    %get3A_6 = arith.constant 0 : index
    %get3A_7 = vector.load %arg1[%get3A_4, %get3A_5, %get3A_6] : memref<2x1000x128xf32, #tpu.memory_space<vmem>>, vector<1x1000x128xf32>
    %get3A_8 = vector.shape_cast %get3A_7 : vector<1x1000x128xf32> to vector<1000x128xf32>
    %add3A = arith.addf %get3A_3, %get3A_8 : vector<1000x128xf32>
    %get3A_9 = arith.constant 0 : index
    %get3A_10 = arith.constant 0 : index
    %get3A_11 = arith.constant 0 : index
    %get3A_12 = vector.load %arg2[%get3A_9, %get3A_10, %get3A_11] : memref<2x1000x128xf32, #tpu.memory_space<vmem>>, vector<1x1000x1xf32>
    %get3A_13 = vector.shape_cast %get3A_12 : vector<1x1000x1xf32> to vector<1000x1xf32>
    %get3A_14 = arith.constant 1 : index
    %get3A_15 = arith.constant 0 : index
    %get3A_16 = arith.constant 0 : index
    %get3A_17 = vector.load %arg2[%get3A_14, %get3A_15, %get3A_16] : memref<2x1000x128xf32, #tpu.memory_space<vmem>>, vector<1x1000x1xf32>
    %get3A_18 = vector.shape_cast %get3A_17 : vector<1x1000x1xf32> to vector<1000x1xf32>
    %add3A_19 = arith.addf %get3A_13, %get3A_18 : vector<1000x1xf32>
    %max3A = arith.constant 1.000000e+00 : f32
    %max3A_20 = vector.broadcast %max3A : f32 to vector<1000x1xf32>
    %max3A_21 = arith.maximumf %add3A_19, %max3A_20 : vector<1000x1xf32>
    %div3A = arith.constant 1.000000e+00 : f32
    %div3A_22 = vector.broadcast %div3A : f32 to vector<1000x1xf32>
    %div3A_23 = arith.divf %div3A_22, %max3A_21 : vector<1000x1xf32>
    %mul3A = vector.broadcast %div3A_23 : vector<1000x1xf32> to vector<1000x128xf32>
    %mul3A_24 = arith.mulf %add3A, %mul3A : vector<1000x128xf32>
    %get3A_25 = arith.constant 0 : index
    %get3A_26 = arith.constant 0 : index
    %get3A_27 = vector.load %arg3[%get3A_25, %get3A_26] : memref<1000x128xf32, #tpu.memory_space<vmem>>, vector<1000x128xf32>
    %add3A_28 = arith.addf %mul3A_24, %get3A_27 : vector<1000x128xf32>
    %get3A_29 = arith.constant 0 : index
    %get3A_30 = arith.constant 0 : index
    %get3A_31 = vector.load %arg6[%get3A_29, %get3A_30] : memref<1x128xf32, #tpu.memory_space<vmem>>, vector<1x128xf32>
    %mul3A_32 = vector.broadcast %get3A_31 : vector<1x128xf32> to vector<1000x128xf32>
    %mul3A_33 = arith.mulf %add3A_28, %mul3A_32 : vector<1000x128xf32>
    %get3A_34 = arith.constant 0 : index
    %get3A_35 = arith.constant 0 : index
    %get3A_36 = vector.load %arg7[%get3A_34, %get3A_35] : memref<1x128xf32, #tpu.memory_space<vmem>>, vector<1x128xf32>
    %add3A_37 = vector.broadcast %get3A_36 : vector<1x128xf32> to vector<1000x128xf32>
    %add3A_38 = arith.addf %mul3A_33, %add3A_37 : vector<1000x128xf32>
    %max3A_39 = arith.constant 0.000000e+00 : f32
    %max3A_40 = vector.broadcast %max3A_39 : f32 to vector<1000x128xf32>
    %max3A_41 = arith.maximumf %add3A_38, %max3A_40 : vector<1000x128xf32>
    %swap3A = arith.constant 0 : index
    %swap3A_42 = arith.constant 0 : index
    %swap3A_43 = vector.load %arg8[%swap3A, %swap3A_42] : memref<1000x128xf32, #tpu.memory_space<vmem>>, vector<1000x128xf32>
    tpu.vector_store %arg8[%swap3A, %swap3A_42], %max3A_41 {strides = array<i32>} : memref<1000x128xf32, #tpu.memory_space<vmem>>, vector<1000x128xf32>,
    %get3A_44 = arith.constant 0 : index
    %get3A_45 = arith.constant 0 : index
    %get3A_46 = vector.load %arg4[%get3A_44, %get3A_45] : memref<128x64xf32, #tpu.memory_space<vmem>>, vector<128x64xf32>
    %dot_general3A = arith.constant dense<0.000000e+00> : vector<1000x64xf32>
    %dot_general3A_47 = tpu.matmul %max3A_41, %get3A_46, %dot_general3A {dimension_numbers = #tpu.dot_dimension_numbers<[1], [0], [0], [1], [0, 0, 1, 1], [], []>, transpose_lhs_hint = false} : vector<1000x128xf32>, vector<128x64xf32>, vector<1000x64xf32> -> vector<1000x64xf32>
    %get3A_48 = arith.constant 0 : index
    %get3A_49 = arith.constant 0 : index
    %get3A_50 = vector.load %arg5[%get3A_48, %get3A_49] : memref<1x64xf32, #tpu.memory_space<vmem>>, vector<1x64xf32>
    %add3A_51 = vector.broadcast %get3A_50 : vector<1x64xf32> to vector<1000x64xf32>
    %add3A_52 = arith.addf %dot_general3A_47, %add3A_51 : vector<1000x64xf32>
    %swap3A_53 = arith.constant 0 : index
    %swap3A_54 = arith.constant 0 : index
    %swap3A_55 = vector.load %arg9[%swap3A_53, %swap3A_54] : memref<1000x64xf32, #tpu.memory_space<vmem>>, vector<1000x64xf32>
    tpu.vector_store %arg9[%swap3A_53, %swap3A_54], %add3A_52 {strides = array<i32>} : memref<1000x64xf32, #tpu.memory_space<vmem>>, vector<1000x64xf32>,
    return
  }
  func.func @transform_0(%arg0: i32) -> (i32, i32, i32) {
    %c0_i32 = arith.constant 0 : i32
    %c0_i32_0 = arith.constant 0 : i32
    %c0_i32_1 = arith.constant 0 : i32
    return %c0_i32, %arg0, %c0_i32_0 : i32, i32, i32
  }
  func.func @transform_1(%arg0: i32) -> (i32, i32, i32) {
    %c0_i32 = arith.constant 0 : i32
    %c0_i32_0 = arith.constant 0 : i32
    %c0_i32_1 = arith.constant 0 : i32
    return %c0_i32, %arg0, %c0_i32_0 : i32, i32, i32
  }
  func.func @transform_2(%arg0: i32) -> (i32, i32) {
    %c0_i32 = arith.constant 0 : i32
    %c0_i32_0 = arith.constant 0 : i32
    return %arg0, %c0_i32 : i32, i32
  }
  func.func @transform_3(%arg0: i32) -> (i32, i32) {
    %c0_i32 = arith.constant 0 : i32
    %c0_i32_0 = arith.constant 0 : i32
    %c0_i32_1 = arith.constant 0 : i32
    return %c0_i32, %c0_i32_0 : i32, i32
  }
  func.func @transform_4(%arg0: i32) -> (i32, i32) {
    %c0_i32 = arith.constant 0 : i32
    %c0_i32_0 = arith.constant 0 : i32
    %c0_i32_1 = arith.constant 0 : i32
    return %c0_i32, %c0_i32_0 : i32, i32
  }
  func.func @transform_5(%arg0: i32) -> (i32, i32) {
    %c0_i32 = arith.constant 0 : i32
    %c0_i32_0 = arith.constant 0 : i32
    %c0_i32_1 = arith.constant 0 : i32
    return %c0_i32, %c0_i32_0 : i32, i32
  }
  func.func @transform_6(%arg0: i32) -> (i32, i32) {
    %c0_i32 = arith.constant 0 : i32
    %c0_i32_0 = arith.constant 0 : i32
    %c0_i32_1 = arith.constant 0 : i32
    return %c0_i32, %c0_i32_0 : i32, i32
  }
  func.func @transform_7(%arg0: i32) -> (i32, i32) {
    %c0_i32 = arith.constant 0 : i32
    %c0_i32_0 = arith.constant 0 : i32
    return %arg0, %c0_i32 : i32, i32
  }
  func.func @transform_8(%arg0: i32) -> (i32, i32) {
    %c0_i32 = arith.constant 0 : i32
    %c0_i32_0 = arith.constant 0 : i32
    return %arg0, %c0_i32 : i32, i32
  }
}

module attributes {stable_mosaic.version = 14 : i64} {
  func.func @body(%arg0: i32, %arg1: memref<2x1000x128xf32, #tpu.memory_space<vmem>>, %arg2: memref<2x1000x128xf32, #tpu.memory_space<vmem>>, %arg3: memref<1000x64xf32, #tpu.memory_space<vmem>>, %arg4: memref<128x64xf32, #tpu.memory_space<vmem>>, %arg5: memref<1x64xf32, #tpu.memory_space<vmem>>, %arg6: memref<1x64xf32, #tpu.memory_space<vmem>>, %arg7: memref<1000x64xf32, #tpu.memory_space<vmem>>) attributes {dimension_semantics = [#tpu.dimension_semantics<arbitrary>], iteration_bounds = array<i64: 10>, scalar_prefetch = 0 : i64, scratch_operands = 0 : i64, tpu.core_type = #tpu.core_type<tc>, window_params = [{transform_indices = @transform_0, window_bounds = array<i64: 2, 1000, 128>}, {transform_indices = @transform_1, window_bounds = array<i64: 2, 1000, 128>}, {transform_indices = @transform_2, window_bounds = array<i64: 1000, 64>}, {pipeline_mode = #tpu.pipeline_mode<synchronous>, transform_indices = @transform_3, window_bounds = array<i64: 128, 64>}, {pipeline_mode = #tpu.pipeline_mode<synchronous>, transform_indices = @transform_4, window_bounds = array<i64: 1, 64>}, {pipeline_mode = #tpu.pipeline_mode<synchronous>, transform_indices = @transform_5, window_bounds = array<i64: 1, 64>}, {transform_indices = @transform_6, window_bounds = array<i64: 1000, 64>}]} {
    %get3A = arith.constant 0 : index
    %get3A_0 = arith.constant 0 : index
    %get3A_1 = arith.constant 0 : index
    %get3A_2 = vector.load %arg1[%get3A, %get3A_0, %get3A_1] : memref<2x1000x128xf32, #tpu.memory_space<vmem>>, vector<1x1000x128xf32>
    %get3A_3 = vector.shape_cast %get3A_2 : vector<1x1000x128xf32> to vector<1000x128xf32>
    %get3A_4 = arith.constant 1 : index
    %get3A_5 = arith.constant 0 : index
    %get3A_6 = arith.constant 0 : index
    %get3A_7 = vector.load %arg1[%get3A_4, %get3A_5, %get3A_6] : memref<2x1000x128xf32, #tpu.memory_space<vmem>>, vector<1x1000x128xf32>
    %get3A_8 = vector.shape_cast %get3A_7 : vector<1x1000x128xf32> to vector<1000x128xf32>
    %add3A = arith.addf %get3A_3, %get3A_8 : vector<1000x128xf32>
    %get3A_9 = arith.constant 0 : index
    %get3A_10 = arith.constant 0 : index
    %get3A_11 = arith.constant 0 : index
    %get3A_12 = vector.load %arg2[%get3A_9, %get3A_10, %get3A_11] : memref<2x1000x128xf32, #tpu.memory_space<vmem>>, vector<1x1000x1xf32>
    %get3A_13 = vector.shape_cast %get3A_12 : vector<1x1000x1xf32> to vector<1000x1xf32>
    %get3A_14 = arith.constant 1 : index
    %get3A_15 = arith.constant 0 : index
    %get3A_16 = arith.constant 0 : index
    %get3A_17 = vector.load %arg2[%get3A_14, %get3A_15, %get3A_16] : memref<2x1000x128xf32, #tpu.memory_space<vmem>>, vector<1x1000x1xf32>
    %get3A_18 = vector.shape_cast %get3A_17 : vector<1x1000x1xf32> to vector<1000x1xf32>
    %add3A_19 = arith.addf %get3A_13, %get3A_18 : vector<1000x1xf32>
    %max3A = arith.constant 1.000000e+00 : f32
    %max3A_20 = vector.broadcast %max3A : f32 to vector<1000x1xf32>
    %max3A_21 = arith.maximumf %add3A_19, %max3A_20 : vector<1000x1xf32>
    %div3A = arith.constant 1.000000e+00 : f32
    %div3A_22 = vector.broadcast %div3A : f32 to vector<1000x1xf32>
    %div3A_23 = arith.divf %div3A_22, %max3A_21 : vector<1000x1xf32>
    %mul3A = vector.broadcast %div3A_23 : vector<1000x1xf32> to vector<1000x128xf32>
    %mul3A_24 = arith.mulf %add3A, %mul3A : vector<1000x128xf32>
    %get3A_25 = arith.constant 0 : index
    %get3A_26 = arith.constant 0 : index
    %get3A_27 = vector.load %arg4[%get3A_25, %get3A_26] : memref<128x64xf32, #tpu.memory_space<vmem>>, vector<128x64xf32>
    %dot_general3A = arith.constant dense<0.000000e+00> : vector<1000x64xf32>
    %dot_general3A_28 = tpu.matmul %mul3A_24, %get3A_27, %dot_general3A {dimension_numbers = #tpu.dot_dimension_numbers<[1], [0], [0], [1], [0, 0, 1, 1], [], []>, transpose_lhs_hint = false} : vector<1000x128xf32>, vector<128x64xf32>, vector<1000x64xf32> -> vector<1000x64xf32>
    %get3A_29 = arith.constant 0 : index
    %get3A_30 = arith.constant 0 : index
    %get3A_31 = vector.load %arg3[%get3A_29, %get3A_30] : memref<1000x64xf32, #tpu.memory_space<vmem>>, vector<1000x64xf32>
    %add3A_32 = arith.addf %dot_general3A_28, %get3A_31 : vector<1000x64xf32>
    %get3A_33 = arith.constant 0 : index
    %get3A_34 = arith.constant 0 : index
    %get3A_35 = vector.load %arg5[%get3A_33, %get3A_34] : memref<1x64xf32, #tpu.memory_space<vmem>>, vector<1x64xf32>
    %mul3A_36 = vector.broadcast %get3A_35 : vector<1x64xf32> to vector<1000x64xf32>
    %mul3A_37 = arith.mulf %add3A_32, %mul3A_36 : vector<1000x64xf32>
    %get3A_38 = arith.constant 0 : index
    %get3A_39 = arith.constant 0 : index
    %get3A_40 = vector.load %arg6[%get3A_38, %get3A_39] : memref<1x64xf32, #tpu.memory_space<vmem>>, vector<1x64xf32>
    %add3A_41 = vector.broadcast %get3A_40 : vector<1x64xf32> to vector<1000x64xf32>
    %add3A_42 = arith.addf %mul3A_37, %add3A_41 : vector<1000x64xf32>
    %mul3A_43 = arith.mulf %add3A_42, %add3A_42 : vector<1000x64xf32>
    %reduce_sum3A = arith.constant dense<0.000000e+00> : vector<1000xf32>
    %reduce_sum3A_44 = vector.multi_reduction <add>, %mul3A_43, %reduce_sum3A [1] : vector<1000x64xf32> to vector<1000xf32>
    %broadcast_in_dim3A = vector.shape_cast %reduce_sum3A_44 : vector<1000xf32> to vector<1000x1xf32>
    %sqrt3A = math.sqrt %broadcast_in_dim3A : vector<1000x1xf32>
    %max3A_45 = arith.constant 9.99999996E-13 : f32
    %max3A_46 = vector.broadcast %max3A_45 : f32 to vector<1000x1xf32>
    %max3A_47 = arith.maximumf %sqrt3A, %max3A_46 : vector<1000x1xf32>
    %div3A_48 = vector.broadcast %max3A_47 : vector<1000x1xf32> to vector<1000x64xf32>
    %div3A_49 = arith.divf %add3A_42, %div3A_48 : vector<1000x64xf32>
    %swap3A = arith.constant 0 : index
    %swap3A_50 = arith.constant 0 : index
    %swap3A_51 = vector.load %arg7[%swap3A, %swap3A_50] : memref<1000x64xf32, #tpu.memory_space<vmem>>, vector<1000x64xf32>
    tpu.vector_store %arg7[%swap3A, %swap3A_50], %div3A_49 {strides = array<i32>} : memref<1000x64xf32, #tpu.memory_space<vmem>>, vector<1000x64xf32>,
    return
  }
  func.func @transform_0(%arg0: i32) -> (i32, i32, i32) {
    %c0_i32 = arith.constant 0 : i32
    %c0_i32_0 = arith.constant 0 : i32
    %c0_i32_1 = arith.constant 0 : i32
    return %c0_i32, %arg0, %c0_i32_0 : i32, i32, i32
  }
  func.func @transform_1(%arg0: i32) -> (i32, i32, i32) {
    %c0_i32 = arith.constant 0 : i32
    %c0_i32_0 = arith.constant 0 : i32
    %c0_i32_1 = arith.constant 0 : i32
    return %c0_i32, %arg0, %c0_i32_0 : i32, i32, i32
  }
  func.func @transform_2(%arg0: i32) -> (i32, i32) {
    %c0_i32 = arith.constant 0 : i32
    %c0_i32_0 = arith.constant 0 : i32
    return %arg0, %c0_i32 : i32, i32
  }
  func.func @transform_3(%arg0: i32) -> (i32, i32) {
    %c0_i32 = arith.constant 0 : i32
    %c0_i32_0 = arith.constant 0 : i32
    %c0_i32_1 = arith.constant 0 : i32
    return %c0_i32, %c0_i32_0 : i32, i32
  }
  func.func @transform_4(%arg0: i32) -> (i32, i32) {
    %c0_i32 = arith.constant 0 : i32
    %c0_i32_0 = arith.constant 0 : i32
    %c0_i32_1 = arith.constant 0 : i32
    return %c0_i32, %c0_i32_0 : i32, i32
  }
  func.func @transform_5(%arg0: i32) -> (i32, i32) {
    %c0_i32 = arith.constant 0 : i32
    %c0_i32_0 = arith.constant 0 : i32
    %c0_i32_1 = arith.constant 0 : i32
    return %c0_i32, %c0_i32_0 : i32, i32
  }
  func.func @transform_6(%arg0: i32) -> (i32, i32) {
    %c0_i32 = arith.constant 0 : i32
    %c0_i32_0 = arith.constant 0 : i32
    return %arg0, %c0_i32 : i32, i32
  }
}

</mosaic_0001>

<sc_bundles>
// kernel: kernel.10.cloned.1.call-start
scs
__scs_entry_jumppad:
0x0: {  	(pc) =	sbr.rel $0x88, $3  }
0x1: {  	(tag) =	ssettag $0x0;
	lr =	simm.s32 $0x1  }
0x2: {  	[smem:$0x3F90] =	sst lr;
	_ =	strace $0xD0000000  }
0x3: {  	_ = 	snop  }
0x4: {  	_ = 	snop  }
0x5: {  	_ = 	snop  }
0x6: {  	_ = 	snop  }
0x7: {  	_ = 	snop  }
__scs_overlays_trampoline_lowered:
0x8: {  	[smem:$0x3F9F] =	sst s0  }
0x9: {  	[smem:$0x3FA0] =	sst s1  }
0xa: {  	[smem:$0x3FA1] =	sst s2  }
0xb: {  	[smem:$0x3FA2] =	sst s3  }
0xc: {  	[smem:$0x3FA3] =	sst s4  }
0xd: {  	[smem:$0x3FA4] =	sst s5  }
0xe: {  	[smem:$0x3FA5] =	sst s6  }
0xf: {  	[smem:$0x3FA6] =	sst s7  }
0x10: {  	[smem:$0x3FA7] =	sst s8  }
0x11: {  	[smem:$0x3FA8] =	sst s9;
	s0 =	simm.s32 @!p0 $0x0  }
0x12: {  	s1 =	sld [smem:$0x3F8E];
	s0 =	simm.s32 @p0 $0x1  }
0x13: {  	[smem:$0x3FA9] =	sst s0;
	s0 =	simm.s32 @!p1 $0x0  }
0x14: {  	s2 =	sld [smem:$0x3F8D];
	s0 =	simm.s32 @p1 $0x1  }
0x15: {  	[smem:$0x3FAA] =	sst s0;
	s0 =	simm.s32 @!p2 $0x0  }
0x16: {  	s3 =	sld [smem:$0x3FDB];
	s0 =	simm.s32 @p2 $0x1  }
0x17: {  	s4 =	simm.s32 $0x1BF5;
	[smem:$0x3FAC] =	sst s0  }
0x18: {  	s0 =	sld [smem:$0x3F8F];
	_ =	swait.ge [sflag:s4], $0x0  }
0x19: {  	s7 =	sld [smem:$0x3F90]  }
0x1a: {  	s8 =	sadd.s32 $0xFFFFE003, lr  }
0x1b: {  	s9 =	sadd.s32 $0xFFFFFEF7, lr;
	s5 =	simm.s32 $0xFFFFFFFF;
	p2 =	slt.u32 s8, $0xFFFFF086  }
0x1c: {  	p1 =	slt.u32 s9, $0xF7A;
	s5 =	simm.s32 @!p2 $0x0  }
0x1d: {  	s5 =	simm.s32 @p1 $0x1;
	p0 =	seq.s32 s7, s2  }
0x1e: {  	s7 =	smul.u32 @!p0 $0xF7A, s2;
	p2 =	seq.s32 @!p0 s5, $0x0  }
0x1f: {  	s9 =	smul.u32 $0xF7A, s1;
	s8 =	simm.s32 @!p0 $0x1BF5;
	p2 =	por !p2, p0  }
0x20: {  	[sflag:s8] =	ssyncset.s32 @!p0 $0xFFFFF086;
	s6 =	sadd.s32 @!p0 s3, s7;
	s7 =	simm.s32 @!p0 $0x108  }
0x21: {  	s3 =	sadd.s32 s3, s9;
	s6 =	sadd.s32 @!p0 $0x88, s6;
	s7 =	simm.s32 @p2 $0x1082  }
0x22: {  	[simem:s7], [sflag:s8] =	dma.local @!p0 [hbm:s6], $0xF7A  }
0x23: {  	s9 =	sor.u32 $0xD0000000, s2;
	s6 =	simm.s32 $0x108;
	_ =	swait.ge @!p0 [sflag:s8], $0x0  }
0x24: {  	s3 =	sadd.s32 $0x88, s3;
	s6 =	simm.s32 @!p1 $0x1082;
	[sflag:s4] =	ssyncset.s32 $0xFFFFF086  }
0x25: {  	[simem:s6], [sflag:s4] =	dma.local [hbm:s3], $0xF7A  }
0x26: {  	[smem:$0x3F90] =	sst s1;
	(tag) =	ssettag s2;
	_ =	strace s9  }
0x27: {  	s1 =	sld [smem:$0x3FA0]  }
0x28: {  	s2 =	sld [smem:$0x3FA1]  }
0x29: {  	s4 =	sld [smem:$0x3FA3]  }
0x2a: {  	p0 =	seq.s32 s5, $0x0;
	s5 =	sld [smem:$0x3FA4]  }
0x2b: {  	s6 =	sld [smem:$0x3FA5]  }
0x2c: {  	s7 =	sld [smem:$0x3FA6]  }
0x2d: {  	s3 =	simm.s32 $0x108;
	s8 =	sld [smem:$0x3FA7]  }
0x2e: {  	s3 =	simm.s32 @!p0 $0x1082;
	s9 =	sld [smem:$0x3FA8]  }
0x2f: {  	lr =	sadd.s32 s0, s3;
	s0 =	sld [smem:$0x3F9F]  }
0x30: {  	s3 =	sld [smem:$0x3FA2]  }
0x31: {  	[smem:$0x3FAB] =	sst s10  }
0x32: {  	s10 =	sld [smem:$0x3FA9];
	_ =	sdelay $0x3  }
0x33: {  	p0 =	seq.s32 s10, $0x1;
	s10 =	sld [smem:$0x3FAB];
	_ =	sdelay $0x3  }
0x34: {  	[smem:$0x3FAB] =	sst s10  }
0x35: {  	s10 =	sld [smem:$0x3FAA];
	_ =	sdelay $0x3  }
0x36: {  	p1 =	seq.s32 s10, $0x1;
	s10 =	sld [smem:$0x3FAB];
	_ =	sdelay $0x3  }
0x37: {  	[smem:$0x3FAB] =	sst s10  }
0x38: {  	s10 =	sld [smem:$0x3FAC]  }
0x39: {  	_ = 	snop;
	(pc) =	sbr.ind lr, $3  }
0x3a: {  	_ = 	snop  }
0x3b: {  	_ = 	snop  }
0x3c: {  	p2 =	seq.s32 s10, $0x1;
	s10 =	sld [smem:$0x3FAB]  }
0x3d: {  	_ =	shalt  }
0x3e: {  	_ =	shalt  }
0x3f: {  	_ =	shalt  }
0x40: {  	_ =	shalt  }
0x41: {  	_ =	shalt  }
0x42: {  	_ =	shalt  }
0x43: {  	_ =	shalt  }
0x44: {  	_ =	shalt  }
0x45: {  	_ =	shalt  }
0x46: {  	_ =	shalt  }
0x47: {  	_ =	shalt  }
0x48: {  	_ =	shalt  }
0x49: {  	_ =	shalt  }
0x4a: {  	_ =	shalt  }
0x4b: {  	_ =	shalt  }
0x4c: {  	_ =	shalt  }
0x4d: {  	_ =	shalt  }
0x4e: {  	_ =	shalt  }
0x4f: {  	_ =	shalt  }
0x50: {  	_ =	shalt  }
0x51: {  	_ =	shalt  }
0x52: {  	_ =	shalt  }
0x53: {  	_ =	shalt  }
0x54: {  	_ =	shalt  }
0x55: {  	_ =	shalt  }
0x56: {  	_ =	shalt  }
0x57: {  	_ =	shalt  }
0x58: {  	_ =	shalt  }
0x59: {  	_ =	shalt  }
0x5a: {  	_ =	shalt  }
0x5b: {  	_ =	shalt  }
0x5c: {  	_ =	shalt  }
0x5d: {  	_ =	shalt  }
0x5e: {  	_ =	shalt  }
0x5f: {  	_ =	shalt  }
0x60: {  	_ =	shalt  }
0x61: {  	_ =	shalt  }
0x62: {  	_ =	shalt  }
0x63: {  	_ =	shalt  }
0x64: {  	_ =	shalt  }
0x65: {  	_ =	shalt  }
0x66: {  	_ =	shalt  }
0x67: {  	_ =	shalt  }
0x68: {  	_ =	shalt  }
0x69: {  	_ =	shalt  }
0x6a: {  	_ =	shalt  }
0x6b: {  	_ =	shalt  }
0x6c: {  	_ =	shalt  }
0x6d: {  	_ =	shalt  }
0x6e: {  	_ =	shalt  }
0x6f: {  	_ =	shalt  }
0x70: {  	_ =	shalt  }
0x71: {  	_ =	shalt  }
0x72: {  	_ =	shalt  }
0x73: {  	_ =	shalt  }
0x74: {  	_ =	shalt  }
0x75: {  	_ =	shalt  }
0x76: {  	_ =	shalt  }
0x77: {  	_ =	shalt  }
0x78: {  	_ =	shalt  }
0x79: {  	_ =	shalt  }
0x7a: {  	_ =	shalt  }
0x7b: {  	_ =	shalt  }
0x7c: {  	_ =	shalt  }
0x7d: {  	_ =	shalt  }
0x7e: {  	_ =	shalt  }
0x7f: {  	_ =	shalt  }
0x80: {  	_ =	shalt  }
0x81: {  	_ =	shalt  }
0x82: {  	_ =	shalt  }
0x83: {  	_ =	shalt  }
0x84: {  	_ =	shalt  }
0x85: {  	_ =	shalt  }
0x86: {  	_ =	shalt  }
0x87: {  	_ =	shalt  }
.Lfunc_end0:
.L_simem_size_0:
called_computation_lowered:
.L_overlay_start_0:
0x88: {  	s2 =	sld [smem:$0x3FD9]  }
0x89: {  	s3 =	sld [smem:$0x3FFE];
	_ =	sdelay $0x1  }
0x8a: {  	s1 =	srdreg.scid  }
0x8b: {  	s0 =	sand.u32 $0x1, s1  }
0x8c: {  	s17 =	sshll.u32 s0, $0xA;
	s2 =	sadd.s32 s3, s2  }
0x8d: {  	s2 =	sadd.s32 s2, s17  }
0x8e: {  	[smem:$0x3FB7] =	sst s2  }
0x8f: {  	_ = 	snop  }
0x90: {  	s2 =	sld [smem:$0x3FD0];
	(tm) =	ssettm $0x1  }
0x91: {  	s18 =	sld [smem:$0x3FFB];
	_ =	sdelay $0x3  }
0x92: {  	_ =	strace s18  }
0x93: {  	s3 =	sld [smem:$0x3FFC];
	_ =	sdelay $0x3  }
0x94: {  	_ =	strace s3  }
0x95: {  	s3 =	sld [smem:$0x3FFD];
	_ =	sdelay $0x3  }
0x96: {  	_ =	strace s3  }
0x97: {  	_ =	strace $0x8FFFFFFF  }
0x98: {  	s19 =	sld [smem:$0x3FDB];
	_ =	sdelay $0x1  }
0x99: {  	s4 =	simm.s32 $_scs_section_size  }
0x9a: {  	s5 =	simm.s32 $_size__tile_overlayer_lowered;
	s6 =	simm.s32 $_tile_overlayer_lowered  }
0x9b: {  	s22 =	simm.s32 $0x1BFF;
	s21 =	sshll.u32 s6, $0x1;
	s3 =	sadd.s32 s4, s19  }
0x9c: {  	s7 =	simm.s32 $0x0;
	s20 =	sshll.u32 s5, $0x1;
	s5 =	sadd.s32 s21, s3  }
0x9d: {  	[timem:s7], [sflag:s22] =	dma.local [hbm:s5], s20  }
0x9e: {  	_ =	swait.ge [sflag:s22], s20  }
0x9f: {  	s4 =	ssub.s32 $0x0, s20;
	[sflag:s22] =	ssyncset.done $0x0  }
0xa0: {  	[sflag:s22] =	ssyncadd.s32 s4;
	_ =	sdelay $0x1  }
0xa1: {  	s23 =	simm.s32 $0x1B8B  }
0xa2: {  	_ =	swait.ge [sflag:s23], $0x1  }
0xa3: {  	[sflag:s23] =	ssyncset.done $0x0  }
0xa4: {  	s25 =	simm.s32 $0x1B8E;
	s24 =	sld [smem:$0x3FFE];
	[sflag:s23] =	ssyncadd.s32 $0xFFFFFFFF  }
0xa5: {  	s26 =	simm.s32 $execute0_lowered;
	[smem:$0x3FD2] =	sst s25  }
0xa6: {  	s5 =	sshll.u32 s26, $0x1;
	_ =	strace $0x80000046;
	[dreg:$0x1] =	wrdreg $0xFFFFFFFF  }
0xa7: {  	s28 =	simm.s32 $_size_execute0_lowered;
	s3 =	sadd.s32 s3, s5;
	[dreg:$0x0] =	wrdreg $0x0  }
0xa8: {  	s5 =	sshll.u32 s28, $0x1;
	[dreg:$0x2] =	wrdreg s3  }
0xa9: {  	[dreg:$0x3] =	wrdreg s5  }
0xaa: {  	[dreg:$0x4] =	wrdreg $0xC0  }
0xab: {  	_ =	task [dreg:s7], $0x5FFFF  }
0xac: {  	[dreg:$0x1] =	wrdreg $0xFFFFFFFF  }
0xad: {  	[dreg:$0x0] =	wrdreg $0x60  }
0xae: {  	[dreg:$0x2] =	wrdreg s24  }
0xaf: {  	[dreg:$0x3] =	wrdreg s2  }
0xb0: {  	[dreg:$0x4] =	wrdreg $0x0  }
0xb1: {  	[dreg:$0x5] =	wrdreg $0x9  }
0xb2: {  	_ =	task.clear_ibuf [dreg:s7], $0x6FFFF;
	_ =	strace $0x90000046  }
0xb3: {  	s29 =	simm.s32 $0x9;
	_ =	strace $0x80000048  }
0xb4: {  	_ =	swait.ge [sflag:s29], $0x1  }
0xb5: {  	[sflag:s29] =	ssyncadd.s32 $0xFFFFFFFF  }
0xb6: {  	_ =	strace $0x90000048  }
0xb7: {  	_ =	sfence  }
0xb8: {  	s30 =	sld [smem:$0x0];
	_ =	sdelay $0x2  }
0xb9: {  	s31 =	sshll.u32 s1, $0xD;
	s1 =	sshrl.u32 s1, $0x2  }
0xba: {  	s3 =	sand.u32 $0x4000, s31;
	s1 =	sadd.s32 s1, s30  }
0xbb: {  	s0 =	sor.u32 s3, s0;
	s1 =	sshll.u32 s1, $0x11  }
0xbc: {  	s0 =	sor.u32 s1, s0  }
0xbd: {  	s0 =	sadd.s32 $0x8F2B, s0  }
0xbe: {  	[sflag:s0] =	ssyncadd.remote.s32 $0x1  }
0xbf: {  	_ =	sfence.sel $0xFFFF  }
0xc0: {  	[dreg:$0x0] =	wrdreg $0xFFFFFFFF;
	(pc) =	sbr.abs _section_cstart, $3  }
0xc1: {  	[dreg:$0x1] =	wrdreg $0xFFFFFFFF  }
0xc2: {  	_ =	task.clear_ibuf [dreg:s7], $0x2FFFF;
	_ =	strace $0x9FFFFFFF  }
0xc3: {  	(tm) =	ssettm $0x7FFFFFFF  }
tec
execute0_lowered:
.L_overlay_start_1:
0x0: {  	(tag) =	ssettag $0x1  }
0x1: {  	s0 =	rddreg [dreg:$0x0]  }
0x2: {  	s1 =	rddreg [dreg:$0x1]  }
0x3: {  	s2 =	rddreg [dreg:$0x2];
	s4 =	simm.s32 $0x0;
	s5 =	srdreg.scid  }
0x4: {  	s3 =	stileid.u32;
	s17 =	simm.s32 $0x3;
	s18 =	simm.s32 $0x14000  }
0x5: {  	s19 =	simm.s32 $0x14100;
	s20 =	simm.s32 $0x50;
	s21 =	simm.s32 $0x14200  }
0x6: {  	s22 =	simm.s32 $0x14080;
	s23 =	simm.s32 $0x14180;
	s28 =	simm.s32 $0x0  }
0x7: {  	[smem:$0x7FF] =	sst s4;
	s8 =	sand.u32 $0x1, s5;
	s9 =	smul.u32 $0x2800, s3  }
0x8: {  	s5 =	sadd.s32 $0xD400, s0;
	s7 =	sshll.u32 s3, $0x1;
	s12 =	smul.u32 $0x50000, s3  }
0x9: {  	s6 =	sadd.s32 $0x3600, s0;
	s24 =	sadd.s32 $0x34600, s0;
	s29 =	smul.u32 $0x4E20, s3  }
0xa: {  	s30 =	sshll.u32 s3, $0x6;
	_ =	strace $0x80000047;
	s10 =	smul.u32 $0x28000, s8  }
0xb: {  	s11 =	sor.u32 s8, s7;
	[dreg:$0x4] =	wrdreg s24;
	s26 =	ssub.s32 $0x2, s8  }
0xc: {  	s14 =	smul.u32 $0x2710, s8;
	s8 =	sor.u32 $0x1C03, s30;
	s24 =	simm.s32 $0x16A00  }
0xd: {  	s25 =	smul.u32 $0x2710, s11;
	s13 =	sshrl.u32 s26, $0x1;
	s12 =	sshrl.u32 s12, $0x2  }
0xe: {  	s9 =	sadd.s32 s9, s10;
	s13 =	ssub.s32 s26, s13;
	s16 =	sadd.s32 s12, s2  }
0xf: {  	s14 =	sadd.s32 s14, s29;
	s26 =	simm.s32 $0x2;
	s0 =	sadd.s32 s9, s0  }
0x10: {  	s10 =	sshrl.u32 s25, $0x3;
	s15 =	sadd.s32 $0x50, s14;
	s12 =	smax.u32 s13, $0x1  }
0x11: {  	s13 =	sadd.s32 $0xA0, s14;
	s16 =	sshrl.u32 s16, $0x3;
	s25 =	simm.s32 $0x1  }
0x12: {  	s9 =	sadd.s32 s6, s10;
	s10 =	sadd.s32 s1, s10;
	s31 =	sshrl.u32 s15, $0x3  }
0x13: {  	s11 =	sadd.s32 $0x36E00, s0;
	s14 =	sadd.s32 s31, s1;
	s15 =	sadd.s32 s31, s6  }
.LBB2_1:
0x14: {  	s0 =	rddreg [dreg:$0x4]  }
0x15: {  	[spmem:s16], [sflag:s8] =	dma.local [hbm:s0], $0x2800  }
0x16: {  	_ =	swait.ge [sflag:s17], $0x2800  }
0x17: {  	[sflag:s17] =	ssyncset.done $0x0  }
0x18: {  	[sflag:s17] =	ssyncadd.s32 $0xFFFFD800  }
0x19: {  	[bflag:$0x0] =	sbarrier.arrive $0xFFFF  }
0x1a: {  	[tilespmem:s18], [sflag:$0x3] =	stream.linear.gather [hbm4b:s9+s4], $0x50, $0x38;
	[tilespmem:$0x19200] =	vst v63  }
0x1b: {  	_ =	swait.ge [sflag:s17], $0x50  }
0x1c: {  	[sflag:s17] =	ssyncset.done $0x0  }
0x1d: {  	[sflag:s17] =	ssyncadd.s32 $0xFFFFFFB0  }
0x1e: {  	[tilespmem:s19], [sflag:$0x3] =	stream.linear.gather [hbm4b:s10+s4], $0x50, $0x38;
	[tilespmem:$0x19200] =	vst v63  }
0x1f: {  	_ =	swait.ge [sflag:s17], $0x50  }
0x20: {  	[sflag:s17] =	ssyncset.done $0x0  }
0x21: {  	[sflag:s17] =	ssyncadd.s32 $0xFFFFFFB0  }
0x22: {  	[tilespmem:s21], [sflag:$0x1] =	stream.indirect.gather [hbm4b:s5+s20], $0x80, s18, s20, $0xb8;
	[tilespmem:$0x19200] =	vst v63  }
0x23: {  	s7 =	sadd.s32 $0x0, s15  }
0x24: {  	[tilespmem:s22], [sflag:$0x3] =	stream.linear.gather [hbm4b:s7+s4], $0x50, $0x38;
	[tilespmem:$0x19200] =	vst v63  }
0x25: {  	_ =	swait.ge [sflag:s17], $0x50  }
0x26: {  	[sflag:s17] =	ssyncset.done $0x0  }
0x27: {  	s3 =	sadd.s32 $0x0, s14;
	[sflag:s17] =	ssyncadd.s32 $0xFFFFFFB0  }
0x28: {  	[tilespmem:s23], [sflag:$0x3] =	stream.linear.gather [hbm4b:s3+s4], $0x50, $0x38;
	[tilespmem:$0x19200] =	vst v63  }
0x29: {  	_ =	swait.ge [sflag:s17], $0x50  }
0x2a: {  	[sflag:s17] =	ssyncset.done $0x0  }
0x2b: {  	[sflag:s17] =	ssyncadd.s32 $0xFFFFFFB0  }
0x2c: {  	[tilespmem:s24], [sflag:$0x2] =	stream.indirect.gather [hbm4b:s5+s20], $0x80, s22, s20, $0xb8;
	[tilespmem:$0x19200] =	vst v63  }
0x2d: {  	_ =	swait.ge [sflag:s25], $0x2800  }
0x2e: {  	[sflag:s25] =	ssyncset.done $0x0  }
0x2f: {  	[sflag:s25] =	ssyncadd.s32 $0xFFFFD800  }
0x30: {  	[spmem:s2] =	stream.indirect.scatter.add.f32 [tilespmem:s21], [sflag:$0x3], $0x80, s19, s20, $0xb8;
	[tilespmem:$0x19200] =	vst v63  }
0x31: {  	_ =	swait.ge [sflag:s17], $0x2800  }
0x32: {  	s7 =	sshrl.u32 s13, $0x3;
	[sflag:s17] =	ssyncset.done $0x0  }
0x33: {  	s29 =	sadd.s32 s6, s7;
	[sflag:s17] =	ssyncadd.s32 $0xFFFFD800  }
0x34: {  	[tilespmem:s18], [sflag:$0x3] =	stream.linear.gather [hbm4b:s29+s4], $0x50, $0x38;
	[tilespmem:$0x19200] =	vst v63  }
0x35: {  	_ =	swait.ge [sflag:s17], $0x50  }
0x36: {  	[sflag:s17] =	ssyncset.done $0x0  }
0x37: {  	s0 =	sadd.s32 s1, s7;
	[sflag:s17] =	ssyncadd.s32 $0xFFFFFFB0  }
0x38: {  	[tilespmem:s19], [sflag:$0x3] =	stream.linear.gather [hbm4b:s0+s4], $0x50, $0x38;
	[tilespmem:$0x19200] =	vst v63  }
0x39: {  	_ =	swait.ge [sflag:s17], $0x50  }
0x3a: {  	[sflag:s17] =	ssyncset.done $0x0  }
0x3b: {  	[sflag:s17] =	ssyncadd.s32 $0xFFFFFFB0  }
0x3c: {  	[tilespmem:s21], [sflag:$0x1] =	stream.indirect.gather [hbm4b:s5+s20], $0x80, s18, s20, $0xb8;
	[tilespmem:$0x19200] =	vst v63  }
0x3d: {  	_ =	swait.ge [sflag:s26], $0x2800  }
0x3e: {  	[sflag:s26] =	ssyncset.done $0x0  }
0x3f: {  	[sflag:s26] =	ssyncadd.s32 $0xFFFFD800  }
0x40: {  	[spmem:s2] =	stream.indirect.scatter.add.f32 [tilespmem:s24], [sflag:$0x3], $0x80, s23, s20, $0xb8;
	[tilespmem:$0x19200] =	vst v63  }
0x41: {  	s30 =	simm.s32 $0x14;
	_ =	swait.ge [sflag:s17], $0x2800  }
0x42: {  	s31 =	simm.s32 $0x28;
	s29 =	sadd.s32 $0xA0, s13;
	[sflag:s17] =	ssyncset.done $0x0  }
.LBB2_2:
0x43: {  	s3 =	sadd.s32 s30, s15  }
0x44: {  	[sflag:s17] =	ssyncadd.s32 $0xFFFFD800;
	s7 =	smov.u32 s31;
	s0 =	sadd.s32 $0x14, s31  }
0x45: {  	[tilespmem:s22], [sflag:$0x3] =	stream.linear.gather [hbm4b:s3+s4], $0x50, $0x38;
	[tilespmem:$0x19200] =	vst v63  }
0x46: {  	p0 =	sne.s32 s31, $0x4C4;
	_ =	swait.ge [sflag:s17], $0x50  }
0x47: {  	[sflag:s17] =	ssyncset.done $0x0  }
0x48: {  	s3 =	sadd.s32 s30, s14;
	s30 =	smov.u32 s7;
	[sflag:s17] =	ssyncadd.s32 $0xFFFFFFB0  }
0x49: {  	[tilespmem:s23], [sflag:$0x3] =	stream.linear.gather [hbm4b:s3+s4], $0x50, $0x38;
	[tilespmem:$0x19200] =	vst v63  }
0x4a: {  	_ =	swait.ge [sflag:s17], $0x50  }
0x4b: {  	[sflag:s17] =	ssyncset.done $0x0  }
0x4c: {  	[sflag:s17] =	ssyncadd.s32 $0xFFFFFFB0  }
0x4d: {  	[tilespmem:s24], [sflag:$0x2] =	stream.indirect.gather [hbm4b:s5+s20], $0x80, s22, s20, $0xb8;
	[tilespmem:$0x19200] =	vst v63  }
0x4e: {  	_ =	swait.ge [sflag:s25], $0x2800  }
0x4f: {  	[sflag:s25] =	ssyncset.done $0x0  }
0x50: {  	[sflag:s25] =	ssyncadd.s32 $0xFFFFD800  }
0x51: {  	[spmem:s2] =	stream.indirect.scatter.add.f32 [tilespmem:s21], [sflag:$0x3], $0x80, s19, s20, $0xb8;
	[tilespmem:$0x19200] =	vst v63  }
0x52: {  	_ =	swait.ge [sflag:s17], $0x2800  }
0x53: {  	s3 =	sshrl.u32 s29, $0x3;
	[sflag:s17] =	ssyncset.done $0x0  }
0x54: {  	s7 =	sadd.s32 s6, s3;
	[sflag:s17] =	ssyncadd.s32 $0xFFFFD800  }
0x55: {  	[tilespmem:s18], [sflag:$0x3] =	stream.linear.gather [hbm4b:s7+s4], $0x50, $0x38;
	[tilespmem:$0x19200] =	vst v63  }
0x56: {  	_ =	swait.ge [sflag:s17], $0x50  }
0x57: {  	[sflag:s17] =	ssyncset.done $0x0  }
0x58: {  	s3 =	sadd.s32 s1, s3;
	[sflag:s17] =	ssyncadd.s32 $0xFFFFFFB0  }
0x59: {  	[tilespmem:s19], [sflag:$0x3] =	stream.linear.gather [hbm4b:s3+s4], $0x50, $0x38;
	[tilespmem:$0x19200] =	vst v63  }
0x5a: {  	_ =	swait.ge [sflag:s17], $0x50  }
0x5b: {  	[sflag:s17] =	ssyncset.done $0x0  }
0x5c: {  	[sflag:s17] =	ssyncadd.s32 $0xFFFFFFB0  }
0x5d: {  	[tilespmem:s21], [sflag:$0x1] =	stream.indirect.gather [hbm4b:s5+s20], $0x80, s18, s20, $0xb8;
	[tilespmem:$0x19200] =	vst v63  }
0x5e: {  	_ =	swait.ge [sflag:s26], $0x2800  }
.Ltmp0:
0x5f: {  	[sflag:s26] =	ssyncset.done $0x0;
	(pc) =	sbr.rel @p0 .LBB2_2-.Ltmp0, $4  }
0x60: {  	[sflag:s26] =	ssyncadd.s32 $0xFFFFD800  }
0x61: {  	[spmem:s2] =	stream.indirect.scatter.add.f32 [tilespmem:s24], [sflag:$0x3], $0x80, s23, s20, $0xb8;
	[tilespmem:$0x19200] =	vst v63  }
0x62: {  	_ =	swait.ge [sflag:s17], $0x2800  }
0x63: {  	s31 =	smov.u32 s0;
	s29 =	sadd.s32 $0xA0, s29;
	[sflag:s17] =	ssyncset.done $0x0  }
0x64: {  	s0 =	sadd.s32 s30, s15;
	[sflag:s17] =	ssyncadd.s32 $0xFFFFD800  }
0x65: {  	[tilespmem:s22], [sflag:$0x3] =	stream.linear.gather [hbm4b:s0+s4], $0x50, $0x38;
	[tilespmem:$0x19200] =	vst v63  }
0x66: {  	_ =	swait.ge [sflag:s17], $0x50  }
0x67: {  	[sflag:s17] =	ssyncset.done $0x0  }
0x68: {  	s30 =	sadd.s32 s30, s14;
	[sflag:s17] =	ssyncadd.s32 $0xFFFFFFB0  }
0x69: {  	[tilespmem:s23], [sflag:$0x3] =	stream.linear.gather [hbm4b:s30+s4], $0x50, $0x38;
	[tilespmem:$0x19200] =	vst v63  }
0x6a: {  	_ =	swait.ge [sflag:s17], $0x50  }
0x6b: {  	[sflag:s17] =	ssyncset.done $0x0  }
0x6c: {  	[sflag:s17] =	ssyncadd.s32 $0xFFFFFFB0  }
0x6d: {  	[tilespmem:s24], [sflag:$0x2] =	stream.indirect.gather [hbm4b:s5+s20], $0x80, s22, s20, $0xb8;
	[tilespmem:$0x19200] =	vst v63  }
0x6e: {  	_ =	swait.ge [sflag:s25], $0x2800  }
0x6f: {  	[sflag:s25] =	ssyncset.done $0x0  }
0x70: {  	[sflag:s25] =	ssyncadd.s32 $0xFFFFD800  }
0x71: {  	[spmem:s2] =	stream.indirect.scatter.add.f32 [tilespmem:s21], [sflag:$0x3], $0x80, s19, s20, $0xb8;
	[tilespmem:$0x19200] =	vst v63  }
0x72: {  	_ =	swait.ge [sflag:s17], $0x2800  }
0x73: {  	s31 =	sshrl.u32 s29, $0x3;
	[sflag:s17] =	ssyncset.done $0x0  }
0x74: {  	s3 =	sadd.s32 s6, s31;
	[sflag:s17] =	ssyncadd.s32 $0xFFFFD800  }
0x75: {  	[tilespmem:s18], [sflag:$0x3] =	stream.linear.gather [hbm4b:s3+s4], $0x50, $0x38;
	[tilespmem:$0x19200] =	vst v63  }
0x76: {  	_ =	swait.ge [sflag:s17], $0x50  }
0x77: {  	[sflag:s17] =	ssyncset.done $0x0  }
0x78: {  	s0 =	sadd.s32 s1, s31;
	[sflag:s17] =	ssyncadd.s32 $0xFFFFFFB0  }
0x79: {  	[tilespmem:s19], [sflag:$0x3] =	stream.linear.gather [hbm4b:s0+s4], $0x50, $0x38;
	[tilespmem:$0x19200] =	vst v63  }
0x7a: {  	_ =	swait.ge [sflag:s17], $0x50  }
0x7b: {  	[sflag:s17] =	ssyncset.done $0x0  }
0x7c: {  	[sflag:s17] =	ssyncadd.s32 $0xFFFFFFB0  }
0x7d: {  	[tilespmem:s21], [sflag:$0x1] =	stream.indirect.gather [hbm4b:s5+s20], $0x80, s18, s20, $0xb8;
	[tilespmem:$0x19200] =	vst v63  }
0x7e: {  	_ =	swait.ge [sflag:s26], $0x2800  }
0x7f: {  	[sflag:s26] =	ssyncset.done $0x0  }
0x80: {  	[sflag:s26] =	ssyncadd.s32 $0xFFFFD800  }
0x81: {  	[spmem:s2] =	stream.indirect.scatter.add.f32 [tilespmem:s24], [sflag:$0x3], $0x80, s23, s20, $0xb8;
	[tilespmem:$0x19200] =	vst v63  }
0x82: {  	_ =	swait.ge [sflag:s17], $0x2800  }
0x83: {  	[sflag:s17] =	ssyncset.done $0x0  }
0x84: {  	[sflag:s17] =	ssyncadd.s32 $0xFFFFD800  }
0x85: {  	_ =	swait.ge [sflag:s25], $0x2800  }
0x86: {  	[sflag:s25] =	ssyncset.done $0x0  }
0x87: {  	[sflag:s25] =	ssyncadd.s32 $0xFFFFD800  }
0x88: {  	[spmem:s2] =	stream.indirect.scatter.add.f32 [tilespmem:s21], [sflag:$0x3], $0x80, s19, s20, $0xb8;
	[tilespmem:$0x19200] =	vst v63  }
0x89: {  	_ =	swait.ge [sflag:s17], $0x2800  }
0x8a: {  	s28 =	sadd.s32 $0x1, s28;
	[sflag:s17] =	ssyncset.done $0x0  }
0x8b: {  	p0 =	sne.s32 s28, s12;
	[sflag:s17] =	ssyncadd.s32 $0xFFFFD800  }
.Ltmp1:
0x8c: {  	[bflag:$0x0] =	sbarrier.arrive $0xFFFF;
	(pc) =	sbr.rel @p0 .LBB2_1-.Ltmp1, $4  }
0x8d: {  	[hbm:s11], [sflag:s8] =	dma.local [spmem:s16], $0x2800  }
0x8e: {  	_ =	swait.ge [sflag:s17], $0x2800  }
0x8f: {  	[sflag:s17] =	ssyncset.done $0x0  }
0x90: {  	[sflag:s17] =	ssyncadd.s32 $0xFFFFD800  }
0x91: {  	_ =	sfence.sel $0x180000  }
0x92: {  	[bflag:$0x0] =	sbarrier.arrive $0xFFFF  }
0x93: {  	_ =	strace $0x90000047  }
0x94: {  	s0 =	stileid.u32;
	[bflag:$0x2] =	sbarrier.arrive $0xFFFF  }
0x95: {  	p0 =	sne.s32 s0, $0x0;
	s0 =	rddreg [dreg:$0x3]  }
0x96: {  	s0 =	sadd.s32 @!p0 $0x100000, s0  }
0x97: {  	[sflag:s0] =	ssyncadd.tile.s32 @!p0 $0x1;
	_ =	shalt  }
.Lfunc_end2:
_tile_overlayer_lowered:
.L_overlay_start_2:
0x98: {  	(tag) =	ssettag $0x2  }
0x99: {  	s0 =	rddreg [dreg:$0x0];
	s2 =	stileid.u32  }
0x9a: {  	s1 =	rddreg [dreg:$0x1];
	p0 =	sne.s32 s2, $0x0  }
0x9b: {  	s3 =	rddreg [dreg:$0x2];
	[bflag:$0x3] =	sbarrier.arrive $0xFFFF;
	s2 =	simm.s32 @!p0 $0x1C03  }
0x9c: {  	[timem:s3], [sflag:s2] =	dma.local @!p0 [hbm:s0], s1  }
0x9d: {  	s0 =	simm.s32 @!p0 $0x3  }
0x9e: {  	_ =	swait.ge @!p0 [sflag:s0], s1  }
0x9f: {  	s1 =	ssub.s32 @!p0 $0x0, s1;
	[sflag:s0] =	ssyncset.done @!p0 $0x0  }
0xa0: {  	[sflag:s0] =	ssyncadd.s32 @!p0 s1  }
0xa1: {  	[bflag:$0x3] =	sbarrier.arrive $0xFFFF  }
0xa2: {  	_ =	shalt  }

// kernel: kernel.13.cloned.1.call-start
scs
__scs_entry_jumppad:
0x0: {  	(pc) =	sbr.rel $0x88, $3  }
0x1: {  	(tag) =	ssettag $0x0;
	lr =	simm.s32 $0x1  }
0x2: {  	[smem:$0x3F90] =	sst lr;
	_ =	strace $0xD0000000  }
0x3: {  	_ = 	snop  }
0x4: {  	_ = 	snop  }
0x5: {  	_ = 	snop  }
0x6: {  	_ = 	snop  }
0x7: {  	_ = 	snop  }
__scs_overlays_trampoline_lowered:
0x8: {  	[smem:$0x3F9F] =	sst s0  }
0x9: {  	[smem:$0x3FA0] =	sst s1  }
0xa: {  	[smem:$0x3FA1] =	sst s2  }
0xb: {  	[smem:$0x3FA2] =	sst s3  }
0xc: {  	[smem:$0x3FA3] =	sst s4  }
0xd: {  	[smem:$0x3FA4] =	sst s5  }
0xe: {  	[smem:$0x3FA5] =	sst s6  }
0xf: {  	[smem:$0x3FA6] =	sst s7  }
0x10: {  	[smem:$0x3FA7] =	sst s8  }
0x11: {  	[smem:$0x3FA8] =	sst s9;
	s0 =	simm.s32 @!p0 $0x0  }
0x12: {  	s1 =	sld [smem:$0x3F8E];
	s0 =	simm.s32 @p0 $0x1  }
0x13: {  	[smem:$0x3FA9] =	sst s0;
	s0 =	simm.s32 @!p1 $0x0  }
0x14: {  	s2 =	sld [smem:$0x3F8D];
	s0 =	simm.s32 @p1 $0x1  }
0x15: {  	[smem:$0x3FAA] =	sst s0;
	s0 =	simm.s32 @!p2 $0x0  }
0x16: {  	s3 =	sld [smem:$0x3FDB];
	s0 =	simm.s32 @p2 $0x1  }
0x17: {  	s4 =	simm.s32 $0x1BF5;
	[smem:$0x3FAC] =	sst s0  }
0x18: {  	s0 =	sld [smem:$0x3F8F];
	_ =	swait.ge [sflag:s4], $0x0  }
0x19: {  	s7 =	sld [smem:$0x3F90]  }
0x1a: {  	s8 =	sadd.s32 $0xFFFFE003, lr  }
0x1b: {  	s9 =	sadd.s32 $0xFFFFFEF7, lr;
	s5 =	simm.s32 $0xFFFFFFFF;
	p2 =	slt.u32 s8, $0xFFFFF086  }
0x1c: {  	p1 =	slt.u32 s9, $0xF7A;
	s5 =	simm.s32 @!p2 $0x0  }
0x1d: {  	s5 =	simm.s32 @p1 $0x1;
	p0 =	seq.s32 s7, s2  }
0x1e: {  	s7 =	smul.u32 @!p0 $0xF7A, s2;
	p2 =	seq.s32 @!p0 s5, $0x0  }
0x1f: {  	s9 =	smul.u32 $0xF7A, s1;
	s8 =	simm.s32 @!p0 $0x1BF5;
	p2 =	por !p2, p0  }
0x20: {  	[sflag:s8] =	ssyncset.s32 @!p0 $0xFFFFF086;
	s6 =	sadd.s32 @!p0 s3, s7;
	s7 =	simm.s32 @!p0 $0x108  }
0x21: {  	s3 =	sadd.s32 s3, s9;
	s6 =	sadd.s32 @!p0 $0x88, s6;
	s7 =	simm.s32 @p2 $0x1082  }
0x22: {  	[simem:s7], [sflag:s8] =	dma.local @!p0 [hbm:s6], $0xF7A  }
0x23: {  	s9 =	sor.u32 $0xD0000000, s2;
	s6 =	simm.s32 $0x108;
	_ =	swait.ge @!p0 [sflag:s8], $0x0  }
0x24: {  	s3 =	sadd.s32 $0x88, s3;
	s6 =	simm.s32 @!p1 $0x1082;
	[sflag:s4] =	ssyncset.s32 $0xFFFFF086  }
0x25: {  	[simem:s6], [sflag:s4] =	dma.local [hbm:s3], $0xF7A  }
0x26: {  	[smem:$0x3F90] =	sst s1;
	(tag) =	ssettag s2;
	_ =	strace s9  }
0x27: {  	s1 =	sld [smem:$0x3FA0]  }
0x28: {  	s2 =	sld [smem:$0x3FA1]  }
0x29: {  	s4 =	sld [smem:$0x3FA3]  }
0x2a: {  	p0 =	seq.s32 s5, $0x0;
	s5 =	sld [smem:$0x3FA4]  }
0x2b: {  	s6 =	sld [smem:$0x3FA5]  }
0x2c: {  	s7 =	sld [smem:$0x3FA6]  }
0x2d: {  	s3 =	simm.s32 $0x108;
	s8 =	sld [smem:$0x3FA7]  }
0x2e: {  	s3 =	simm.s32 @!p0 $0x1082;
	s9 =	sld [smem:$0x3FA8]  }
0x2f: {  	lr =	sadd.s32 s0, s3;
	s0 =	sld [smem:$0x3F9F]  }
0x30: {  	s3 =	sld [smem:$0x3FA2]  }
0x31: {  	[smem:$0x3FAB] =	sst s10  }
0x32: {  	s10 =	sld [smem:$0x3FA9];
	_ =	sdelay $0x3  }
0x33: {  	p0 =	seq.s32 s10, $0x1;
	s10 =	sld [smem:$0x3FAB];
	_ =	sdelay $0x3  }
0x34: {  	[smem:$0x3FAB] =	sst s10  }
0x35: {  	s10 =	sld [smem:$0x3FAA];
	_ =	sdelay $0x3  }
0x36: {  	p1 =	seq.s32 s10, $0x1;
	s10 =	sld [smem:$0x3FAB];
	_ =	sdelay $0x3  }
0x37: {  	[smem:$0x3FAB] =	sst s10  }
0x38: {  	s10 =	sld [smem:$0x3FAC]  }
0x39: {  	_ = 	snop;
	(pc) =	sbr.ind lr, $3  }
0x3a: {  	_ = 	snop  }
0x3b: {  	_ = 	snop  }
0x3c: {  	p2 =	seq.s32 s10, $0x1;
	s10 =	sld [smem:$0x3FAB]  }
0x3d: {  	_ =	shalt  }
0x3e: {  	_ =	shalt  }
0x3f: {  	_ =	shalt  }
0x40: {  	_ =	shalt  }
0x41: {  	_ =	shalt  }
0x42: {  	_ =	shalt  }
0x43: {  	_ =	shalt  }
0x44: {  	_ =	shalt  }
0x45: {  	_ =	shalt  }
0x46: {  	_ =	shalt  }
0x47: {  	_ =	shalt  }
0x48: {  	_ =	shalt  }
0x49: {  	_ =	shalt  }
0x4a: {  	_ =	shalt  }
0x4b: {  	_ =	shalt  }
0x4c: {  	_ =	shalt  }
0x4d: {  	_ =	shalt  }
0x4e: {  	_ =	shalt  }
0x4f: {  	_ =	shalt  }
0x50: {  	_ =	shalt  }
0x51: {  	_ =	shalt  }
0x52: {  	_ =	shalt  }
0x53: {  	_ =	shalt  }
0x54: {  	_ =	shalt  }
0x55: {  	_ =	shalt  }
0x56: {  	_ =	shalt  }
0x57: {  	_ =	shalt  }
0x58: {  	_ =	shalt  }
0x59: {  	_ =	shalt  }
0x5a: {  	_ =	shalt  }
0x5b: {  	_ =	shalt  }
0x5c: {  	_ =	shalt  }
0x5d: {  	_ =	shalt  }
0x5e: {  	_ =	shalt  }
0x5f: {  	_ =	shalt  }
0x60: {  	_ =	shalt  }
0x61: {  	_ =	shalt  }
0x62: {  	_ =	shalt  }
0x63: {  	_ =	shalt  }
0x64: {  	_ =	shalt  }
0x65: {  	_ =	shalt  }
0x66: {  	_ =	shalt  }
0x67: {  	_ =	shalt  }
0x68: {  	_ =	shalt  }
0x69: {  	_ =	shalt  }
0x6a: {  	_ =	shalt  }
0x6b: {  	_ =	shalt  }
0x6c: {  	_ =	shalt  }
0x6d: {  	_ =	shalt  }
0x6e: {  	_ =	shalt  }
0x6f: {  	_ =	shalt  }
0x70: {  	_ =	shalt  }
0x71: {  	_ =	shalt  }
0x72: {  	_ =	shalt  }
0x73: {  	_ =	shalt  }
0x74: {  	_ =	shalt  }
0x75: {  	_ =	shalt  }
0x76: {  	_ =	shalt  }
0x77: {  	_ =	shalt  }
0x78: {  	_ =	shalt  }
0x79: {  	_ =	shalt  }
0x7a: {  	_ =	shalt  }
0x7b: {  	_ =	shalt  }
0x7c: {  	_ =	shalt  }
0x7d: {  	_ =	shalt  }
0x7e: {  	_ =	shalt  }
0x7f: {  	_ =	shalt  }
0x80: {  	_ =	shalt  }
0x81: {  	_ =	shalt  }
0x82: {  	_ =	shalt  }
0x83: {  	_ =	shalt  }
0x84: {  	_ =	shalt  }
0x85: {  	_ =	shalt  }
0x86: {  	_ =	shalt  }
0x87: {  	_ =	shalt  }
.Lfunc_end0:
.L_simem_size_0:
called_computation.1_lowered:
.L_overlay_start_0:
0x88: {  	s2 =	sld [smem:$0x3FD9]  }
0x89: {  	s3 =	sld [smem:$0x3FFE];
	_ =	sdelay $0x1  }
0x8a: {  	s1 =	srdreg.scid  }
0x8b: {  	s0 =	sand.u32 $0x1, s1  }
0x8c: {  	s17 =	sshll.u32 s0, $0xA;
	s2 =	sadd.s32 s3, s2  }
0x8d: {  	s2 =	sadd.s32 s2, s17  }
0x8e: {  	[smem:$0x3FB7] =	sst s2  }
0x8f: {  	_ = 	snop  }
0x90: {  	s18 =	sld [smem:$0x3FD0];
	(tm) =	ssettm $0x1  }
0x91: {  	s19 =	sld [smem:$0x3FFB];
	_ =	sdelay $0x3  }
0x92: {  	_ =	strace s19  }
0x93: {  	s2 =	sld [smem:$0x3FFC];
	_ =	sdelay $0x3  }
0x94: {  	_ =	strace s2  }
0x95: {  	s2 =	sld [smem:$0x3FFD];
	_ =	sdelay $0x3  }
0x96: {  	_ =	strace s2  }
0x97: {  	_ =	strace $0x8FFFFFFF  }
0x98: {  	s20 =	sld [smem:$0x3FDB];
	_ =	sdelay $0x1  }
0x99: {  	s4 =	simm.s32 $_scs_section_size  }
0x9a: {  	s5 =	simm.s32 $_size__tile_overlayer_lowered;
	s6 =	simm.s32 $_tile_overlayer_lowered  }
0x9b: {  	s7 =	simm.s32 $0x1BFF;
	s21 =	sshll.u32 s6, $0x1;
	s4 =	sadd.s32 s4, s20  }
0x9c: {  	s22 =	simm.s32 $0x0;
	s5 =	sshll.u32 s5, $0x1;
	s6 =	sadd.s32 s21, s4  }
0x9d: {  	[timem:s22], [sflag:s7] =	dma.local [hbm:s6], s5  }
0x9e: {  	_ =	swait.ge [sflag:s7], s5  }
0x9f: {  	s5 =	ssub.s32 $0x0, s5;
	[sflag:s7] =	ssyncset.done $0x0  }
0xa0: {  	[sflag:s7] =	ssyncadd.s32 s5;
	_ =	sdelay $0x1  }
0xa1: {  	s23 =	simm.s32 $0x1B8B  }
0xa2: {  	_ =	swait.ge [sflag:s23], $0x1  }
0xa3: {  	[sflag:s23] =	ssyncset.done $0x0  }
0xa4: {  	[sflag:s23] =	ssyncadd.s32 $0xFFFFFFFF  }
0xa5: {  	s5 =	sld [smem:$0x0]  }
0xa6: {  	s6 =	sand.u32 $0xFFFFFFFE, s1  }
0xa7: {  	p0 =	sne.s32 s1, s6  }
0xa8: {  	s6 =	sshll.u32 @p0 s6, $0xE  }
0xa9: {  	s6 =	sadd.s32 @p0 $0x11B8D, s6;
	s7 =	sshll.u32 @p0 s5, $0x11  }
0xaa: {  	s6 =	sor.u32 @p0 s7, s6  }
0xab: {  	[sflag:s6] =	ssyncadd.remote.s32 @p0 $0x1;
	_ =	sdelay $0x1  }
0xac: {  	s6 =	simm.s32 @p0 $0x1B8D  }
0xad: {  	_ =	swait.eq @p0 [sflag:s6], $0x1  }
0xae: {  	[sflag:s6] =	ssyncadd.s32 @p0 $0xFFFFFFFF  }
0xaf: {  	s7 =	sshll.u32 @!p0 s1, $0xE  }
0xb0: {  	s7 =	sor.u32 @!p0 $0x4000, s7;
	s6 =	simm.s32 @!p0 $0x1B8D  }
0xb1: {  	s5 =	sshll.u32 @!p0 s5, $0x11;
	s7 =	sadd.s32 @!p0 $0x11B8D, s7;
	_ =	swait.eq @!p0 [sflag:s6], $0x1  }
0xb2: {  	s5 =	sor.u32 @!p0 s5, s7;
	[sflag:s6] =	ssyncadd.s32 @!p0 $0xFFFFFFFF  }
0xb3: {  	s25 =	simm.s32 $0x1B8E;
	s24 =	sld [smem:$0x3FFE];
	[sflag:s5] =	ssyncadd.remote.s32 @!p0 $0x1  }
0xb4: {  	s26 =	simm.s32 $execute0_lowered;
	[smem:$0x3FD2] =	sst s25  }
0xb5: {  	s6 =	sshll.u32 s26, $0x1;
	_ =	strace $0x80000049;
	[dreg:$0x1] =	wrdreg $0xFFFFFFFF  }
0xb6: {  	s28 =	simm.s32 $_size_execute0_lowered;
	s4 =	sadd.s32 s4, s6;
	[dreg:$0x0] =	wrdreg $0x0  }
0xb7: {  	s6 =	sshll.u32 s28, $0x1;
	[dreg:$0x2] =	wrdreg s4  }
0xb8: {  	[dreg:$0x3] =	wrdreg s6  }
0xb9: {  	[dreg:$0x4] =	wrdreg $0xC0  }
0xba: {  	_ =	task [dreg:s22], $0x5FFFF  }
0xbb: {  	[dreg:$0x1] =	wrdreg $0xFFFFFFFF  }
0xbc: {  	[dreg:$0x0] =	wrdreg $0x60  }
0xbd: {  	[dreg:$0x2] =	wrdreg s18  }
0xbe: {  	[dreg:$0x3] =	wrdreg s24  }
0xbf: {  	[dreg:$0x4] =	wrdreg $0x0  }
0xc0: {  	[dreg:$0x5] =	wrdreg $0xA  }
0xc1: {  	_ =	task.clear_ibuf [dreg:s22], $0x6FFFF;
	_ =	strace $0x90000049  }
0xc2: {  	s29 =	simm.s32 $0xA;
	_ =	strace $0x8000004B  }
0xc3: {  	_ =	swait.ge [sflag:s29], $0x1  }
0xc4: {  	[sflag:s29] =	ssyncadd.s32 $0xFFFFFFFF  }
0xc5: {  	_ =	strace $0x9000004B  }
0xc6: {  	_ =	sfence  }
0xc7: {  	s30 =	sld [smem:$0x0];
	_ =	sdelay $0x2  }
0xc8: {  	s31 =	sshll.u32 s1, $0xD;
	s1 =	sshrl.u32 s1, $0x2  }
0xc9: {  	s4 =	sand.u32 $0x4000, s31;
	s1 =	sadd.s32 s1, s30  }
0xca: {  	s0 =	sor.u32 s4, s0;
	s1 =	sshll.u32 s1, $0x11  }
0xcb: {  	s0 =	sor.u32 s1, s0  }
0xcc: {  	s0 =	sadd.s32 $0x8F2B, s0  }
0xcd: {  	[sflag:s0] =	ssyncadd.remote.s32 $0x1  }
0xce: {  	_ =	sfence.sel $0xFFFF  }
0xcf: {  	[dreg:$0x0] =	wrdreg $0xFFFFFFFF;
	(pc) =	sbr.abs _section_cstart, $3  }
0xd0: {  	[dreg:$0x1] =	wrdreg $0xFFFFFFFF  }
0xd1: {  	_ =	task.clear_ibuf [dreg:s22], $0x2FFFF;
	_ =	strace $0x9FFFFFFF  }
0xd2: {  	(tm) =	ssettm $0x7FFFFFFF  }
0xd3: {  	_ =	shalt  }
tec
execute0_lowered:
.L_overlay_start_1:
0x0: {  	(tag) =	ssettag $0x1  }
0x1: {  	s9 =	rddreg [dreg:$0x0]  }
0x2: {  	s6 =	rddreg [dreg:$0x1]  }
0x3: {  	s2 =	rddreg [dreg:$0x2]  }
0x4: {  	s0 =	rddreg [dreg:$0x3]  }
0x5: {  	s4 =	srdreg.scid;
	s1 =	stileid.u32;
	s3 =	simm.s32 $0x0  }
0x6: {  	s14 =	simm.s32 $0x50;
	s15 =	simm.s32 $0x0;
	s7 =	smul.u32 $0x2800, s1  }
0x7: {  	s5 =	sand.u32 $0x1, s4;
	[smem:$0x7FF] =	sst s3;
	s10 =	smul.u32 $0x50000, s1  }
0x8: {  	s4 =	sadd.s32 $0x34600, s6;
	s12 =	smul.u32 $0x4E20, s1;
	s28 =	sshll.u32 s1, $0x6  }
0x9: {  	s8 =	smul.u32 $0x28000, s5;
	_ =	strace $0x8000004A;
	s11 =	ssub.s32 $0x2, s5  }
0xa: {  	s13 =	smul.u32 $0x2710, s5;
	s5 =	sadd.s32 $0x86E00, s6;
	s25 =	sshrl.u32 s11, $0x1  }
0xb: {  	s26 =	sshrl.u32 s10, $0x2;
	s7 =	sadd.s32 s7, s8;
	s8 =	ssub.s32 s11, s25  }
0xc: {  	s29 =	sadd.s32 s13, s12;
	s30 =	sadd.s32 s26, s2;
	s11 =	simm.s32 $0x1  }
0xd: {  	s12 =	simm.s32 $0x14080;
	s13 =	simm.s32 $0x14000;
	s7 =	sadd.s32 s7, s6  }
0xe: {  	s6 =	sor.u32 $0x1C01, s28;
	s31 =	sshrl.u32 s29, $0x3;
	s8 =	smax.u32 s8, $0x1  }
0xf: {  	s10 =	sshrl.u32 s30, $0x3;
	s7 =	sadd.s32 $0x87400, s7;
	s9 =	sadd.s32 s31, s9  }
.LBB2_1:
0x10: {  	[spmem:s10], [sflag:s6] =	dma.local [hbm:s4], $0x2800  }
0x11: {  	_ =	swait.ge [sflag:s11], $0x2800  }
0x12: {  	[sflag:s11] =	ssyncset.done $0x0  }
0x13: {  	[sflag:s11] =	ssyncadd.s32 $0xFFFFD800  }
0x14: {  	[tilespmem:s12], [sflag:$0x1] =	stream.linear.gather [hbm4b:s5+s3], $0x2800, $0x38;
	[tilespmem:$0x16880] =	vst v63  }
0x15: {  	_ =	swait.ge [sflag:s11], $0x2800  }
0x16: {  	[sflag:s11] =	ssyncset.done $0x0  }
0x17: {  	[sflag:s11] =	ssyncadd.s32 $0xFFFFD800  }
0x18: {  	s16 =	sadd.s32 $0x0, s9;
	[bflag:$0x0] =	sbarrier.arrive $0xFFFF  }
0x19: {  	[tilespmem:s13], [sflag:$0x1] =	stream.linear.gather [hbm4b:s16+s3], $0x50, $0x38;
	[tilespmem:$0x16880] =	vst v63  }
0x1a: {  	_ =	swait.ge [sflag:s11], $0x50  }
0x1b: {  	[sflag:s11] =	ssyncset.done $0x0  }
0x1c: {  	[sflag:s11] =	ssyncadd.s32 $0xFFFFFFB0  }
0x1d: {  	[spmem:s2] =	stream.indirect.scatter.add.f32 [tilespmem:s12], [sflag:$0x1], $0x80, s13, s14, $0xb8;
	[tilespmem:$0x16880] =	vst v63  }
0x1e: {  	_ =	swait.ge [sflag:s11], $0x2800  }
0x1f: {  	s17 =	simm.s32 $0x14;
	s16 =	simm.s32 $0xA;
	[sflag:s11] =	ssyncset.done $0x0  }
.LBB2_2:
0x20: {  	s18 =	sadd.s32 s16, s9  }
0x21: {  	[sflag:s11] =	ssyncadd.s32 $0xFFFFD800;
	s16 =	smov.u32 s17;
	s19 =	sadd.s32 $0xA, s17  }
0x22: {  	[tilespmem:s13], [sflag:$0x1] =	stream.linear.gather [hbm4b:s18+s3], $0x50, $0x38;
	[tilespmem:$0x16880] =	vst v63  }
0x23: {  	p0 =	sne.s32 s17, $0x4D8;
	_ =	swait.ge [sflag:s11], $0x50  }
.Ltmp0:
0x24: {  	[sflag:s11] =	ssyncset.done $0x0;
	(pc) =	sbr.rel @p0 .LBB2_2-.Ltmp0, $4  }
0x25: {  	[sflag:s11] =	ssyncadd.s32 $0xFFFFFFB0  }
0x26: {  	[spmem:s2] =	stream.indirect.scatter.add.f32 [tilespmem:s12], [sflag:$0x1], $0x80, s13, s14, $0xb8;
	[tilespmem:$0x16880] =	vst v63  }
0x27: {  	_ =	swait.ge [sflag:s11], $0x2800  }
0x28: {  	s17 =	smov.u32 s19;
	[sflag:s11] =	ssyncset.done $0x0  }
0x29: {  	s16 =	sadd.s32 s16, s9;
	[sflag:s11] =	ssyncadd.s32 $0xFFFFD800  }
0x2a: {  	[tilespmem:s13], [sflag:$0x1] =	stream.linear.gather [hbm4b:s16+s3], $0x50, $0x38;
	[tilespmem:$0x16880] =	vst v63  }
0x2b: {  	_ =	swait.ge [sflag:s11], $0x50  }
0x2c: {  	[sflag:s11] =	ssyncset.done $0x0  }
0x2d: {  	[sflag:s11] =	ssyncadd.s32 $0xFFFFFFB0  }
0x2e: {  	[spmem:s2] =	stream.indirect.scatter.add.f32 [tilespmem:s12], [sflag:$0x1], $0x80, s13, s14, $0xb8;
	[tilespmem:$0x16880] =	vst v63  }
0x2f: {  	_ =	swait.ge [sflag:s11], $0x2800  }
0x30: {  	s15 =	sadd.s32 $0x1, s15;
	[sflag:s11] =	ssyncset.done $0x0  }
0x31: {  	p0 =	sne.s32 s15, s8;
	[sflag:s11] =	ssyncadd.s32 $0xFFFFD800  }
.Ltmp1:
0x32: {  	[bflag:$0x0] =	sbarrier.arrive $0xFFFF;
	(pc) =	sbr.rel @p0 .LBB2_1-.Ltmp1, $4  }
0x33: {  	[hbm:s7], [sflag:s6] =	dma.local [spmem:s10], $0x2800  }
0x34: {  	_ =	swait.ge [sflag:s11], $0x2800  }
0x35: {  	[sflag:s11] =	ssyncset.done $0x0  }
0x36: {  	[sflag:s11] =	ssyncadd.s32 $0xFFFFD800  }
0x37: {  	_ =	sfence.sel $0x180000  }
0x38: {  	[bflag:$0x0] =	sbarrier.arrive $0xFFFF  }
0x39: {  	p0 =	sne.s32 s1, $0x0;
	_ =	strace $0x9000004A  }
0x3a: {  	s0 =	sadd.s32 @!p0 $0x100000, s0;
	[bflag:$0x2] =	sbarrier.arrive $0xFFFF  }
0x3b: {  	[sflag:s0] =	ssyncadd.tile.s32 @!p0 $0x1;
	_ =	shalt  }
.Lfunc_end2:
_tile_overlayer_lowered:
.L_overlay_start_2:
0x3c: {  	(tag) =	ssettag $0x2  }
0x3d: {  	s0 =	rddreg [dreg:$0x0];
	s2 =	stileid.u32  }
0x3e: {  	s1 =	rddreg [dreg:$0x1];
	p0 =	sne.s32 s2, $0x0  }
0x3f: {  	s3 =	rddreg [dreg:$0x2];
	[bflag:$0x3] =	sbarrier.arrive $0xFFFF;
	s2 =	simm.s32 @!p0 $0x1C01  }
0x40: {  	[timem:s3], [sflag:s2] =	dma.local @!p0 [hbm:s0], s1  }
0x41: {  	s0 =	simm.s32 @!p0 $0x1  }
0x42: {  	_ =	swait.ge @!p0 [sflag:s0], s1  }
0x43: {  	s1 =	ssub.s32 @!p0 $0x0, s1;
	[sflag:s0] =	ssyncset.done @!p0 $0x0  }
0x44: {  	[sflag:s0] =	ssyncadd.s32 @!p0 s1  }
0x45: {  	[bflag:$0x3] =	sbarrier.arrive $0xFFFF  }
0x46: {  	_ =	shalt  }

// kernel: kernel.16.cloned.1.call-start
scs
__scs_entry_jumppad:
0x0: {  	(pc) =	sbr.rel $0x88, $3  }
0x1: {  	(tag) =	ssettag $0x0;
	lr =	simm.s32 $0x1  }
0x2: {  	[smem:$0x3F90] =	sst lr;
	_ =	strace $0xD0000000  }
0x3: {  	_ = 	snop  }
0x4: {  	_ = 	snop  }
0x5: {  	_ = 	snop  }
0x6: {  	_ = 	snop  }
0x7: {  	_ = 	snop  }
__scs_overlays_trampoline_lowered:
0x8: {  	[smem:$0x3F9F] =	sst s0  }
0x9: {  	[smem:$0x3FA0] =	sst s1  }
0xa: {  	[smem:$0x3FA1] =	sst s2  }
0xb: {  	[smem:$0x3FA2] =	sst s3  }
0xc: {  	[smem:$0x3FA3] =	sst s4  }
0xd: {  	[smem:$0x3FA4] =	sst s5  }
0xe: {  	[smem:$0x3FA5] =	sst s6  }
0xf: {  	[smem:$0x3FA6] =	sst s7  }
0x10: {  	[smem:$0x3FA7] =	sst s8  }
0x11: {  	[smem:$0x3FA8] =	sst s9;
	s0 =	simm.s32 @!p0 $0x0  }
0x12: {  	s1 =	sld [smem:$0x3F8E];
	s0 =	simm.s32 @p0 $0x1  }
0x13: {  	[smem:$0x3FA9] =	sst s0;
	s0 =	simm.s32 @!p1 $0x0  }
0x14: {  	s2 =	sld [smem:$0x3F8D];
	s0 =	simm.s32 @p1 $0x1  }
0x15: {  	[smem:$0x3FAA] =	sst s0;
	s0 =	simm.s32 @!p2 $0x0  }
0x16: {  	s3 =	sld [smem:$0x3FDB];
	s0 =	simm.s32 @p2 $0x1  }
0x17: {  	s4 =	simm.s32 $0x1BF5;
	[smem:$0x3FAC] =	sst s0  }
0x18: {  	s0 =	sld [smem:$0x3F8F];
	_ =	swait.ge [sflag:s4], $0x0  }
0x19: {  	s7 =	sld [smem:$0x3F90]  }
0x1a: {  	s8 =	sadd.s32 $0xFFFFE003, lr  }
0x1b: {  	s9 =	sadd.s32 $0xFFFFFEF7, lr;
	s5 =	simm.s32 $0xFFFFFFFF;
	p2 =	slt.u32 s8, $0xFFFFF086  }
0x1c: {  	p1 =	slt.u32 s9, $0xF7A;
	s5 =	simm.s32 @!p2 $0x0  }
0x1d: {  	s5 =	simm.s32 @p1 $0x1;
	p0 =	seq.s32 s7, s2  }
0x1e: {  	s7 =	smul.u32 @!p0 $0xF7A, s2;
	p2 =	seq.s32 @!p0 s5, $0x0  }
0x1f: {  	s9 =	smul.u32 $0xF7A, s1;
	s8 =	simm.s32 @!p0 $0x1BF5;
	p2 =	por !p2, p0  }
0x20: {  	[sflag:s8] =	ssyncset.s32 @!p0 $0xFFFFF086;
	s6 =	sadd.s32 @!p0 s3, s7;
	s7 =	simm.s32 @!p0 $0x108  }
0x21: {  	s3 =	sadd.s32 s3, s9;
	s6 =	sadd.s32 @!p0 $0x88, s6;
	s7 =	simm.s32 @p2 $0x1082  }
0x22: {  	[simem:s7], [sflag:s8] =	dma.local @!p0 [hbm:s6], $0xF7A  }
0x23: {  	s9 =	sor.u32 $0xD0000000, s2;
	s6 =	simm.s32 $0x108;
	_ =	swait.ge @!p0 [sflag:s8], $0x0  }
0x24: {  	s3 =	sadd.s32 $0x88, s3;
	s6 =	simm.s32 @!p1 $0x1082;
	[sflag:s4] =	ssyncset.s32 $0xFFFFF086  }
0x25: {  	[simem:s6], [sflag:s4] =	dma.local [hbm:s3], $0xF7A  }
0x26: {  	[smem:$0x3F90] =	sst s1;
	(tag) =	ssettag s2;
	_ =	strace s9  }
0x27: {  	s1 =	sld [smem:$0x3FA0]  }
0x28: {  	s2 =	sld [smem:$0x3FA1]  }
0x29: {  	s4 =	sld [smem:$0x3FA3]  }
0x2a: {  	p0 =	seq.s32 s5, $0x0;
	s5 =	sld [smem:$0x3FA4]  }
0x2b: {  	s6 =	sld [smem:$0x3FA5]  }
0x2c: {  	s7 =	sld [smem:$0x3FA6]  }
0x2d: {  	s3 =	simm.s32 $0x108;
	s8 =	sld [smem:$0x3FA7]  }
0x2e: {  	s3 =	simm.s32 @!p0 $0x1082;
	s9 =	sld [smem:$0x3FA8]  }
0x2f: {  	lr =	sadd.s32 s0, s3;
	s0 =	sld [smem:$0x3F9F]  }
0x30: {  	s3 =	sld [smem:$0x3FA2]  }
0x31: {  	[smem:$0x3FAB] =	sst s10  }
0x32: {  	s10 =	sld [smem:$0x3FA9];
	_ =	sdelay $0x3  }
0x33: {  	p0 =	seq.s32 s10, $0x1;
	s10 =	sld [smem:$0x3FAB];
	_ =	sdelay $0x3  }
0x34: {  	[smem:$0x3FAB] =	sst s10  }
0x35: {  	s10 =	sld [smem:$0x3FAA];
	_ =	sdelay $0x3  }
0x36: {  	p1 =	seq.s32 s10, $0x1;
	s10 =	sld [smem:$0x3FAB];
	_ =	sdelay $0x3  }
0x37: {  	[smem:$0x3FAB] =	sst s10  }
0x38: {  	s10 =	sld [smem:$0x3FAC]  }
0x39: {  	_ = 	snop;
	(pc) =	sbr.ind lr, $3  }
0x3a: {  	_ = 	snop  }
0x3b: {  	_ = 	snop  }
0x3c: {  	p2 =	seq.s32 s10, $0x1;
	s10 =	sld [smem:$0x3FAB]  }
0x3d: {  	_ =	shalt  }
0x3e: {  	_ =	shalt  }
0x3f: {  	_ =	shalt  }
0x40: {  	_ =	shalt  }
0x41: {  	_ =	shalt  }
0x42: {  	_ =	shalt  }
0x43: {  	_ =	shalt  }
0x44: {  	_ =	shalt  }
0x45: {  	_ =	shalt  }
0x46: {  	_ =	shalt  }
0x47: {  	_ =	shalt  }
0x48: {  	_ =	shalt  }
0x49: {  	_ =	shalt  }
0x4a: {  	_ =	shalt  }
0x4b: {  	_ =	shalt  }
0x4c: {  	_ =	shalt  }
0x4d: {  	_ =	shalt  }
0x4e: {  	_ =	shalt  }
0x4f: {  	_ =	shalt  }
0x50: {  	_ =	shalt  }
0x51: {  	_ =	shalt  }
0x52: {  	_ =	shalt  }
0x53: {  	_ =	shalt  }
0x54: {  	_ =	shalt  }
0x55: {  	_ =	shalt  }
0x56: {  	_ =	shalt  }
0x57: {  	_ =	shalt  }
0x58: {  	_ =	shalt  }
0x59: {  	_ =	shalt  }
0x5a: {  	_ =	shalt  }
0x5b: {  	_ =	shalt  }
0x5c: {  	_ =	shalt  }
0x5d: {  	_ =	shalt  }
0x5e: {  	_ =	shalt  }
0x5f: {  	_ =	shalt  }
0x60: {  	_ =	shalt  }
0x61: {  	_ =	shalt  }
0x62: {  	_ =	shalt  }
0x63: {  	_ =	shalt  }
0x64: {  	_ =	shalt  }
0x65: {  	_ =	shalt  }
0x66: {  	_ =	shalt  }
0x67: {  	_ =	shalt  }
0x68: {  	_ =	shalt  }
0x69: {  	_ =	shalt  }
0x6a: {  	_ =	shalt  }
0x6b: {  	_ =	shalt  }
0x6c: {  	_ =	shalt  }
0x6d: {  	_ =	shalt  }
0x6e: {  	_ =	shalt  }
0x6f: {  	_ =	shalt  }
0x70: {  	_ =	shalt  }
0x71: {  	_ =	shalt  }
0x72: {  	_ =	shalt  }
0x73: {  	_ =	shalt  }
0x74: {  	_ =	shalt  }
0x75: {  	_ =	shalt  }
0x76: {  	_ =	shalt  }
0x77: {  	_ =	shalt  }
0x78: {  	_ =	shalt  }
0x79: {  	_ =	shalt  }
0x7a: {  	_ =	shalt  }
0x7b: {  	_ =	shalt  }
0x7c: {  	_ =	shalt  }
0x7d: {  	_ =	shalt  }
0x7e: {  	_ =	shalt  }
0x7f: {  	_ =	shalt  }
0x80: {  	_ =	shalt  }
0x81: {  	_ =	shalt  }
0x82: {  	_ =	shalt  }
0x83: {  	_ =	shalt  }
0x84: {  	_ =	shalt  }
0x85: {  	_ =	shalt  }
0x86: {  	_ =	shalt  }
0x87: {  	_ =	shalt  }
.Lfunc_end0:
.L_simem_size_0:
called_computation.2_lowered:
.L_overlay_start_0:
0x88: {  	s2 =	sld [smem:$0x3FD9]  }
0x89: {  	s3 =	sld [smem:$0x3FFE];
	_ =	sdelay $0x1  }
0x8a: {  	s1 =	srdreg.scid  }
0x8b: {  	s0 =	sand.u32 $0x1, s1  }
0x8c: {  	s17 =	sshll.u32 s0, $0xA;
	s2 =	sadd.s32 s3, s2  }
0x8d: {  	s2 =	sadd.s32 s2, s17  }
0x8e: {  	[smem:$0x3FB7] =	sst s2  }
0x8f: {  	_ = 	snop  }
0x90: {  	s2 =	sld [smem:$0x3FD0];
	(tm) =	ssettm $0x1  }
0x91: {  	s18 =	sld [smem:$0x3FFB];
	_ =	sdelay $0x3  }
0x92: {  	_ =	strace s18  }
0x93: {  	s3 =	sld [smem:$0x3FFC];
	_ =	sdelay $0x3  }
0x94: {  	_ =	strace s3  }
0x95: {  	s3 =	sld [smem:$0x3FFD];
	_ =	sdelay $0x3  }
0x96: {  	_ =	strace s3  }
0x97: {  	_ =	strace $0x8FFFFFFF  }
0x98: {  	s19 =	sld [smem:$0x3FDB];
	_ =	sdelay $0x1  }
0x99: {  	s4 =	simm.s32 $_scs_section_size  }
0x9a: {  	s5 =	simm.s32 $_size__tile_overlayer_lowered;
	s6 =	simm.s32 $_tile_overlayer_lowered  }
0x9b: {  	s22 =	simm.s32 $0x1BFF;
	s21 =	sshll.u32 s6, $0x1;
	s3 =	sadd.s32 s4, s19  }
0x9c: {  	s7 =	simm.s32 $0x0;
	s20 =	sshll.u32 s5, $0x1;
	s5 =	sadd.s32 s21, s3  }
0x9d: {  	[timem:s7], [sflag:s22] =	dma.local [hbm:s5], s20  }
0x9e: {  	_ =	swait.ge [sflag:s22], s20  }
0x9f: {  	s4 =	ssub.s32 $0x0, s20;
	[sflag:s22] =	ssyncset.done $0x0  }
0xa0: {  	[sflag:s22] =	ssyncadd.s32 s4;
	_ =	sdelay $0x1  }
0xa1: {  	s23 =	simm.s32 $0x1B8B  }
0xa2: {  	_ =	swait.ge [sflag:s23], $0x1  }
0xa3: {  	[sflag:s23] =	ssyncset.done $0x0  }
0xa4: {  	s25 =	simm.s32 $0x1B8E;
	s24 =	sld [smem:$0x3FFE];
	[sflag:s23] =	ssyncadd.s32 $0xFFFFFFFF  }
0xa5: {  	s26 =	simm.s32 $execute0_lowered;
	[smem:$0x3FD2] =	sst s25  }
0xa6: {  	s5 =	sshll.u32 s26, $0x1;
	_ =	strace $0x8000004C;
	[dreg:$0x1] =	wrdreg $0xFFFFFFFF  }
0xa7: {  	s28 =	simm.s32 $_size_execute0_lowered;
	s3 =	sadd.s32 s3, s5;
	[dreg:$0x0] =	wrdreg $0x0  }
0xa8: {  	s5 =	sshll.u32 s28, $0x1;
	[dreg:$0x2] =	wrdreg s3  }
0xa9: {  	[dreg:$0x3] =	wrdreg s5  }
0xaa: {  	[dreg:$0x4] =	wrdreg $0xC0  }
0xab: {  	_ =	task [dreg:s7], $0x5FFFF  }
0xac: {  	[dreg:$0x1] =	wrdreg $0xFFFFFFFF  }
0xad: {  	[dreg:$0x0] =	wrdreg $0x60  }
0xae: {  	[dreg:$0x2] =	wrdreg s24  }
0xaf: {  	[dreg:$0x3] =	wrdreg s2  }
0xb0: {  	[dreg:$0x4] =	wrdreg $0x0  }
0xb1: {  	[dreg:$0x5] =	wrdreg $0x9  }
0xb2: {  	_ =	task.clear_ibuf [dreg:s7], $0x6FFFF;
	_ =	strace $0x9000004C  }
0xb3: {  	s29 =	simm.s32 $0x9;
	_ =	strace $0x8000004E  }
0xb4: {  	_ =	swait.ge [sflag:s29], $0x1  }
0xb5: {  	[sflag:s29] =	ssyncadd.s32 $0xFFFFFFFF  }
0xb6: {  	_ =	strace $0x9000004E  }
0xb7: {  	_ =	sfence  }
0xb8: {  	s30 =	sld [smem:$0x0];
	_ =	sdelay $0x2  }
0xb9: {  	s31 =	sshll.u32 s1, $0xD;
	s1 =	sshrl.u32 s1, $0x2  }
0xba: {  	s3 =	sand.u32 $0x4000, s31;
	s1 =	sadd.s32 s1, s30  }
0xbb: {  	s0 =	sor.u32 s3, s0;
	s1 =	sshll.u32 s1, $0x11  }
0xbc: {  	s0 =	sor.u32 s1, s0  }
0xbd: {  	s0 =	sadd.s32 $0x8F2B, s0  }
0xbe: {  	[sflag:s0] =	ssyncadd.remote.s32 $0x1  }
0xbf: {  	_ =	sfence.sel $0xFFFF  }
0xc0: {  	[dreg:$0x0] =	wrdreg $0xFFFFFFFF;
	(pc) =	sbr.abs _section_cstart, $3  }
0xc1: {  	[dreg:$0x1] =	wrdreg $0xFFFFFFFF  }
0xc2: {  	_ =	task.clear_ibuf [dreg:s7], $0x2FFFF;
	_ =	strace $0x9FFFFFFF  }
0xc3: {  	(tm) =	ssettm $0x7FFFFFFF  }
tec
execute0_lowered:
.L_overlay_start_1:
0x0: {  	(tag) =	ssettag $0x1  }
0x1: {  	s0 =	rddreg [dreg:$0x0]  }
0x2: {  	s1 =	rddreg [dreg:$0x1]  }
0x3: {  	s2 =	rddreg [dreg:$0x2];
	s4 =	simm.s32 $0x0;
	s5 =	srdreg.scid  }
0x4: {  	s3 =	stileid.u32;
	s17 =	simm.s32 $0x3;
	s18 =	simm.s32 $0x14000  }
0x5: {  	s19 =	simm.s32 $0x14100;
	s20 =	simm.s32 $0x50;
	s21 =	simm.s32 $0x14200  }
0x6: {  	s22 =	simm.s32 $0x14080;
	s23 =	simm.s32 $0x14180;
	s28 =	simm.s32 $0x0  }
0x7: {  	[smem:$0x7FF] =	sst s4;
	s8 =	sand.u32 $0x1, s5;
	s9 =	smul.u32 $0x2800, s3  }
0x8: {  	s5 =	sadd.s32 $0xD400, s0;
	s7 =	sshll.u32 s3, $0x1;
	s12 =	smul.u32 $0x50000, s3  }
0x9: {  	s6 =	sadd.s32 $0x3600, s0;
	s24 =	sadd.s32 $0x34600, s0;
	s29 =	smul.u32 $0x4E20, s3  }
0xa: {  	s30 =	sshll.u32 s3, $0x6;
	_ =	strace $0x8000004D;
	s10 =	smul.u32 $0x28000, s8  }
0xb: {  	s11 =	sor.u32 s8, s7;
	[dreg:$0x4] =	wrdreg s24;
	s26 =	ssub.s32 $0x2, s8  }
0xc: {  	s14 =	smul.u32 $0x2710, s8;
	s8 =	sor.u32 $0x1C03, s30;
	s24 =	simm.s32 $0x16A00  }
0xd: {  	s25 =	smul.u32 $0x2710, s11;
	s13 =	sshrl.u32 s26, $0x1;
	s12 =	sshrl.u32 s12, $0x2  }
0xe: {  	s9 =	sadd.s32 s9, s10;
	s13 =	ssub.s32 s26, s13;
	s16 =	sadd.s32 s12, s2  }
0xf: {  	s14 =	sadd.s32 s14, s29;
	s26 =	simm.s32 $0x2;
	s0 =	sadd.s32 s9, s0  }
0x10: {  	s10 =	sshrl.u32 s25, $0x3;
	s15 =	sadd.s32 $0x50, s14;
	s12 =	smax.u32 s13, $0x1  }
0x11: {  	s13 =	sadd.s32 $0xA0, s14;
	s16 =	sshrl.u32 s16, $0x3;
	s25 =	simm.s32 $0x1  }
0x12: {  	s9 =	sadd.s32 s6, s10;
	s10 =	sadd.s32 s1, s10;
	s31 =	sshrl.u32 s15, $0x3  }
0x13: {  	s11 =	sadd.s32 $0x36E00, s0;
	s14 =	sadd.s32 s31, s1;
	s15 =	sadd.s32 s31, s6  }
.LBB2_1:
0x14: {  	s0 =	rddreg [dreg:$0x4]  }
0x15: {  	[spmem:s16], [sflag:s8] =	dma.local [hbm:s0], $0x2800  }
0x16: {  	_ =	swait.ge [sflag:s17], $0x2800  }
0x17: {  	[sflag:s17] =	ssyncset.done $0x0  }
0x18: {  	[sflag:s17] =	ssyncadd.s32 $0xFFFFD800  }
0x19: {  	[bflag:$0x0] =	sbarrier.arrive $0xFFFF  }
0x1a: {  	[tilespmem:s18], [sflag:$0x3] =	stream.linear.gather [hbm4b:s9+s4], $0x50, $0x38;
	[tilespmem:$0x19200] =	vst v63  }
0x1b: {  	_ =	swait.ge [sflag:s17], $0x50  }
0x1c: {  	[sflag:s17] =	ssyncset.done $0x0  }
0x1d: {  	[sflag:s17] =	ssyncadd.s32 $0xFFFFFFB0  }
0x1e: {  	[tilespmem:s19], [sflag:$0x3] =	stream.linear.gather [hbm4b:s10+s4], $0x50, $0x38;
	[tilespmem:$0x19200] =	vst v63  }
0x1f: {  	_ =	swait.ge [sflag:s17], $0x50  }
0x20: {  	[sflag:s17] =	ssyncset.done $0x0  }
0x21: {  	[sflag:s17] =	ssyncadd.s32 $0xFFFFFFB0  }
0x22: {  	[tilespmem:s21], [sflag:$0x1] =	stream.indirect.gather [hbm4b:s5+s20], $0x80, s18, s20, $0xb8;
	[tilespmem:$0x19200] =	vst v63  }
0x23: {  	s7 =	sadd.s32 $0x0, s15  }
0x24: {  	[tilespmem:s22], [sflag:$0x3] =	stream.linear.gather [hbm4b:s7+s4], $0x50, $0x38;
	[tilespmem:$0x19200] =	vst v63  }
0x25: {  	_ =	swait.ge [sflag:s17], $0x50  }
0x26: {  	[sflag:s17] =	ssyncset.done $0x0  }
0x27: {  	s3 =	sadd.s32 $0x0, s14;
	[sflag:s17] =	ssyncadd.s32 $0xFFFFFFB0  }
0x28: {  	[tilespmem:s23], [sflag:$0x3] =	stream.linear.gather [hbm4b:s3+s4], $0x50, $0x38;
	[tilespmem:$0x19200] =	vst v63  }
0x29: {  	_ =	swait.ge [sflag:s17], $0x50  }
0x2a: {  	[sflag:s17] =	ssyncset.done $0x0  }
0x2b: {  	[sflag:s17] =	ssyncadd.s32 $0xFFFFFFB0  }
0x2c: {  	[tilespmem:s24], [sflag:$0x2] =	stream.indirect.gather [hbm4b:s5+s20], $0x80, s22, s20, $0xb8;
	[tilespmem:$0x19200] =	vst v63  }
0x2d: {  	_ =	swait.ge [sflag:s25], $0x2800  }
0x2e: {  	[sflag:s25] =	ssyncset.done $0x0  }
0x2f: {  	[sflag:s25] =	ssyncadd.s32 $0xFFFFD800  }
0x30: {  	[spmem:s2] =	stream.indirect.scatter.add.f32 [tilespmem:s21], [sflag:$0x3], $0x80, s19, s20, $0xb8;
	[tilespmem:$0x19200] =	vst v63  }
0x31: {  	_ =	swait.ge [sflag:s17], $0x2800  }
0x32: {  	s7 =	sshrl.u32 s13, $0x3;
	[sflag:s17] =	ssyncset.done $0x0  }
0x33: {  	s29 =	sadd.s32 s6, s7;
	[sflag:s17] =	ssyncadd.s32 $0xFFFFD800  }
0x34: {  	[tilespmem:s18], [sflag:$0x3] =	stream.linear.gather [hbm4b:s29+s4], $0x50, $0x38;
	[tilespmem:$0x19200] =	vst v63  }
0x35: {  	_ =	swait.ge [sflag:s17], $0x50  }
0x36: {  	[sflag:s17] =	ssyncset.done $0x0  }
0x37: {  	s0 =	sadd.s32 s1, s7;
	[sflag:s17] =	ssyncadd.s32 $0xFFFFFFB0  }
0x38: {  	[tilespmem:s19], [sflag:$0x3] =	stream.linear.gather [hbm4b:s0+s4], $0x50, $0x38;
	[tilespmem:$0x19200] =	vst v63  }
0x39: {  	_ =	swait.ge [sflag:s17], $0x50  }
0x3a: {  	[sflag:s17] =	ssyncset.done $0x0  }
0x3b: {  	[sflag:s17] =	ssyncadd.s32 $0xFFFFFFB0  }
0x3c: {  	[tilespmem:s21], [sflag:$0x1] =	stream.indirect.gather [hbm4b:s5+s20], $0x80, s18, s20, $0xb8;
	[tilespmem:$0x19200] =	vst v63  }
0x3d: {  	_ =	swait.ge [sflag:s26], $0x2800  }
0x3e: {  	[sflag:s26] =	ssyncset.done $0x0  }
0x3f: {  	[sflag:s26] =	ssyncadd.s32 $0xFFFFD800  }
0x40: {  	[spmem:s2] =	stream.indirect.scatter.add.f32 [tilespmem:s24], [sflag:$0x3], $0x80, s23, s20, $0xb8;
	[tilespmem:$0x19200] =	vst v63  }
0x41: {  	s30 =	simm.s32 $0x14;
	_ =	swait.ge [sflag:s17], $0x2800  }
0x42: {  	s31 =	simm.s32 $0x28;
	s29 =	sadd.s32 $0xA0, s13;
	[sflag:s17] =	ssyncset.done $0x0  }
.LBB2_2:
0x43: {  	s3 =	sadd.s32 s30, s15  }
0x44: {  	[sflag:s17] =	ssyncadd.s32 $0xFFFFD800;
	s7 =	smov.u32 s31;
	s0 =	sadd.s32 $0x14, s31  }
0x45: {  	[tilespmem:s22], [sflag:$0x3] =	stream.linear.gather [hbm4b:s3+s4], $0x50, $0x38;
	[tilespmem:$0x19200] =	vst v63  }
0x46: {  	p0 =	sne.s32 s31, $0x4C4;
	_ =	swait.ge [sflag:s17], $0x50  }
0x47: {  	[sflag:s17] =	ssyncset.done $0x0  }
0x48: {  	s3 =	sadd.s32 s30, s14;
	s30 =	smov.u32 s7;
	[sflag:s17] =	ssyncadd.s32 $0xFFFFFFB0  }
0x49: {  	[tilespmem:s23], [sflag:$0x3] =	stream.linear.gather [hbm4b:s3+s4], $0x50, $0x38;
	[tilespmem:$0x19200] =	vst v63  }
0x4a: {  	_ =	swait.ge [sflag:s17], $0x50  }
0x4b: {  	[sflag:s17] =	ssyncset.done $0x0  }
0x4c: {  	[sflag:s17] =	ssyncadd.s32 $0xFFFFFFB0  }
0x4d: {  	[tilespmem:s24], [sflag:$0x2] =	stream.indirect.gather [hbm4b:s5+s20], $0x80, s22, s20, $0xb8;
	[tilespmem:$0x19200] =	vst v63  }
0x4e: {  	_ =	swait.ge [sflag:s25], $0x2800  }
0x4f: {  	[sflag:s25] =	ssyncset.done $0x0  }
0x50: {  	[sflag:s25] =	ssyncadd.s32 $0xFFFFD800  }
0x51: {  	[spmem:s2] =	stream.indirect.scatter.add.f32 [tilespmem:s21], [sflag:$0x3], $0x80, s19, s20, $0xb8;
	[tilespmem:$0x19200] =	vst v63  }
0x52: {  	_ =	swait.ge [sflag:s17], $0x2800  }
0x53: {  	s3 =	sshrl.u32 s29, $0x3;
	[sflag:s17] =	ssyncset.done $0x0  }
0x54: {  	s7 =	sadd.s32 s6, s3;
	[sflag:s17] =	ssyncadd.s32 $0xFFFFD800  }
0x55: {  	[tilespmem:s18], [sflag:$0x3] =	stream.linear.gather [hbm4b:s7+s4], $0x50, $0x38;
	[tilespmem:$0x19200] =	vst v63  }
0x56: {  	_ =	swait.ge [sflag:s17], $0x50  }
0x57: {  	[sflag:s17] =	ssyncset.done $0x0  }
0x58: {  	s3 =	sadd.s32 s1, s3;
	[sflag:s17] =	ssyncadd.s32 $0xFFFFFFB0  }
0x59: {  	[tilespmem:s19], [sflag:$0x3] =	stream.linear.gather [hbm4b:s3+s4], $0x50, $0x38;
	[tilespmem:$0x19200] =	vst v63  }
0x5a: {  	_ =	swait.ge [sflag:s17], $0x50  }
0x5b: {  	[sflag:s17] =	ssyncset.done $0x0  }
0x5c: {  	[sflag:s17] =	ssyncadd.s32 $0xFFFFFFB0  }
0x5d: {  	[tilespmem:s21], [sflag:$0x1] =	stream.indirect.gather [hbm4b:s5+s20], $0x80, s18, s20, $0xb8;
	[tilespmem:$0x19200] =	vst v63  }
0x5e: {  	_ =	swait.ge [sflag:s26], $0x2800  }
.Ltmp0:
0x5f: {  	[sflag:s26] =	ssyncset.done $0x0;
	(pc) =	sbr.rel @p0 .LBB2_2-.Ltmp0, $4  }
0x60: {  	[sflag:s26] =	ssyncadd.s32 $0xFFFFD800  }
0x61: {  	[spmem:s2] =	stream.indirect.scatter.add.f32 [tilespmem:s24], [sflag:$0x3], $0x80, s23, s20, $0xb8;
	[tilespmem:$0x19200] =	vst v63  }
0x62: {  	_ =	swait.ge [sflag:s17], $0x2800  }
0x63: {  	s31 =	smov.u32 s0;
	s29 =	sadd.s32 $0xA0, s29;
	[sflag:s17] =	ssyncset.done $0x0  }
0x64: {  	s0 =	sadd.s32 s30, s15;
	[sflag:s17] =	ssyncadd.s32 $0xFFFFD800  }
0x65: {  	[tilespmem:s22], [sflag:$0x3] =	stream.linear.gather [hbm4b:s0+s4], $0x50, $0x38;
	[tilespmem:$0x19200] =	vst v63  }
0x66: {  	_ =	swait.ge [sflag:s17], $0x50  }
0x67: {  	[sflag:s17] =	ssyncset.done $0x0  }
0x68: {  	s30 =	sadd.s32 s30, s14;
	[sflag:s17] =	ssyncadd.s32 $0xFFFFFFB0  }
0x69: {  	[tilespmem:s23], [sflag:$0x3] =	stream.linear.gather [hbm4b:s30+s4], $0x50, $0x38;
	[tilespmem:$0x19200] =	vst v63  }
0x6a: {  	_ =	swait.ge [sflag:s17], $0x50  }
0x6b: {  	[sflag:s17] =	ssyncset.done $0x0  }
0x6c: {  	[sflag:s17] =	ssyncadd.s32 $0xFFFFFFB0  }
0x6d: {  	[tilespmem:s24], [sflag:$0x2] =	stream.indirect.gather [hbm4b:s5+s20], $0x80, s22, s20, $0xb8;
	[tilespmem:$0x19200] =	vst v63  }
0x6e: {  	_ =	swait.ge [sflag:s25], $0x2800  }
0x6f: {  	[sflag:s25] =	ssyncset.done $0x0  }
0x70: {  	[sflag:s25] =	ssyncadd.s32 $0xFFFFD800  }
0x71: {  	[spmem:s2] =	stream.indirect.scatter.add.f32 [tilespmem:s21], [sflag:$0x3], $0x80, s19, s20, $0xb8;
	[tilespmem:$0x19200] =	vst v63  }
0x72: {  	_ =	swait.ge [sflag:s17], $0x2800  }
0x73: {  	s31 =	sshrl.u32 s29, $0x3;
	[sflag:s17] =	ssyncset.done $0x0  }
0x74: {  	s3 =	sadd.s32 s6, s31;
	[sflag:s17] =	ssyncadd.s32 $0xFFFFD800  }
0x75: {  	[tilespmem:s18], [sflag:$0x3] =	stream.linear.gather [hbm4b:s3+s4], $0x50, $0x38;
	[tilespmem:$0x19200] =	vst v63  }
0x76: {  	_ =	swait.ge [sflag:s17], $0x50  }
0x77: {  	[sflag:s17] =	ssyncset.done $0x0  }
0x78: {  	s0 =	sadd.s32 s1, s31;
	[sflag:s17] =	ssyncadd.s32 $0xFFFFFFB0  }
0x79: {  	[tilespmem:s19], [sflag:$0x3] =	stream.linear.gather [hbm4b:s0+s4], $0x50, $0x38;
	[tilespmem:$0x19200] =	vst v63  }
0x7a: {  	_ =	swait.ge [sflag:s17], $0x50  }
0x7b: {  	[sflag:s17] =	ssyncset.done $0x0  }
0x7c: {  	[sflag:s17] =	ssyncadd.s32 $0xFFFFFFB0  }
0x7d: {  	[tilespmem:s21], [sflag:$0x1] =	stream.indirect.gather [hbm4b:s5+s20], $0x80, s18, s20, $0xb8;
	[tilespmem:$0x19200] =	vst v63  }
0x7e: {  	_ =	swait.ge [sflag:s26], $0x2800  }
0x7f: {  	[sflag:s26] =	ssyncset.done $0x0  }
0x80: {  	[sflag:s26] =	ssyncadd.s32 $0xFFFFD800  }
0x81: {  	[spmem:s2] =	stream.indirect.scatter.add.f32 [tilespmem:s24], [sflag:$0x3], $0x80, s23, s20, $0xb8;
	[tilespmem:$0x19200] =	vst v63  }
0x82: {  	_ =	swait.ge [sflag:s17], $0x2800  }
0x83: {  	[sflag:s17] =	ssyncset.done $0x0  }
0x84: {  	[sflag:s17] =	ssyncadd.s32 $0xFFFFD800  }
0x85: {  	_ =	swait.ge [sflag:s25], $0x2800  }
0x86: {  	[sflag:s25] =	ssyncset.done $0x0  }
0x87: {  	[sflag:s25] =	ssyncadd.s32 $0xFFFFD800  }
0x88: {  	[spmem:s2] =	stream.indirect.scatter.add.f32 [tilespmem:s21], [sflag:$0x3], $0x80, s19, s20, $0xb8;
	[tilespmem:$0x19200] =	vst v63  }
0x89: {  	_ =	swait.ge [sflag:s17], $0x2800  }
0x8a: {  	s28 =	sadd.s32 $0x1, s28;
	[sflag:s17] =	ssyncset.done $0x0  }
0x8b: {  	p0 =	sne.s32 s28, s12;
	[sflag:s17] =	ssyncadd.s32 $0xFFFFD800  }
.Ltmp1:
0x8c: {  	[bflag:$0x0] =	sbarrier.arrive $0xFFFF;
	(pc) =	sbr.rel @p0 .LBB2_1-.Ltmp1, $4  }
0x8d: {  	[hbm:s11], [sflag:s8] =	dma.local [spmem:s16], $0x2800  }
0x8e: {  	_ =	swait.ge [sflag:s17], $0x2800  }
0x8f: {  	[sflag:s17] =	ssyncset.done $0x0  }
0x90: {  	[sflag:s17] =	ssyncadd.s32 $0xFFFFD800  }
0x91: {  	_ =	sfence.sel $0x180000  }
0x92: {  	[bflag:$0x0] =	sbarrier.arrive $0xFFFF  }
0x93: {  	_ =	strace $0x9000004D  }
0x94: {  	s0 =	stileid.u32;
	[bflag:$0x2] =	sbarrier.arrive $0xFFFF  }
0x95: {  	p0 =	sne.s32 s0, $0x0;
	s0 =	rddreg [dreg:$0x3]  }
0x96: {  	s0 =	sadd.s32 @!p0 $0x100000, s0  }
0x97: {  	[sflag:s0] =	ssyncadd.tile.s32 @!p0 $0x1;
	_ =	shalt  }
.Lfunc_end2:
_tile_overlayer_lowered:
.L_overlay_start_2:
0x98: {  	(tag) =	ssettag $0x2  }
0x99: {  	s0 =	rddreg [dreg:$0x0];
	s2 =	stileid.u32  }
0x9a: {  	s1 =	rddreg [dreg:$0x1];
	p0 =	sne.s32 s2, $0x0  }
0x9b: {  	s3 =	rddreg [dreg:$0x2];
	[bflag:$0x3] =	sbarrier.arrive $0xFFFF;
	s2 =	simm.s32 @!p0 $0x1C03  }
0x9c: {  	[timem:s3], [sflag:s2] =	dma.local @!p0 [hbm:s0], s1  }
0x9d: {  	s0 =	simm.s32 @!p0 $0x3  }
0x9e: {  	_ =	swait.ge @!p0 [sflag:s0], s1  }
0x9f: {  	s1 =	ssub.s32 @!p0 $0x0, s1;
	[sflag:s0] =	ssyncset.done @!p0 $0x0  }
0xa0: {  	[sflag:s0] =	ssyncadd.s32 @!p0 s1  }
0xa1: {  	[bflag:$0x3] =	sbarrier.arrive $0xFFFF  }
0xa2: {  	_ =	shalt  }

// kernel: kernel.19.cloned.1.call-start
scs
__scs_entry_jumppad:
0x0: {  	(pc) =	sbr.rel $0x88, $3  }
0x1: {  	(tag) =	ssettag $0x0;
	lr =	simm.s32 $0x1  }
0x2: {  	[smem:$0x3F90] =	sst lr;
	_ =	strace $0xD0000000  }
0x3: {  	_ = 	snop  }
0x4: {  	_ = 	snop  }
0x5: {  	_ = 	snop  }
0x6: {  	_ = 	snop  }
0x7: {  	_ = 	snop  }
__scs_overlays_trampoline_lowered:
0x8: {  	[smem:$0x3F9F] =	sst s0  }
0x9: {  	[smem:$0x3FA0] =	sst s1  }
0xa: {  	[smem:$0x3FA1] =	sst s2  }
0xb: {  	[smem:$0x3FA2] =	sst s3  }
0xc: {  	[smem:$0x3FA3] =	sst s4  }
0xd: {  	[smem:$0x3FA4] =	sst s5  }
0xe: {  	[smem:$0x3FA5] =	sst s6  }
0xf: {  	[smem:$0x3FA6] =	sst s7  }
0x10: {  	[smem:$0x3FA7] =	sst s8  }
0x11: {  	[smem:$0x3FA8] =	sst s9;
	s0 =	simm.s32 @!p0 $0x0  }
0x12: {  	s1 =	sld [smem:$0x3F8E];
	s0 =	simm.s32 @p0 $0x1  }
0x13: {  	[smem:$0x3FA9] =	sst s0;
	s0 =	simm.s32 @!p1 $0x0  }
0x14: {  	s2 =	sld [smem:$0x3F8D];
	s0 =	simm.s32 @p1 $0x1  }
0x15: {  	[smem:$0x3FAA] =	sst s0;
	s0 =	simm.s32 @!p2 $0x0  }
0x16: {  	s3 =	sld [smem:$0x3FDB];
	s0 =	simm.s32 @p2 $0x1  }
0x17: {  	s4 =	simm.s32 $0x1BF5;
	[smem:$0x3FAC] =	sst s0  }
0x18: {  	s0 =	sld [smem:$0x3F8F];
	_ =	swait.ge [sflag:s4], $0x0  }
0x19: {  	s7 =	sld [smem:$0x3F90]  }
0x1a: {  	s8 =	sadd.s32 $0xFFFFE003, lr  }
0x1b: {  	s9 =	sadd.s32 $0xFFFFFEF7, lr;
	s5 =	simm.s32 $0xFFFFFFFF;
	p2 =	slt.u32 s8, $0xFFFFF086  }
0x1c: {  	p1 =	slt.u32 s9, $0xF7A;
	s5 =	simm.s32 @!p2 $0x0  }
0x1d: {  	s5 =	simm.s32 @p1 $0x1;
	p0 =	seq.s32 s7, s2  }
0x1e: {  	s7 =	smul.u32 @!p0 $0xF7A, s2;
	p2 =	seq.s32 @!p0 s5, $0x0  }
0x1f: {  	s9 =	smul.u32 $0xF7A, s1;
	s8 =	simm.s32 @!p0 $0x1BF5;
	p2 =	por !p2, p0  }
0x20: {  	[sflag:s8] =	ssyncset.s32 @!p0 $0xFFFFF086;
	s6 =	sadd.s32 @!p0 s3, s7;
	s7 =	simm.s32 @!p0 $0x108  }
0x21: {  	s3 =	sadd.s32 s3, s9;
	s6 =	sadd.s32 @!p0 $0x88, s6;
	s7 =	simm.s32 @p2 $0x1082  }
0x22: {  	[simem:s7], [sflag:s8] =	dma.local @!p0 [hbm:s6], $0xF7A  }
0x23: {  	s9 =	sor.u32 $0xD0000000, s2;
	s6 =	simm.s32 $0x108;
	_ =	swait.ge @!p0 [sflag:s8], $0x0  }
0x24: {  	s3 =	sadd.s32 $0x88, s3;
	s6 =	simm.s32 @!p1 $0x1082;
	[sflag:s4] =	ssyncset.s32 $0xFFFFF086  }
0x25: {  	[simem:s6], [sflag:s4] =	dma.local [hbm:s3], $0xF7A  }
0x26: {  	[smem:$0x3F90] =	sst s1;
	(tag) =	ssettag s2;
	_ =	strace s9  }
0x27: {  	s1 =	sld [smem:$0x3FA0]  }
0x28: {  	s2 =	sld [smem:$0x3FA1]  }
0x29: {  	s4 =	sld [smem:$0x3FA3]  }
0x2a: {  	p0 =	seq.s32 s5, $0x0;
	s5 =	sld [smem:$0x3FA4]  }
0x2b: {  	s6 =	sld [smem:$0x3FA5]  }
0x2c: {  	s7 =	sld [smem:$0x3FA6]  }
0x2d: {  	s3 =	simm.s32 $0x108;
	s8 =	sld [smem:$0x3FA7]  }
0x2e: {  	s3 =	simm.s32 @!p0 $0x1082;
	s9 =	sld [smem:$0x3FA8]  }
0x2f: {  	lr =	sadd.s32 s0, s3;
	s0 =	sld [smem:$0x3F9F]  }
0x30: {  	s3 =	sld [smem:$0x3FA2]  }
0x31: {  	[smem:$0x3FAB] =	sst s10  }
0x32: {  	s10 =	sld [smem:$0x3FA9];
	_ =	sdelay $0x3  }
0x33: {  	p0 =	seq.s32 s10, $0x1;
	s10 =	sld [smem:$0x3FAB];
	_ =	sdelay $0x3  }
0x34: {  	[smem:$0x3FAB] =	sst s10  }
0x35: {  	s10 =	sld [smem:$0x3FAA];
	_ =	sdelay $0x3  }
0x36: {  	p1 =	seq.s32 s10, $0x1;
	s10 =	sld [smem:$0x3FAB];
	_ =	sdelay $0x3  }
0x37: {  	[smem:$0x3FAB] =	sst s10  }
0x38: {  	s10 =	sld [smem:$0x3FAC]  }
0x39: {  	_ = 	snop;
	(pc) =	sbr.ind lr, $3  }
0x3a: {  	_ = 	snop  }
0x3b: {  	_ = 	snop  }
0x3c: {  	p2 =	seq.s32 s10, $0x1;
	s10 =	sld [smem:$0x3FAB]  }
0x3d: {  	_ =	shalt  }
0x3e: {  	_ =	shalt  }
0x3f: {  	_ =	shalt  }
0x40: {  	_ =	shalt  }
0x41: {  	_ =	shalt  }
0x42: {  	_ =	shalt  }
0x43: {  	_ =	shalt  }
0x44: {  	_ =	shalt  }
0x45: {  	_ =	shalt  }
0x46: {  	_ =	shalt  }
0x47: {  	_ =	shalt  }
0x48: {  	_ =	shalt  }
0x49: {  	_ =	shalt  }
0x4a: {  	_ =	shalt  }
0x4b: {  	_ =	shalt  }
0x4c: {  	_ =	shalt  }
0x4d: {  	_ =	shalt  }
0x4e: {  	_ =	shalt  }
0x4f: {  	_ =	shalt  }
0x50: {  	_ =	shalt  }
0x51: {  	_ =	shalt  }
0x52: {  	_ =	shalt  }
0x53: {  	_ =	shalt  }
0x54: {  	_ =	shalt  }
0x55: {  	_ =	shalt  }
0x56: {  	_ =	shalt  }
0x57: {  	_ =	shalt  }
0x58: {  	_ =	shalt  }
0x59: {  	_ =	shalt  }
0x5a: {  	_ =	shalt  }
0x5b: {  	_ =	shalt  }
0x5c: {  	_ =	shalt  }
0x5d: {  	_ =	shalt  }
0x5e: {  	_ =	shalt  }
0x5f: {  	_ =	shalt  }
0x60: {  	_ =	shalt  }
0x61: {  	_ =	shalt  }
0x62: {  	_ =	shalt  }
0x63: {  	_ =	shalt  }
0x64: {  	_ =	shalt  }
0x65: {  	_ =	shalt  }
0x66: {  	_ =	shalt  }
0x67: {  	_ =	shalt  }
0x68: {  	_ =	shalt  }
0x69: {  	_ =	shalt  }
0x6a: {  	_ =	shalt  }
0x6b: {  	_ =	shalt  }
0x6c: {  	_ =	shalt  }
0x6d: {  	_ =	shalt  }
0x6e: {  	_ =	shalt  }
0x6f: {  	_ =	shalt  }
0x70: {  	_ =	shalt  }
0x71: {  	_ =	shalt  }
0x72: {  	_ =	shalt  }
0x73: {  	_ =	shalt  }
0x74: {  	_ =	shalt  }
0x75: {  	_ =	shalt  }
0x76: {  	_ =	shalt  }
0x77: {  	_ =	shalt  }
0x78: {  	_ =	shalt  }
0x79: {  	_ =	shalt  }
0x7a: {  	_ =	shalt  }
0x7b: {  	_ =	shalt  }
0x7c: {  	_ =	shalt  }
0x7d: {  	_ =	shalt  }
0x7e: {  	_ =	shalt  }
0x7f: {  	_ =	shalt  }
0x80: {  	_ =	shalt  }
0x81: {  	_ =	shalt  }
0x82: {  	_ =	shalt  }
0x83: {  	_ =	shalt  }
0x84: {  	_ =	shalt  }
0x85: {  	_ =	shalt  }
0x86: {  	_ =	shalt  }
0x87: {  	_ =	shalt  }
.Lfunc_end0:
.L_simem_size_0:
called_computation.3_lowered:
.L_overlay_start_0:
0x88: {  	s2 =	sld [smem:$0x3FD9]  }
0x89: {  	s3 =	sld [smem:$0x3FFE];
	_ =	sdelay $0x1  }
0x8a: {  	s1 =	srdreg.scid  }
0x8b: {  	s0 =	sand.u32 $0x1, s1  }
0x8c: {  	s17 =	sshll.u32 s0, $0xA;
	s2 =	sadd.s32 s3, s2  }
0x8d: {  	s2 =	sadd.s32 s2, s17  }
0x8e: {  	[smem:$0x3FB7] =	sst s2  }
0x8f: {  	_ = 	snop  }
0x90: {  	s2 =	sld [smem:$0x3FD0];
	(tm) =	ssettm $0x1  }
0x91: {  	s18 =	sld [smem:$0x3FFB];
	_ =	sdelay $0x3  }
0x92: {  	_ =	strace s18  }
0x93: {  	s3 =	sld [smem:$0x3FFC];
	_ =	sdelay $0x3  }
0x94: {  	_ =	strace s3  }
0x95: {  	s3 =	sld [smem:$0x3FFD];
	_ =	sdelay $0x3  }
0x96: {  	_ =	strace s3  }
0x97: {  	_ =	strace $0x8FFFFFFF  }
0x98: {  	s19 =	sld [smem:$0x3FDB];
	_ =	sdelay $0x1  }
0x99: {  	s4 =	simm.s32 $_scs_section_size  }
0x9a: {  	s5 =	simm.s32 $_size__tile_overlayer_lowered;
	s6 =	simm.s32 $_tile_overlayer_lowered  }
0x9b: {  	s22 =	simm.s32 $0x1BFF;
	s21 =	sshll.u32 s6, $0x1;
	s3 =	sadd.s32 s4, s19  }
0x9c: {  	s7 =	simm.s32 $0x0;
	s20 =	sshll.u32 s5, $0x1;
	s5 =	sadd.s32 s21, s3  }
0x9d: {  	[timem:s7], [sflag:s22] =	dma.local [hbm:s5], s20  }
0x9e: {  	_ =	swait.ge [sflag:s22], s20  }
0x9f: {  	s4 =	ssub.s32 $0x0, s20;
	[sflag:s22] =	ssyncset.done $0x0  }
0xa0: {  	[sflag:s22] =	ssyncadd.s32 s4;
	_ =	sdelay $0x1  }
0xa1: {  	s23 =	simm.s32 $0x1B8B  }
0xa2: {  	_ =	swait.ge [sflag:s23], $0x1  }
0xa3: {  	[sflag:s23] =	ssyncset.done $0x0  }
0xa4: {  	s25 =	simm.s32 $0x1B8E;
	s24 =	sld [smem:$0x3FFE];
	[sflag:s23] =	ssyncadd.s32 $0xFFFFFFFF  }
0xa5: {  	s26 =	simm.s32 $execute0_lowered;
	[smem:$0x3FD2] =	sst s25  }
0xa6: {  	s5 =	sshll.u32 s26, $0x1;
	_ =	strace $0x8000004F;
	[dreg:$0x1] =	wrdreg $0xFFFFFFFF  }
0xa7: {  	s28 =	simm.s32 $_size_execute0_lowered;
	s3 =	sadd.s32 s3, s5;
	[dreg:$0x0] =	wrdreg $0x0  }
0xa8: {  	s5 =	sshll.u32 s28, $0x1;
	[dreg:$0x2] =	wrdreg s3  }
0xa9: {  	[dreg:$0x3] =	wrdreg s5  }
0xaa: {  	[dreg:$0x4] =	wrdreg $0xC0  }
0xab: {  	_ =	task [dreg:s7], $0x5FFFF  }
0xac: {  	[dreg:$0x1] =	wrdreg $0xFFFFFFFF  }
0xad: {  	[dreg:$0x0] =	wrdreg $0x60  }
0xae: {  	[dreg:$0x2] =	wrdreg s24  }
0xaf: {  	[dreg:$0x3] =	wrdreg s2  }
0xb0: {  	[dreg:$0x4] =	wrdreg $0x0  }
0xb1: {  	[dreg:$0x5] =	wrdreg $0x9  }
0xb2: {  	_ =	task.clear_ibuf [dreg:s7], $0x6FFFF;
	_ =	strace $0x9000004F  }
0xb3: {  	s29 =	simm.s32 $0x9;
	_ =	strace $0x80000051  }
0xb4: {  	_ =	swait.ge [sflag:s29], $0x1  }
0xb5: {  	[sflag:s29] =	ssyncadd.s32 $0xFFFFFFFF  }
0xb6: {  	_ =	strace $0x90000051  }
0xb7: {  	_ =	sfence  }
0xb8: {  	s30 =	sld [smem:$0x0];
	_ =	sdelay $0x2  }
0xb9: {  	s31 =	sshll.u32 s1, $0xD;
	s1 =	sshrl.u32 s1, $0x2  }
0xba: {  	s3 =	sand.u32 $0x4000, s31;
	s1 =	sadd.s32 s1, s30  }
0xbb: {  	s0 =	sor.u32 s3, s0;
	s1 =	sshll.u32 s1, $0x11  }
0xbc: {  	s0 =	sor.u32 s1, s0  }
0xbd: {  	s0 =	sadd.s32 $0x8F2B, s0  }
0xbe: {  	[sflag:s0] =	ssyncadd.remote.s32 $0x1  }
0xbf: {  	_ =	sfence.sel $0xFFFF  }
0xc0: {  	[dreg:$0x0] =	wrdreg $0xFFFFFFFF;
	(pc) =	sbr.abs _section_cstart, $3  }
0xc1: {  	[dreg:$0x1] =	wrdreg $0xFFFFFFFF  }
0xc2: {  	_ =	task.clear_ibuf [dreg:s7], $0x2FFFF;
	_ =	strace $0x9FFFFFFF  }
0xc3: {  	(tm) =	ssettm $0x7FFFFFFF  }
tec
execute0_lowered:
.L_overlay_start_1:
0x0: {  	(tag) =	ssettag $0x1  }
0x1: {  	s0 =	rddreg [dreg:$0x0]  }
0x2: {  	s1 =	rddreg [dreg:$0x1]  }
0x3: {  	s2 =	rddreg [dreg:$0x2];
	s4 =	simm.s32 $0x0;
	s5 =	srdreg.scid  }
0x4: {  	s3 =	stileid.u32;
	s17 =	simm.s32 $0x3;
	s18 =	simm.s32 $0x14000  }
0x5: {  	s19 =	simm.s32 $0x14100;
	s20 =	simm.s32 $0x50;
	s21 =	simm.s32 $0x14200  }
0x6: {  	s22 =	simm.s32 $0x14080;
	s23 =	simm.s32 $0x14180;
	s28 =	simm.s32 $0x0  }
0x7: {  	[smem:$0x7FF] =	sst s4;
	s8 =	sand.u32 $0x1, s5;
	s9 =	smul.u32 $0x2800, s3  }
0x8: {  	s5 =	sadd.s32 $0xD400, s0;
	s7 =	sshll.u32 s3, $0x1;
	s12 =	smul.u32 $0x50000, s3  }
0x9: {  	s6 =	sadd.s32 $0x3600, s0;
	s24 =	sadd.s32 $0x34600, s0;
	s29 =	smul.u32 $0x4E20, s3  }
0xa: {  	s30 =	sshll.u32 s3, $0x6;
	_ =	strace $0x80000050;
	s10 =	smul.u32 $0x28000, s8  }
0xb: {  	s11 =	sor.u32 s8, s7;
	[dreg:$0x4] =	wrdreg s24;
	s26 =	ssub.s32 $0x2, s8  }
0xc: {  	s14 =	smul.u32 $0x2710, s8;
	s8 =	sor.u32 $0x1C03, s30;
	s24 =	simm.s32 $0x16A00  }
0xd: {  	s25 =	smul.u32 $0x2710, s11;
	s13 =	sshrl.u32 s26, $0x1;
	s12 =	sshrl.u32 s12, $0x2  }
0xe: {  	s9 =	sadd.s32 s9, s10;
	s13 =	ssub.s32 s26, s13;
	s16 =	sadd.s32 s12, s2  }
0xf: {  	s14 =	sadd.s32 s14, s29;
	s26 =	simm.s32 $0x2;
	s0 =	sadd.s32 s9, s0  }
0x10: {  	s10 =	sshrl.u32 s25, $0x3;
	s15 =	sadd.s32 $0x50, s14;
	s12 =	smax.u32 s13, $0x1  }
0x11: {  	s13 =	sadd.s32 $0xA0, s14;
	s16 =	sshrl.u32 s16, $0x3;
	s25 =	simm.s32 $0x1  }
0x12: {  	s9 =	sadd.s32 s6, s10;
	s10 =	sadd.s32 s1, s10;
	s31 =	sshrl.u32 s15, $0x3  }
0x13: {  	s11 =	sadd.s32 $0x36E00, s0;
	s14 =	sadd.s32 s31, s1;
	s15 =	sadd.s32 s31, s6  }
.LBB2_1:
0x14: {  	s0 =	rddreg [dreg:$0x4]  }
0x15: {  	[spmem:s16], [sflag:s8] =	dma.local [hbm:s0], $0x2800  }
0x16: {  	_ =	swait.ge [sflag:s17], $0x2800  }
0x17: {  	[sflag:s17] =	ssyncset.done $0x0  }
0x18: {  	[sflag:s17] =	ssyncadd.s32 $0xFFFFD800  }
0x19: {  	[bflag:$0x0] =	sbarrier.arrive $0xFFFF  }
0x1a: {  	[tilespmem:s18], [sflag:$0x3] =	stream.linear.gather [hbm4b:s9+s4], $0x50, $0x38;
	[tilespmem:$0x19200] =	vst v63  }
0x1b: {  	_ =	swait.ge [sflag:s17], $0x50  }
0x1c: {  	[sflag:s17] =	ssyncset.done $0x0  }
0x1d: {  	[sflag:s17] =	ssyncadd.s32 $0xFFFFFFB0  }
0x1e: {  	[tilespmem:s19], [sflag:$0x3] =	stream.linear.gather [hbm4b:s10+s4], $0x50, $0x38;
	[tilespmem:$0x19200] =	vst v63  }
0x1f: {  	_ =	swait.ge [sflag:s17], $0x50  }
0x20: {  	[sflag:s17] =	ssyncset.done $0x0  }
0x21: {  	[sflag:s17] =	ssyncadd.s32 $0xFFFFFFB0  }
0x22: {  	[tilespmem:s21], [sflag:$0x1] =	stream.indirect.gather [hbm4b:s5+s20], $0x80, s18, s20, $0xb8;
	[tilespmem:$0x19200] =	vst v63  }
0x23: {  	s7 =	sadd.s32 $0x0, s15  }
0x24: {  	[tilespmem:s22], [sflag:$0x3] =	stream.linear.gather [hbm4b:s7+s4], $0x50, $0x38;
	[tilespmem:$0x19200] =	vst v63  }
0x25: {  	_ =	swait.ge [sflag:s17], $0x50  }
0x26: {  	[sflag:s17] =	ssyncset.done $0x0  }
0x27: {  	s3 =	sadd.s32 $0x0, s14;
	[sflag:s17] =	ssyncadd.s32 $0xFFFFFFB0  }
0x28: {  	[tilespmem:s23], [sflag:$0x3] =	stream.linear.gather [hbm4b:s3+s4], $0x50, $0x38;
	[tilespmem:$0x19200] =	vst v63  }
0x29: {  	_ =	swait.ge [sflag:s17], $0x50  }
0x2a: {  	[sflag:s17] =	ssyncset.done $0x0  }
0x2b: {  	[sflag:s17] =	ssyncadd.s32 $0xFFFFFFB0  }
0x2c: {  	[tilespmem:s24], [sflag:$0x2] =	stream.indirect.gather [hbm4b:s5+s20], $0x80, s22, s20, $0xb8;
	[tilespmem:$0x19200] =	vst v63  }
0x2d: {  	_ =	swait.ge [sflag:s25], $0x2800  }
0x2e: {  	[sflag:s25] =	ssyncset.done $0x0  }
0x2f: {  	[sflag:s25] =	ssyncadd.s32 $0xFFFFD800  }
0x30: {  	[spmem:s2] =	stream.indirect.scatter.add.f32 [tilespmem:s21], [sflag:$0x3], $0x80, s19, s20, $0xb8;
	[tilespmem:$0x19200] =	vst v63  }
0x31: {  	_ =	swait.ge [sflag:s17], $0x2800  }
0x32: {  	s7 =	sshrl.u32 s13, $0x3;
	[sflag:s17] =	ssyncset.done $0x0  }
0x33: {  	s29 =	sadd.s32 s6, s7;
	[sflag:s17] =	ssyncadd.s32 $0xFFFFD800  }
0x34: {  	[tilespmem:s18], [sflag:$0x3] =	stream.linear.gather [hbm4b:s29+s4], $0x50, $0x38;
	[tilespmem:$0x19200] =	vst v63  }
0x35: {  	_ =	swait.ge [sflag:s17], $0x50  }
0x36: {  	[sflag:s17] =	ssyncset.done $0x0  }
0x37: {  	s0 =	sadd.s32 s1, s7;
	[sflag:s17] =	ssyncadd.s32 $0xFFFFFFB0  }
0x38: {  	[tilespmem:s19], [sflag:$0x3] =	stream.linear.gather [hbm4b:s0+s4], $0x50, $0x38;
	[tilespmem:$0x19200] =	vst v63  }
0x39: {  	_ =	swait.ge [sflag:s17], $0x50  }
0x3a: {  	[sflag:s17] =	ssyncset.done $0x0  }
0x3b: {  	[sflag:s17] =	ssyncadd.s32 $0xFFFFFFB0  }
0x3c: {  	[tilespmem:s21], [sflag:$0x1] =	stream.indirect.gather [hbm4b:s5+s20], $0x80, s18, s20, $0xb8;
	[tilespmem:$0x19200] =	vst v63  }
0x3d: {  	_ =	swait.ge [sflag:s26], $0x2800  }
0x3e: {  	[sflag:s26] =	ssyncset.done $0x0  }
0x3f: {  	[sflag:s26] =	ssyncadd.s32 $0xFFFFD800  }
0x40: {  	[spmem:s2] =	stream.indirect.scatter.add.f32 [tilespmem:s24], [sflag:$0x3], $0x80, s23, s20, $0xb8;
	[tilespmem:$0x19200] =	vst v63  }
0x41: {  	s30 =	simm.s32 $0x14;
	_ =	swait.ge [sflag:s17], $0x2800  }
0x42: {  	s31 =	simm.s32 $0x28;
	s29 =	sadd.s32 $0xA0, s13;
	[sflag:s17] =	ssyncset.done $0x0  }
.LBB2_2:
0x43: {  	s3 =	sadd.s32 s30, s15  }
0x44: {  	[sflag:s17] =	ssyncadd.s32 $0xFFFFD800;
	s7 =	smov.u32 s31;
	s0 =	sadd.s32 $0x14, s31  }
0x45: {  	[tilespmem:s22], [sflag:$0x3] =	stream.linear.gather [hbm4b:s3+s4], $0x50, $0x38;
	[tilespmem:$0x19200] =	vst v63  }
0x46: {  	p0 =	sne.s32 s31, $0x4C4;
	_ =	swait.ge [sflag:s17], $0x50  }
0x47: {  	[sflag:s17] =	ssyncset.done $0x0  }
0x48: {  	s3 =	sadd.s32 s30, s14;
	s30 =	smov.u32 s7;
	[sflag:s17] =	ssyncadd.s32 $0xFFFFFFB0  }
0x49: {  	[tilespmem:s23], [sflag:$0x3] =	stream.linear.gather [hbm4b:s3+s4], $0x50, $0x38;
	[tilespmem:$0x19200] =	vst v63  }
0x4a: {  	_ =	swait.ge [sflag:s17], $0x50  }
0x4b: {  	[sflag:s17] =	ssyncset.done $0x0  }
0x4c: {  	[sflag:s17] =	ssyncadd.s32 $0xFFFFFFB0  }
0x4d: {  	[tilespmem:s24], [sflag:$0x2] =	stream.indirect.gather [hbm4b:s5+s20], $0x80, s22, s20, $0xb8;
	[tilespmem:$0x19200] =	vst v63  }
0x4e: {  	_ =	swait.ge [sflag:s25], $0x2800  }
0x4f: {  	[sflag:s25] =	ssyncset.done $0x0  }
0x50: {  	[sflag:s25] =	ssyncadd.s32 $0xFFFFD800  }
0x51: {  	[spmem:s2] =	stream.indirect.scatter.add.f32 [tilespmem:s21], [sflag:$0x3], $0x80, s19, s20, $0xb8;
	[tilespmem:$0x19200] =	vst v63  }
0x52: {  	_ =	swait.ge [sflag:s17], $0x2800  }
0x53: {  	s3 =	sshrl.u32 s29, $0x3;
	[sflag:s17] =	ssyncset.done $0x0  }
0x54: {  	s7 =	sadd.s32 s6, s3;
	[sflag:s17] =	ssyncadd.s32 $0xFFFFD800  }
0x55: {  	[tilespmem:s18], [sflag:$0x3] =	stream.linear.gather [hbm4b:s7+s4], $0x50, $0x38;
	[tilespmem:$0x19200] =	vst v63  }
0x56: {  	_ =	swait.ge [sflag:s17], $0x50  }
0x57: {  	[sflag:s17] =	ssyncset.done $0x0  }
0x58: {  	s3 =	sadd.s32 s1, s3;
	[sflag:s17] =	ssyncadd.s32 $0xFFFFFFB0  }
0x59: {  	[tilespmem:s19], [sflag:$0x3] =	stream.linear.gather [hbm4b:s3+s4], $0x50, $0x38;
	[tilespmem:$0x19200] =	vst v63  }
0x5a: {  	_ =	swait.ge [sflag:s17], $0x50  }
0x5b: {  	[sflag:s17] =	ssyncset.done $0x0  }
0x5c: {  	[sflag:s17] =	ssyncadd.s32 $0xFFFFFFB0  }
0x5d: {  	[tilespmem:s21], [sflag:$0x1] =	stream.indirect.gather [hbm4b:s5+s20], $0x80, s18, s20, $0xb8;
	[tilespmem:$0x19200] =	vst v63  }
0x5e: {  	_ =	swait.ge [sflag:s26], $0x2800  }
.Ltmp0:
0x5f: {  	[sflag:s26] =	ssyncset.done $0x0;
	(pc) =	sbr.rel @p0 .LBB2_2-.Ltmp0, $4  }
0x60: {  	[sflag:s26] =	ssyncadd.s32 $0xFFFFD800  }
0x61: {  	[spmem:s2] =	stream.indirect.scatter.add.f32 [tilespmem:s24], [sflag:$0x3], $0x80, s23, s20, $0xb8;
	[tilespmem:$0x19200] =	vst v63  }
0x62: {  	_ =	swait.ge [sflag:s17], $0x2800  }
0x63: {  	s31 =	smov.u32 s0;
	s29 =	sadd.s32 $0xA0, s29;
	[sflag:s17] =	ssyncset.done $0x0  }
0x64: {  	s0 =	sadd.s32 s30, s15;
	[sflag:s17] =	ssyncadd.s32 $0xFFFFD800  }
0x65: {  	[tilespmem:s22], [sflag:$0x3] =	stream.linear.gather [hbm4b:s0+s4], $0x50, $0x38;
	[tilespmem:$0x19200] =	vst v63  }
0x66: {  	_ =	swait.ge [sflag:s17], $0x50  }
0x67: {  	[sflag:s17] =	ssyncset.done $0x0  }
0x68: {  	s30 =	sadd.s32 s30, s14;
	[sflag:s17] =	ssyncadd.s32 $0xFFFFFFB0  }
0x69: {  	[tilespmem:s23], [sflag:$0x3] =	stream.linear.gather [hbm4b:s30+s4], $0x50, $0x38;
	[tilespmem:$0x19200] =	vst v63  }
0x6a: {  	_ =	swait.ge [sflag:s17], $0x50  }
0x6b: {  	[sflag:s17] =	ssyncset.done $0x0  }
0x6c: {  	[sflag:s17] =	ssyncadd.s32 $0xFFFFFFB0  }
0x6d: {  	[tilespmem:s24], [sflag:$0x2] =	stream.indirect.gather [hbm4b:s5+s20], $0x80, s22, s20, $0xb8;
	[tilespmem:$0x19200] =	vst v63  }
0x6e: {  	_ =	swait.ge [sflag:s25], $0x2800  }
0x6f: {  	[sflag:s25] =	ssyncset.done $0x0  }
0x70: {  	[sflag:s25] =	ssyncadd.s32 $0xFFFFD800  }
0x71: {  	[spmem:s2] =	stream.indirect.scatter.add.f32 [tilespmem:s21], [sflag:$0x3], $0x80, s19, s20, $0xb8;
	[tilespmem:$0x19200] =	vst v63  }
0x72: {  	_ =	swait.ge [sflag:s17], $0x2800  }
0x73: {  	s31 =	sshrl.u32 s29, $0x3;
	[sflag:s17] =	ssyncset.done $0x0  }
0x74: {  	s3 =	sadd.s32 s6, s31;
	[sflag:s17] =	ssyncadd.s32 $0xFFFFD800  }
0x75: {  	[tilespmem:s18], [sflag:$0x3] =	stream.linear.gather [hbm4b:s3+s4], $0x50, $0x38;
	[tilespmem:$0x19200] =	vst v63  }
0x76: {  	_ =	swait.ge [sflag:s17], $0x50  }
0x77: {  	[sflag:s17] =	ssyncset.done $0x0  }
0x78: {  	s0 =	sadd.s32 s1, s31;
	[sflag:s17] =	ssyncadd.s32 $0xFFFFFFB0  }
0x79: {  	[tilespmem:s19], [sflag:$0x3] =	stream.linear.gather [hbm4b:s0+s4], $0x50, $0x38;
	[tilespmem:$0x19200] =	vst v63  }
0x7a: {  	_ =	swait.ge [sflag:s17], $0x50  }
0x7b: {  	[sflag:s17] =	ssyncset.done $0x0  }
0x7c: {  	[sflag:s17] =	ssyncadd.s32 $0xFFFFFFB0  }
0x7d: {  	[tilespmem:s21], [sflag:$0x1] =	stream.indirect.gather [hbm4b:s5+s20], $0x80, s18, s20, $0xb8;
	[tilespmem:$0x19200] =	vst v63  }
0x7e: {  	_ =	swait.ge [sflag:s26], $0x2800  }
0x7f: {  	[sflag:s26] =	ssyncset.done $0x0  }
0x80: {  	[sflag:s26] =	ssyncadd.s32 $0xFFFFD800  }
0x81: {  	[spmem:s2] =	stream.indirect.scatter.add.f32 [tilespmem:s24], [sflag:$0x3], $0x80, s23, s20, $0xb8;
	[tilespmem:$0x19200] =	vst v63  }
0x82: {  	_ =	swait.ge [sflag:s17], $0x2800  }
0x83: {  	[sflag:s17] =	ssyncset.done $0x0  }
0x84: {  	[sflag:s17] =	ssyncadd.s32 $0xFFFFD800  }
0x85: {  	_ =	swait.ge [sflag:s25], $0x2800  }
0x86: {  	[sflag:s25] =	ssyncset.done $0x0  }
0x87: {  	[sflag:s25] =	ssyncadd.s32 $0xFFFFD800  }
0x88: {  	[spmem:s2] =	stream.indirect.scatter.add.f32 [tilespmem:s21], [sflag:$0x3], $0x80, s19, s20, $0xb8;
	[tilespmem:$0x19200] =	vst v63  }
0x89: {  	_ =	swait.ge [sflag:s17], $0x2800  }
0x8a: {  	s28 =	sadd.s32 $0x1, s28;
	[sflag:s17] =	ssyncset.done $0x0  }
0x8b: {  	p0 =	sne.s32 s28, s12;
	[sflag:s17] =	ssyncadd.s32 $0xFFFFD800  }
.Ltmp1:
0x8c: {  	[bflag:$0x0] =	sbarrier.arrive $0xFFFF;
	(pc) =	sbr.rel @p0 .LBB2_1-.Ltmp1, $4  }
0x8d: {  	[hbm:s11], [sflag:s8] =	dma.local [spmem:s16], $0x2800  }
0x8e: {  	_ =	swait.ge [sflag:s17], $0x2800  }
0x8f: {  	[sflag:s17] =	ssyncset.done $0x0  }
0x90: {  	[sflag:s17] =	ssyncadd.s32 $0xFFFFD800  }
0x91: {  	_ =	sfence.sel $0x180000  }
0x92: {  	[bflag:$0x0] =	sbarrier.arrive $0xFFFF  }
0x93: {  	_ =	strace $0x90000050  }
0x94: {  	s0 =	stileid.u32;
	[bflag:$0x2] =	sbarrier.arrive $0xFFFF  }
0x95: {  	p0 =	sne.s32 s0, $0x0;
	s0 =	rddreg [dreg:$0x3]  }
0x96: {  	s0 =	sadd.s32 @!p0 $0x100000, s0  }
0x97: {  	[sflag:s0] =	ssyncadd.tile.s32 @!p0 $0x1;
	_ =	shalt  }
.Lfunc_end2:
_tile_overlayer_lowered:
.L_overlay_start_2:
0x98: {  	(tag) =	ssettag $0x2  }
0x99: {  	s0 =	rddreg [dreg:$0x0];
	s2 =	stileid.u32  }
0x9a: {  	s1 =	rddreg [dreg:$0x1];
	p0 =	sne.s32 s2, $0x0  }
0x9b: {  	s3 =	rddreg [dreg:$0x2];
	[bflag:$0x3] =	sbarrier.arrive $0xFFFF;
	s2 =	simm.s32 @!p0 $0x1C03  }
0x9c: {  	[timem:s3], [sflag:s2] =	dma.local @!p0 [hbm:s0], s1  }
0x9d: {  	s0 =	simm.s32 @!p0 $0x3  }
0x9e: {  	_ =	swait.ge @!p0 [sflag:s0], s1  }
0x9f: {  	s1 =	ssub.s32 @!p0 $0x0, s1;
	[sflag:s0] =	ssyncset.done @!p0 $0x0  }
0xa0: {  	[sflag:s0] =	ssyncadd.s32 @!p0 s1  }
0xa1: {  	[bflag:$0x3] =	sbarrier.arrive $0xFFFF  }
0xa2: {  	_ =	shalt  }

</sc_bundles>
